<compile_context>
chip_gen: v7x
topology: tpu7x:2x2x1
jax: 0.10.2.dev20260603
libtpu: 0.0.44.dev20260713+nightly
codegen_flags: <defaults>
</compile_context>

<pallas_src>
import functools

import numpy as np

import jax
import jax.numpy as jnp
from jax import lax
from jax.experimental import pallas as pl
from jax.experimental.pallas import tpu as pltpu
from jax.experimental.pallas import tpu_sc as plsc

N = 10000
E = 320000
D = 128
H = 64
L = 16
NS = 16
NP = 10112
EP = 330240
EB = 48
EPT = EP // NS
BPT = EPT // EB
CH = 10
CHE = CH * EB
NCH = BPT // CH
RPT = NP // NS
BLK = 632
_I0 = np.int32(0)


def _tables_body(x_ref, w_ref, ts0_ref, ts1_ref, td_ref):
    xb = x_ref[...]
    wb = w_ref[...]
    a1 = jnp.dot(xb, wb[:D, :], preferred_element_type=jnp.float32)
    ts0_ref[:, :H] = a1[:, :H]
    ts0_ref[:, H:] = xb[:, :H]
    ts1_ref[:, :H] = a1[:, H:]
    ts1_ref[:, H:] = xb[:, H:]
    td_ref[...] = jnp.dot(xb, wb[D:, :], preferred_element_type=jnp.float32)


def _build_tables(x_pad, W):
    nb = NP // BLK
    return pl.pallas_call(
        _tables_body,
        grid=(nb,),
        in_specs=[
            pl.BlockSpec((BLK, D), lambda i: (i, _I0)),
            pl.BlockSpec((2 * D, D), lambda i: (_I0, _I0)),
        ],
        out_specs=[
            pl.BlockSpec((BLK, D), lambda i: (i, _I0)),
            pl.BlockSpec((BLK, D), lambda i: (i, _I0)),
            pl.BlockSpec((BLK, D), lambda i: (i, _I0)),
        ],
        out_shape=[
            jax.ShapeDtypeStruct((NP, D), jnp.float32),
            jax.ShapeDtypeStruct((NP, D), jnp.float32),
            jax.ShapeDtypeStruct((NP, D), jnp.float32),
        ],
    )(x_pad, W)


def _sc_edge_body(ts_hbm, td_hbm, src_hbm, dst_hbm, dist_hbm, zeros_hbm,
                  out_hbm, acc, src_chunk, dst_chunk, dist_chunk, src_off,
                  buf_src, buf_dst, out_buf, sem_g, sem_sc, sem_ch):
    c = lax.axis_index("c")
    s = lax.axis_index("s")
    rows = pl.ds(s * jnp.int32(RPT), RPT)
    pltpu.sync_copy(zeros_hbm.at[rows], acc.at[rows])
    plsc.subcore_barrier()

    tile_base = s * jnp.int32(EPT)
    table_off = c * jnp.int32(NP)
    chalf = c * jnp.int32(H)
    i1 = jnp.int32(1)

    def launch_chunk(g, slot):
        base = tile_base + g * jnp.int32(CHE)
        cslice = pl.ds(slot * jnp.int32(CHE), CHE)
        pltpu.async_copy(src_hbm.at[pl.ds(base, CHE)], src_chunk.at[cslice],
                         sem_ch.at[slot])
        pltpu.async_copy(dist_hbm.at[pl.ds(base, CHE)], dist_chunk.at[cslice],
                         sem_ch.at[slot])
        for q in range(CH):
            pltpu.async_copy(
                dst_hbm.at[pl.ds(base + jnp.int32(q * EB), EB)],
                dst_chunk.at[slot, np.int32(q)], sem_ch.at[slot])

    def launch_gather(b1, r1, s1, bi1):
        off = s1 * jnp.int32(CHE) + bi1 * jnp.int32(EB)
        for j in range(EB // L):
            sl = pl.ds(j * L, L)
            src_off[r1, sl] = src_chunk[pl.ds(off + jnp.int32(j * L), L)] \
                + table_off
        pltpu.async_copy(ts_hbm.at[src_off.at[r1]], buf_src.at[r1],
                         sem_g.at[r1])
        pltpu.async_copy(td_hbm.at[dst_chunk.at[s1, bi1]], buf_dst.at[r1],
                         sem_g.at[r1])

    def compute(r, slot, bi):
        off = slot * jnp.int32(CHE) + bi * jnp.int32(EB)

        def edge_body(e, ecarry):
            dsp = plsc.load_gather(
                dist_chunk, [jnp.full((L,), off + e, jnp.int32)])
            for j in range(H // L):
                sl = pl.ds(j * L, L)
                sh = pl.ds(H + j * L, L)
                z = buf_src[r, e, sl] + buf_dst[r, e, pl.ds(chalf + jnp.int32(j * L), L)]
                ex = jnp.exp(jnp.maximum(z, 0.25 * z) * dsp)
                out_buf[r, e, sl] = ex
                out_buf[r, e, sh] = ex * buf_src[r, e, sh]
            return ecarry

        lax.fori_loop(jnp.int32(0), jnp.int32(1), edge_body, 0)

    launch_chunk(jnp.int32(0), _I0)
    for _q in range(3):
        pltpu.make_async_copy(src_hbm.at[pl.ds(0, CHE)],
                              src_chunk.at[pl.ds(0, CHE)],
                              sem_ch.at[_I0]).wait()
    launch_gather(jnp.int32(0), _I0, _I0, jnp.int32(0))

    def batch_body(b, carry):
        r = jnp.bitwise_and(b, i1)
        b1 = b + i1
        r1 = jnp.bitwise_and(b1, i1)
        bi = lax.rem(b, jnp.int32(CH))
        slot = jnp.bitwise_and(lax.div(b, jnp.int32(CH)), i1)
        bi1 = lax.rem(b1, jnp.int32(CH))
        s1 = jnp.bitwise_and(lax.div(b1, jnp.int32(CH)), i1)

        @pl.when(jnp.logical_and(bi == jnp.int32(CH - 1), b1 < jnp.int32(BPT)))
        def _():
            for _q in range(3):
                pltpu.make_async_copy(src_hbm.at[pl.ds(0, CHE)],
                                      src_chunk.at[pl.ds(0, CHE)],
                                      sem_ch.at[s1]).wait()

        @pl.when(b1 < jnp.int32(BPT))
        def _():
            launch_gather(b1, r1, s1, bi1)

        @pl.when(b >= jnp.int32(2))
        def _():
            pltpu.make_async_copy(out_buf.at[r], acc.at[dst_chunk.at[_I0, _I0]],
                                  sem_sc.at[r]).wait()

        @pl.when(jnp.logical_and(bi == i1, b < jnp.int32(BPT - CH)))
        def _():
            launch_chunk(lax.div(b, jnp.int32(CH)) + i1, i1 - slot)

        pltpu.make_async_copy(ts_hbm.at[src_off.at[r]], buf_src.at[r],
                              sem_g.at[r]).wait()
        pltpu.make_async_copy(td_hbm.at[dst_chunk.at[_I0, _I0]],
                              buf_dst.at[r], sem_g.at[r]).wait()
        compute(r, slot, bi)
        pltpu.async_copy(out_buf.at[r], acc.at[dst_chunk.at[slot, bi]],
                         sem_sc.at[r], add=True)
        return carry

    lax.fori_loop(jnp.int32(0), jnp.int32(BPT), batch_body, 0)

    def drain_body(rb, carry):
        pltpu.make_async_copy(out_buf.at[rb], acc.at[dst_chunk.at[_I0, _I0]],
                              sem_sc.at[rb]).wait()
        return carry

    lax.fori_loop(jnp.int32(0), jnp.int32(2), drain_body, 0)
    plsc.subcore_barrier()
    pltpu.sync_copy(
        acc.at[rows],
        out_hbm.at[pl.ds(c * jnp.int32(NP) + s * jnp.int32(RPT), RPT)])


_sc_edge_pass = functools.partial(
    pl.kernel,
    out_type=jax.ShapeDtypeStruct((2 * NP, D), jnp.float32),
    mesh=plsc.VectorSubcoreMesh(core_axis_name="c", subcore_axis_name="s"),
    compiler_params=pltpu.CompilerParams(needs_layout_passes=False),
    scratch_types=[
        pltpu.VMEM_SHARED((NP, D), jnp.float32),
        pltpu.VMEM((2 * CHE,), jnp.int32),
        pltpu.VMEM((2, CH, EB), jnp.int32),
        pltpu.VMEM((2 * CHE,), jnp.float32),
        pltpu.VMEM((2, EB), jnp.int32),
        pltpu.VMEM((2, EB, D), jnp.float32),
        pltpu.VMEM((2, EB, D), jnp.float32),
        pltpu.VMEM((2, EB, D), jnp.float32),
        pltpu.SemaphoreType.DMA((2,)),
        pltpu.SemaphoreType.DMA((2,)),
        pltpu.SemaphoreType.DMA((2,)),
    ],
)(_sc_edge_body)


def _finalize_body(a_ref, b_ref, o_ref):
    o_ref[:, :H] = jnp.maximum(a_ref[:, H:] / (a_ref[:, :H] + 1e-9), 0.0)
    o_ref[:, H:] = jnp.maximum(b_ref[:, H:] / (b_ref[:, :H] + 1e-9), 0.0)


def _finalize(acc):
    nb = NP // BLK
    return pl.pallas_call(
        _finalize_body,
        grid=(nb,),
        in_specs=[
            pl.BlockSpec((BLK, D), lambda i: (i, _I0)),
            pl.BlockSpec((BLK, D), lambda i: (nb + i, _I0)),
        ],
        out_specs=pl.BlockSpec((BLK, D), lambda i: (i, _I0)),
        out_shape=jax.ShapeDtypeStruct((NP, D), jnp.float32),
    )(acc, acc)


def kernel(x, edge_index, dist, W):
    x = x.astype(jnp.float32)
    W = W.astype(jnp.float32)
    src = edge_index[0].astype(jnp.int32)
    dst = edge_index[1].astype(jnp.int32)
    dist = dist.astype(jnp.float32)

    x_pad = jnp.zeros((NP, D), jnp.float32).at[:N, :].set(x)
    pad = EP - E
    src_p = jnp.concatenate([src, jnp.zeros((pad,), jnp.int32)])
    dst_p = jnp.concatenate([dst, jnp.full((pad,), N, jnp.int32)])
    dist_p = jnp.concatenate([dist, jnp.zeros((pad,), jnp.float32)])

    ts0, ts1, td = _build_tables(x_pad, W)
    ts = jnp.concatenate([ts0, ts1], axis=0)
    zeros = jnp.zeros((NP, D), jnp.float32)
    acc = _sc_edge_pass(ts, td, src_p, dst_p, dist_p, zeros)
    out = _finalize(acc)
    return out[:N]

# --- scband reference (transcript-rebuilt; emitter-appended) ---
"""Pipeline reference for scband-seq2-seq-13623636263349 (READ-ONLY COPY).

The authoritative reference and input builder live on the scoring server;
editing this copy changes nothing except your own understanding.
"""

import jax, jax.numpy as jnp
import numpy as np
jax.config.update('jax_enable_x64', True)

N = 10000
E = 320000
D = 128

def setup_inputs(seed: int = 0) -> dict:
    key = jax.random.key(seed)
    k1, k2, k3, k4 = jax.random.split(key, 4)
    x = jax.random.normal(k1, (N, D), dtype=jnp.float32)
    edge_index = jax.random.randint(k2, (2, E), 0, N, dtype=jnp.int64)
    dist = jax.random.uniform(k3, (E,), dtype=jnp.float32)
    # learned parameter of the GAT block: weight with shape (2*hidden, hidden)
    W = jax.random.normal(k4, (2 * D, D), dtype=jnp.float32) * 0.05
    return {"x": x, "edge_index": edge_index, "dist": dist, "W": W}

def reference(x, edge_index, dist, W):
    # GAT message passing (msg_edge + msg_reduce) from the Seq2Seq model.
    src = edge_index[0]
    dst = edge_index[1]
    n = x.shape[0]
    h_src = jnp.take(x, src, axis=0)            # gather src states [E, D]
    h_dst = jnp.take(x, dst, axis=0)            # gather dst states [E, D]
    state = jnp.concatenate([h_src, h_dst], axis=-1)  # [E, 2D]
    # msg_edge: alpha = LeakyReLU(state @ W) * dist  (mxnet LeakyReLU slope=0.25)
    alpha = jax.nn.leaky_relu(state @ W, negative_slope=0.25)
    alpha = alpha * dist[:, None]
    # msg_reduce: softmax over incoming edges per destination node (segment softmax)
    amax = jax.ops.segment_max(alpha, dst, num_segments=n)
    amax = jnp.where(jnp.isfinite(amax), amax, 0.0)
    ex = jnp.exp(alpha - jnp.take(amax, dst, axis=0))
    denom = jax.ops.segment_sum(ex, dst, num_segments=n)
    attn = ex / (jnp.take(denom, dst, axis=0) + 1e-9)
    # weighted sum of source states, then relu
    out = jax.ops.segment_sum(attn * h_src, dst, num_segments=n)
    return jax.nn.relu(out)

if __name__ == "__main__":
    import jax
    _d = setup_inputs()
    print(jax.jit(kernel)(*tuple(_d.values())))

</pallas_src>

<mosaic_0001>
#map = affine_map<(d0, d1) -> (0, 0)>
#map1 = affine_map<(d0, d1) -> (0)>
module attributes {stable_mosaic.version = 14 : i64} {
  func.func @_sc_edge_body(%arg0: i32, %arg1: i32, %arg2: memref<20224x128xf32, #tpu.memory_space<hbm>>, %arg3: memref<10112x128xf32, #tpu.memory_space<hbm>>, %arg4: memref<330240xi32, #tpu.memory_space<hbm>>, %arg5: memref<330240xi32, #tpu.memory_space<hbm>>, %arg6: memref<330240xf32, #tpu.memory_space<hbm>>, %arg7: memref<10112x128xf32, #tpu.memory_space<hbm>>, %arg8: memref<20224x128xf32, #tpu.memory_space<hbm>>, %arg9: memref<10112x128xf32, #tpu.memory_space<vmem_shared>>, %arg10: memref<960xi32, #tpu.memory_space<vmem>>, %arg11: memref<2x10x48xi32, #tpu.memory_space<vmem>>, %arg12: memref<960xf32, #tpu.memory_space<vmem>>, %arg13: memref<2x48xi32, #tpu.memory_space<vmem>>, %arg14: memref<2x48x128xf32, #tpu.memory_space<vmem>>, %arg15: memref<2x48x128xf32, #tpu.memory_space<vmem>>, %arg16: memref<2x48x128xf32, #tpu.memory_space<vmem>>, %arg17: memref<2x!tpu.dma_semaphore, #tpu.memory_space<semaphore_mem>>, %arg18: memref<2x!tpu.dma_semaphore, #tpu.memory_space<semaphore_mem>>, %arg19: memref<2x!tpu.dma_semaphore, #tpu.memory_space<semaphore_mem>>) attributes {dimension_semantics = [#tpu.dimension_semantics<core_parallel>, #tpu.dimension_semantics<subcore_parallel>], iteration_bounds = array<i64: 2, 16>, scalar_prefetch = 0 : i64, scratch_operands = 11 : i64, tpu.core_type = #tpu.core_type<sc_vector_subcore>, window_params = [{transform_indices = #map}, {transform_indices = #map}, {transform_indices = #map1}, {transform_indices = #map1}, {transform_indices = #map1}, {transform_indices = #map}, {transform_indices = #map}]} {
    %mul3A = arith.constant 632 : i32
    %mul3A_0 = arith.muli %arg1, %mul3A : i32
    "tpu.region"() ({
      %run_scoped3A = tpu.sem_alloc : memref<!tpu.dma_semaphore, #tpu.memory_space<semaphore_mem>>
      %dma_start3A_302 = arith.constant 0 : i32
      %dma_start3A_303 = tpu.memref_slice %arg9[%mul3A_0, %dma_start3A_302] : memref<10112x128xf32, #tpu.memory_space<vmem_shared>> -> memref<632x128xf32, #tpu.memory_space<vmem_shared>>
      %dma_start3A_304 = arith.constant 0 : i32
      %dma_start3A_305 = tpu.memref_slice %arg7[%mul3A_0, %dma_start3A_304] : memref<10112x128xf32, #tpu.memory_space<hbm>> -> memref<632x128xf32, #tpu.memory_space<hbm>>
      tpu.enqueue_dma source(%dma_start3A_305 : memref<632x128xf32, #tpu.memory_space<hbm>>) target(%dma_start3A_303 : memref<632x128xf32, #tpu.memory_space<vmem_shared>>) target_semaphore(%run_scoped3A : memref<!tpu.dma_semaphore, #tpu.memory_space<semaphore_mem>>)
      %dma_wait3A_306 = arith.constant 0 : i32
      %dma_wait3A_307 = tpu.memref_slice %arg9[%mul3A_0, %dma_wait3A_306] : memref<10112x128xf32, #tpu.memory_space<vmem_shared>> -> memref<632x128xf32, #tpu.memory_space<vmem_shared>>
      %dma_wait3A_308 = arith.constant 0 : i32
      %dma_wait3A_309 = tpu.memref_slice %arg7[%mul3A_0, %dma_wait3A_308] : memref<10112x128xf32, #tpu.memory_space<hbm>> -> memref<632x128xf32, #tpu.memory_space<hbm>>
      tpu.wait_dma2 semaphore(%run_scoped3A : memref<!tpu.dma_semaphore, #tpu.memory_space<semaphore_mem>>) src(%dma_wait3A_309 : memref<632x128xf32, #tpu.memory_space<hbm>>) dst(%dma_wait3A_307 : memref<632x128xf32, #tpu.memory_space<vmem_shared>>)
      tpu.yield
    }) : () -> ()
    %barrier3A = arith.constant 0 : index
    tpu.barrier barrier_id(%barrier3A)
    %mul3A_1 = arith.constant 20640 : i32
    %mul3A_2 = arith.muli %arg1, %mul3A_1 : i32
    %mul3A_3 = arith.constant 10112 : i32
    %mul3A_4 = arith.muli %arg0, %mul3A_3 : i32
    %mul3A_5 = arith.constant 64 : i32
    %mul3A_6 = arith.muli %arg0, %mul3A_5 : i32
    %mul3A_7 = arith.constant 0 : i32
    %mul3A_8 = arith.constant 480 : i32
    %mul3A_9 = arith.muli %mul3A_7, %mul3A_8 : i32
    %add3A = arith.addi %mul3A_2, %mul3A_9 : i32
    %mul3A_10 = arith.constant 0 : i32
    %mul3A_11 = arith.constant 480 : i32
    %mul3A_12 = arith.muli %mul3A_10, %mul3A_11 : i32
    %dma_start3A = arith.constant 0 : i32
    %dma_start3A_13 = tpu.memref_slice %arg10[%mul3A_12] : memref<960xi32, #tpu.memory_space<vmem>> -> memref<480xi32, #tpu.memory_space<vmem>>
    %dma_start3A_14 = tpu.memref_slice %arg4[%add3A] : memref<330240xi32, #tpu.memory_space<hbm>> -> memref<480xi32, #tpu.memory_space<hbm>>
    %dma_start3A_15 = tpu.memref_slice %arg19[%dma_start3A] : memref<2x!tpu.dma_semaphore, #tpu.memory_space<semaphore_mem>> -> memref<1x!tpu.dma_semaphore, #tpu.memory_space<semaphore_mem>>
    %dma_start3A_16 = tpu.memref_squeeze %dma_start3A_15 : memref<1x!tpu.dma_semaphore, #tpu.memory_space<semaphore_mem>> -> memref<!tpu.dma_semaphore, #tpu.memory_space<semaphore_mem>>
    %dma_start3A_17 = tpu.memref_slice %arg10[%mul3A_12] : memref<960xi32, #tpu.memory_space<vmem>> -> memref<480xi32, #tpu.memory_space<vmem>>
    %dma_start3A_18 = tpu.memref_slice %arg4[%add3A] : memref<330240xi32, #tpu.memory_space<hbm>> -> memref<480xi32, #tpu.memory_space<hbm>>
    tpu.enqueue_dma source(%dma_start3A_18 : memref<480xi32, #tpu.memory_space<hbm>>) target(%dma_start3A_17 : memref<480xi32, #tpu.memory_space<vmem>>) target_semaphore(%dma_start3A_16 : memref<!tpu.dma_semaphore, #tpu.memory_space<semaphore_mem>>)
    %dma_start3A_19 = arith.constant 0 : i32
    %dma_start3A_20 = tpu.memref_slice %arg12[%mul3A_12] : memref<960xf32, #tpu.memory_space<vmem>> -> memref<480xf32, #tpu.memory_space<vmem>>
    %dma_start3A_21 = tpu.memref_slice %arg6[%add3A] : memref<330240xf32, #tpu.memory_space<hbm>> -> memref<480xf32, #tpu.memory_space<hbm>>
    %dma_start3A_22 = tpu.memref_slice %arg19[%dma_start3A_19] : memref<2x!tpu.dma_semaphore, #tpu.memory_space<semaphore_mem>> -> memref<1x!tpu.dma_semaphore, #tpu.memory_space<semaphore_mem>>
    %dma_start3A_23 = tpu.memref_squeeze %dma_start3A_22 : memref<1x!tpu.dma_semaphore, #tpu.memory_space<semaphore_mem>> -> memref<!tpu.dma_semaphore, #tpu.memory_space<semaphore_mem>>
    %dma_start3A_24 = tpu.memref_slice %arg12[%mul3A_12] : memref<960xf32, #tpu.memory_space<vmem>> -> memref<480xf32, #tpu.memory_space<vmem>>
    %dma_start3A_25 = tpu.memref_slice %arg6[%add3A] : memref<330240xf32, #tpu.memory_space<hbm>> -> memref<480xf32, #tpu.memory_space<hbm>>
    tpu.enqueue_dma source(%dma_start3A_25 : memref<480xf32, #tpu.memory_space<hbm>>) target(%dma_start3A_24 : memref<480xf32, #tpu.memory_space<vmem>>) target_semaphore(%dma_start3A_23 : memref<!tpu.dma_semaphore, #tpu.memory_space<semaphore_mem>>)
    %add3A_26 = arith.constant 0 : i32
    %add3A_27 = arith.addi %add3A, %add3A_26 : i32
    %dma_start3A_28 = arith.constant 0 : i32
    %dma_start3A_29 = arith.constant 0 : i32
    %dma_start3A_30 = arith.constant 0 : i32
    %dma_start3A_31 = arith.constant 0 : i32
    %dma_start3A_32 = tpu.memref_slice %arg11[%dma_start3A_28, %dma_start3A_29, %dma_start3A_31] : memref<2x10x48xi32, #tpu.memory_space<vmem>> -> memref<1x1x48xi32, #tpu.memory_space<vmem>>
    %dma_start3A_33 = tpu.memref_squeeze %dma_start3A_32 : memref<1x1x48xi32, #tpu.memory_space<vmem>> -> memref<48xi32, #tpu.memory_space<vmem>>
    %dma_start3A_34 = tpu.memref_slice %arg5[%add3A_27] : memref<330240xi32, #tpu.memory_space<hbm>> -> memref<48xi32, #tpu.memory_space<hbm>>
    %dma_start3A_35 = tpu.memref_slice %arg19[%dma_start3A_30] : memref<2x!tpu.dma_semaphore, #tpu.memory_space<semaphore_mem>> -> memref<1x!tpu.dma_semaphore, #tpu.memory_space<semaphore_mem>>
    %dma_start3A_36 = tpu.memref_squeeze %dma_start3A_35 : memref<1x!tpu.dma_semaphore, #tpu.memory_space<semaphore_mem>> -> memref<!tpu.dma_semaphore, #tpu.memory_space<semaphore_mem>>
    %dma_start3A_37 = arith.constant 0 : i32
    %dma_start3A_38 = tpu.memref_slice %arg11[%dma_start3A_28, %dma_start3A_29, %dma_start3A_37] : memref<2x10x48xi32, #tpu.memory_space<vmem>> -> memref<1x1x48xi32, #tpu.memory_space<vmem>>
    %dma_start3A_39 = tpu.memref_squeeze %dma_start3A_38 : memref<1x1x48xi32, #tpu.memory_space<vmem>> -> memref<48xi32, #tpu.memory_space<vmem>>
    %dma_start3A_40 = tpu.memref_slice %arg5[%add3A_27] : memref<330240xi32, #tpu.memory_space<hbm>> -> memref<48xi32, #tpu.memory_space<hbm>>
    tpu.enqueue_dma source(%dma_start3A_40 : memref<48xi32, #tpu.memory_space<hbm>>) target(%dma_start3A_39 : memref<48xi32, #tpu.memory_space<vmem>>) target_semaphore(%dma_start3A_36 : memref<!tpu.dma_semaphore, #tpu.memory_space<semaphore_mem>>)
    %add3A_41 = arith.constant 48 : i32
    %add3A_42 = arith.addi %add3A, %add3A_41 : i32
    %dma_start3A_43 = arith.constant 0 : i32
    %dma_start3A_44 = arith.constant 1 : i32
    %dma_start3A_45 = arith.constant 0 : i32
    %dma_start3A_46 = arith.constant 0 : i32
    %dma_start3A_47 = tpu.memref_slice %arg11[%dma_start3A_43, %dma_start3A_44, %dma_start3A_46] : memref<2x10x48xi32, #tpu.memory_space<vmem>> -> memref<1x1x48xi32, #tpu.memory_space<vmem>>
    %dma_start3A_48 = tpu.memref_squeeze %dma_start3A_47 : memref<1x1x48xi32, #tpu.memory_space<vmem>> -> memref<48xi32, #tpu.memory_space<vmem>>
    %dma_start3A_49 = tpu.memref_slice %arg5[%add3A_42] : memref<330240xi32, #tpu.memory_space<hbm>> -> memref<48xi32, #tpu.memory_space<hbm>>
    %dma_start3A_50 = tpu.memref_slice %arg19[%dma_start3A_45] : memref<2x!tpu.dma_semaphore, #tpu.memory_space<semaphore_mem>> -> memref<1x!tpu.dma_semaphore, #tpu.memory_space<semaphore_mem>>
    %dma_start3A_51 = tpu.memref_squeeze %dma_start3A_50 : memref<1x!tpu.dma_semaphore, #tpu.memory_space<semaphore_mem>> -> memref<!tpu.dma_semaphore, #tpu.memory_space<semaphore_mem>>
    %dma_start3A_52 = arith.constant 0 : i32
    %dma_start3A_53 = tpu.memref_slice %arg11[%dma_start3A_43, %dma_start3A_44, %dma_start3A_52] : memref<2x10x48xi32, #tpu.memory_space<vmem>> -> memref<1x1x48xi32, #tpu.memory_space<vmem>>
    %dma_start3A_54 = tpu.memref_squeeze %dma_start3A_53 : memref<1x1x48xi32, #tpu.memory_space<vmem>> -> memref<48xi32, #tpu.memory_space<vmem>>
    %dma_start3A_55 = tpu.memref_slice %arg5[%add3A_42] : memref<330240xi32, #tpu.memory_space<hbm>> -> memref<48xi32, #tpu.memory_space<hbm>>
    tpu.enqueue_dma source(%dma_start3A_55 : memref<48xi32, #tpu.memory_space<hbm>>) target(%dma_start3A_54 : memref<48xi32, #tpu.memory_space<vmem>>) target_semaphore(%dma_start3A_51 : memref<!tpu.dma_semaphore, #tpu.memory_space<semaphore_mem>>)
    %add3A_56 = arith.constant 96 : i32
    %add3A_57 = arith.addi %add3A, %add3A_56 : i32
    %dma_start3A_58 = arith.constant 0 : i32
    %dma_start3A_59 = arith.constant 2 : i32
    %dma_start3A_60 = arith.constant 0 : i32
    %dma_start3A_61 = arith.constant 0 : i32
    %dma_start3A_62 = tpu.memref_slice %arg11[%dma_start3A_58, %dma_start3A_59, %dma_start3A_61] : memref<2x10x48xi32, #tpu.memory_space<vmem>> -> memref<1x1x48xi32, #tpu.memory_space<vmem>>
    %dma_start3A_63 = tpu.memref_squeeze %dma_start3A_62 : memref<1x1x48xi32, #tpu.memory_space<vmem>> -> memref<48xi32, #tpu.memory_space<vmem>>
    %dma_start3A_64 = tpu.memref_slice %arg5[%add3A_57] : memref<330240xi32, #tpu.memory_space<hbm>> -> memref<48xi32, #tpu.memory_space<hbm>>
    %dma_start3A_65 = tpu.memref_slice %arg19[%dma_start3A_60] : memref<2x!tpu.dma_semaphore, #tpu.memory_space<semaphore_mem>> -> memref<1x!tpu.dma_semaphore, #tpu.memory_space<semaphore_mem>>
    %dma_start3A_66 = tpu.memref_squeeze %dma_start3A_65 : memref<1x!tpu.dma_semaphore, #tpu.memory_space<semaphore_mem>> -> memref<!tpu.dma_semaphore, #tpu.memory_space<semaphore_mem>>
    %dma_start3A_67 = arith.constant 0 : i32
    %dma_start3A_68 = tpu.memref_slice %arg11[%dma_start3A_58, %dma_start3A_59, %dma_start3A_67] : memref<2x10x48xi32, #tpu.memory_space<vmem>> -> memref<1x1x48xi32, #tpu.memory_space<vmem>>
    %dma_start3A_69 = tpu.memref_squeeze %dma_start3A_68 : memref<1x1x48xi32, #tpu.memory_space<vmem>> -> memref<48xi32, #tpu.memory_space<vmem>>
    %dma_start3A_70 = tpu.memref_slice %arg5[%add3A_57] : memref<330240xi32, #tpu.memory_space<hbm>> -> memref<48xi32, #tpu.memory_space<hbm>>
    tpu.enqueue_dma source(%dma_start3A_70 : memref<48xi32, #tpu.memory_space<hbm>>) target(%dma_start3A_69 : memref<48xi32, #tpu.memory_space<vmem>>) target_semaphore(%dma_start3A_66 : memref<!tpu.dma_semaphore, #tpu.memory_space<semaphore_mem>>)
    %add3A_71 = arith.constant 144 : i32
    %add3A_72 = arith.addi %add3A, %add3A_71 : i32
    %dma_start3A_73 = arith.constant 0 : i32
    %dma_start3A_74 = arith.constant 3 : i32
    %dma_start3A_75 = arith.constant 0 : i32
    %dma_start3A_76 = arith.constant 0 : i32
    %dma_start3A_77 = tpu.memref_slice %arg11[%dma_start3A_73, %dma_start3A_74, %dma_start3A_76] : memref<2x10x48xi32, #tpu.memory_space<vmem>> -> memref<1x1x48xi32, #tpu.memory_space<vmem>>
    %dma_start3A_78 = tpu.memref_squeeze %dma_start3A_77 : memref<1x1x48xi32, #tpu.memory_space<vmem>> -> memref<48xi32, #tpu.memory_space<vmem>>
    %dma_start3A_79 = tpu.memref_slice %arg5[%add3A_72] : memref<330240xi32, #tpu.memory_space<hbm>> -> memref<48xi32, #tpu.memory_space<hbm>>
    %dma_start3A_80 = tpu.memref_slice %arg19[%dma_start3A_75] : memref<2x!tpu.dma_semaphore, #tpu.memory_space<semaphore_mem>> -> memref<1x!tpu.dma_semaphore, #tpu.memory_space<semaphore_mem>>
    %dma_start3A_81 = tpu.memref_squeeze %dma_start3A_80 : memref<1x!tpu.dma_semaphore, #tpu.memory_space<semaphore_mem>> -> memref<!tpu.dma_semaphore, #tpu.memory_space<semaphore_mem>>
    %dma_start3A_82 = arith.constant 0 : i32
    %dma_start3A_83 = tpu.memref_slice %arg11[%dma_start3A_73, %dma_start3A_74, %dma_start3A_82] : memref<2x10x48xi32, #tpu.memory_space<vmem>> -> memref<1x1x48xi32, #tpu.memory_space<vmem>>
    %dma_start3A_84 = tpu.memref_squeeze %dma_start3A_83 : memref<1x1x48xi32, #tpu.memory_space<vmem>> -> memref<48xi32, #tpu.memory_space<vmem>>
    %dma_start3A_85 = tpu.memref_slice %arg5[%add3A_72] : memref<330240xi32, #tpu.memory_space<hbm>> -> memref<48xi32, #tpu.memory_space<hbm>>
    tpu.enqueue_dma source(%dma_start3A_85 : memref<48xi32, #tpu.memory_space<hbm>>) target(%dma_start3A_84 : memref<48xi32, #tpu.memory_space<vmem>>) target_semaphore(%dma_start3A_81 : memref<!tpu.dma_semaphore, #tpu.memory_space<semaphore_mem>>)
    %add3A_86 = arith.constant 192 : i32
    %add3A_87 = arith.addi %add3A, %add3A_86 : i32
    %dma_start3A_88 = arith.constant 0 : i32
    %dma_start3A_89 = arith.constant 4 : i32
    %dma_start3A_90 = arith.constant 0 : i32
    %dma_start3A_91 = arith.constant 0 : i32
    %dma_start3A_92 = tpu.memref_slice %arg11[%dma_start3A_88, %dma_start3A_89, %dma_start3A_91] : memref<2x10x48xi32, #tpu.memory_space<vmem>> -> memref<1x1x48xi32, #tpu.memory_space<vmem>>
    %dma_start3A_93 = tpu.memref_squeeze %dma_start3A_92 : memref<1x1x48xi32, #tpu.memory_space<vmem>> -> memref<48xi32, #tpu.memory_space<vmem>>
    %dma_start3A_94 = tpu.memref_slice %arg5[%add3A_87] : memref<330240xi32, #tpu.memory_space<hbm>> -> memref<48xi32, #tpu.memory_space<hbm>>
    %dma_start3A_95 = tpu.memref_slice %arg19[%dma_start3A_90] : memref<2x!tpu.dma_semaphore, #tpu.memory_space<semaphore_mem>> -> memref<1x!tpu.dma_semaphore, #tpu.memory_space<semaphore_mem>>
    %dma_start3A_96 = tpu.memref_squeeze %dma_start3A_95 : memref<1x!tpu.dma_semaphore, #tpu.memory_space<semaphore_mem>> -> memref<!tpu.dma_semaphore, #tpu.memory_space<semaphore_mem>>
    %dma_start3A_97 = arith.constant 0 : i32
    %dma_start3A_98 = tpu.memref_slice %arg11[%dma_start3A_88, %dma_start3A_89, %dma_start3A_97] : memref<2x10x48xi32, #tpu.memory_space<vmem>> -> memref<1x1x48xi32, #tpu.memory_space<vmem>>
    %dma_start3A_99 = tpu.memref_squeeze %dma_start3A_98 : memref<1x1x48xi32, #tpu.memory_space<vmem>> -> memref<48xi32, #tpu.memory_space<vmem>>
    %dma_start3A_100 = tpu.memref_slice %arg5[%add3A_87] : memref<330240xi32, #tpu.memory_space<hbm>> -> memref<48xi32, #tpu.memory_space<hbm>>
    tpu.enqueue_dma source(%dma_start3A_100 : memref<48xi32, #tpu.memory_space<hbm>>) target(%dma_start3A_99 : memref<48xi32, #tpu.memory_space<vmem>>) target_semaphore(%dma_start3A_96 : memref<!tpu.dma_semaphore, #tpu.memory_space<semaphore_mem>>)
    %add3A_101 = arith.constant 240 : i32
    %add3A_102 = arith.addi %add3A, %add3A_101 : i32
    %dma_start3A_103 = arith.constant 0 : i32
    %dma_start3A_104 = arith.constant 5 : i32
    %dma_start3A_105 = arith.constant 0 : i32
    %dma_start3A_106 = arith.constant 0 : i32
    %dma_start3A_107 = tpu.memref_slice %arg11[%dma_start3A_103, %dma_start3A_104, %dma_start3A_106] : memref<2x10x48xi32, #tpu.memory_space<vmem>> -> memref<1x1x48xi32, #tpu.memory_space<vmem>>
    %dma_start3A_108 = tpu.memref_squeeze %dma_start3A_107 : memref<1x1x48xi32, #tpu.memory_space<vmem>> -> memref<48xi32, #tpu.memory_space<vmem>>
    %dma_start3A_109 = tpu.memref_slice %arg5[%add3A_102] : memref<330240xi32, #tpu.memory_space<hbm>> -> memref<48xi32, #tpu.memory_space<hbm>>
    %dma_start3A_110 = tpu.memref_slice %arg19[%dma_start3A_105] : memref<2x!tpu.dma_semaphore, #tpu.memory_space<semaphore_mem>> -> memref<1x!tpu.dma_semaphore, #tpu.memory_space<semaphore_mem>>
    %dma_start3A_111 = tpu.memref_squeeze %dma_start3A_110 : memref<1x!tpu.dma_semaphore, #tpu.memory_space<semaphore_mem>> -> memref<!tpu.dma_semaphore, #tpu.memory_space<semaphore_mem>>
    %dma_start3A_112 = arith.constant 0 : i32
    %dma_start3A_113 = tpu.memref_slice %arg11[%dma_start3A_103, %dma_start3A_104, %dma_start3A_112] : memref<2x10x48xi32, #tpu.memory_space<vmem>> -> memref<1x1x48xi32, #tpu.memory_space<vmem>>
    %dma_start3A_114 = tpu.memref_squeeze %dma_start3A_113 : memref<1x1x48xi32, #tpu.memory_space<vmem>> -> memref<48xi32, #tpu.memory_space<vmem>>
    %dma_start3A_115 = tpu.memref_slice %arg5[%add3A_102] : memref<330240xi32, #tpu.memory_space<hbm>> -> memref<48xi32, #tpu.memory_space<hbm>>
    tpu.enqueue_dma source(%dma_start3A_115 : memref<48xi32, #tpu.memory_space<hbm>>) target(%dma_start3A_114 : memref<48xi32, #tpu.memory_space<vmem>>) target_semaphore(%dma_start3A_111 : memref<!tpu.dma_semaphore, #tpu.memory_space<semaphore_mem>>)
    %add3A_116 = arith.constant 288 : i32
    %add3A_117 = arith.addi %add3A, %add3A_116 : i32
    %dma_start3A_118 = arith.constant 0 : i32
    %dma_start3A_119 = arith.constant 6 : i32
    %dma_start3A_120 = arith.constant 0 : i32
    %dma_start3A_121 = arith.constant 0 : i32
    %dma_start3A_122 = tpu.memref_slice %arg11[%dma_start3A_118, %dma_start3A_119, %dma_start3A_121] : memref<2x10x48xi32, #tpu.memory_space<vmem>> -> memref<1x1x48xi32, #tpu.memory_space<vmem>>
    %dma_start3A_123 = tpu.memref_squeeze %dma_start3A_122 : memref<1x1x48xi32, #tpu.memory_space<vmem>> -> memref<48xi32, #tpu.memory_space<vmem>>
    %dma_start3A_124 = tpu.memref_slice %arg5[%add3A_117] : memref<330240xi32, #tpu.memory_space<hbm>> -> memref<48xi32, #tpu.memory_space<hbm>>
    %dma_start3A_125 = tpu.memref_slice %arg19[%dma_start3A_120] : memref<2x!tpu.dma_semaphore, #tpu.memory_space<semaphore_mem>> -> memref<1x!tpu.dma_semaphore, #tpu.memory_space<semaphore_mem>>
    %dma_start3A_126 = tpu.memref_squeeze %dma_start3A_125 : memref<1x!tpu.dma_semaphore, #tpu.memory_space<semaphore_mem>> -> memref<!tpu.dma_semaphore, #tpu.memory_space<semaphore_mem>>
    %dma_start3A_127 = arith.constant 0 : i32
    %dma_start3A_128 = tpu.memref_slice %arg11[%dma_start3A_118, %dma_start3A_119, %dma_start3A_127] : memref<2x10x48xi32, #tpu.memory_space<vmem>> -> memref<1x1x48xi32, #tpu.memory_space<vmem>>
    %dma_start3A_129 = tpu.memref_squeeze %dma_start3A_128 : memref<1x1x48xi32, #tpu.memory_space<vmem>> -> memref<48xi32, #tpu.memory_space<vmem>>
    %dma_start3A_130 = tpu.memref_slice %arg5[%add3A_117] : memref<330240xi32, #tpu.memory_space<hbm>> -> memref<48xi32, #tpu.memory_space<hbm>>
    tpu.enqueue_dma source(%dma_start3A_130 : memref<48xi32, #tpu.memory_space<hbm>>) target(%dma_start3A_129 : memref<48xi32, #tpu.memory_space<vmem>>) target_semaphore(%dma_start3A_126 : memref<!tpu.dma_semaphore, #tpu.memory_space<semaphore_mem>>)
    %add3A_131 = arith.constant 336 : i32
    %add3A_132 = arith.addi %add3A, %add3A_131 : i32
    %dma_start3A_133 = arith.constant 0 : i32
    %dma_start3A_134 = arith.constant 7 : i32
    %dma_start3A_135 = arith.constant 0 : i32
    %dma_start3A_136 = arith.constant 0 : i32
    %dma_start3A_137 = tpu.memref_slice %arg11[%dma_start3A_133, %dma_start3A_134, %dma_start3A_136] : memref<2x10x48xi32, #tpu.memory_space<vmem>> -> memref<1x1x48xi32, #tpu.memory_space<vmem>>
    %dma_start3A_138 = tpu.memref_squeeze %dma_start3A_137 : memref<1x1x48xi32, #tpu.memory_space<vmem>> -> memref<48xi32, #tpu.memory_space<vmem>>
    %dma_start3A_139 = tpu.memref_slice %arg5[%add3A_132] : memref<330240xi32, #tpu.memory_space<hbm>> -> memref<48xi32, #tpu.memory_space<hbm>>
    %dma_start3A_140 = tpu.memref_slice %arg19[%dma_start3A_135] : memref<2x!tpu.dma_semaphore, #tpu.memory_space<semaphore_mem>> -> memref<1x!tpu.dma_semaphore, #tpu.memory_space<semaphore_mem>>
    %dma_start3A_141 = tpu.memref_squeeze %dma_start3A_140 : memref<1x!tpu.dma_semaphore, #tpu.memory_space<semaphore_mem>> -> memref<!tpu.dma_semaphore, #tpu.memory_space<semaphore_mem>>
    %dma_start3A_142 = arith.constant 0 : i32
    %dma_start3A_143 = tpu.memref_slice %arg11[%dma_start3A_133, %dma_start3A_134, %dma_start3A_142] : memref<2x10x48xi32, #tpu.memory_space<vmem>> -> memref<1x1x48xi32, #tpu.memory_space<vmem>>
    %dma_start3A_144 = tpu.memref_squeeze %dma_start3A_143 : memref<1x1x48xi32, #tpu.memory_space<vmem>> -> memref<48xi32, #tpu.memory_space<vmem>>
    %dma_start3A_145 = tpu.memref_slice %arg5[%add3A_132] : memref<330240xi32, #tpu.memory_space<hbm>> -> memref<48xi32, #tpu.memory_space<hbm>>
    tpu.enqueue_dma source(%dma_start3A_145 : memref<48xi32, #tpu.memory_space<hbm>>) target(%dma_start3A_144 : memref<48xi32, #tpu.memory_space<vmem>>) target_semaphore(%dma_start3A_141 : memref<!tpu.dma_semaphore, #tpu.memory_space<semaphore_mem>>)
    %add3A_146 = arith.constant 384 : i32
    %add3A_147 = arith.addi %add3A, %add3A_146 : i32
    %dma_start3A_148 = arith.constant 0 : i32
    %dma_start3A_149 = arith.constant 8 : i32
    %dma_start3A_150 = arith.constant 0 : i32
    %dma_start3A_151 = arith.constant 0 : i32
    %dma_start3A_152 = tpu.memref_slice %arg11[%dma_start3A_148, %dma_start3A_149, %dma_start3A_151] : memref<2x10x48xi32, #tpu.memory_space<vmem>> -> memref<1x1x48xi32, #tpu.memory_space<vmem>>
    %dma_start3A_153 = tpu.memref_squeeze %dma_start3A_152 : memref<1x1x48xi32, #tpu.memory_space<vmem>> -> memref<48xi32, #tpu.memory_space<vmem>>
    %dma_start3A_154 = tpu.memref_slice %arg5[%add3A_147] : memref<330240xi32, #tpu.memory_space<hbm>> -> memref<48xi32, #tpu.memory_space<hbm>>
    %dma_start3A_155 = tpu.memref_slice %arg19[%dma_start3A_150] : memref<2x!tpu.dma_semaphore, #tpu.memory_space<semaphore_mem>> -> memref<1x!tpu.dma_semaphore, #tpu.memory_space<semaphore_mem>>
    %dma_start3A_156 = tpu.memref_squeeze %dma_start3A_155 : memref<1x!tpu.dma_semaphore, #tpu.memory_space<semaphore_mem>> -> memref<!tpu.dma_semaphore, #tpu.memory_space<semaphore_mem>>
    %dma_start3A_157 = arith.constant 0 : i32
    %dma_start3A_158 = tpu.memref_slice %arg11[%dma_start3A_148, %dma_start3A_149, %dma_start3A_157] : memref<2x10x48xi32, #tpu.memory_space<vmem>> -> memref<1x1x48xi32, #tpu.memory_space<vmem>>
    %dma_start3A_159 = tpu.memref_squeeze %dma_start3A_158 : memref<1x1x48xi32, #tpu.memory_space<vmem>> -> memref<48xi32, #tpu.memory_space<vmem>>
    %dma_start3A_160 = tpu.memref_slice %arg5[%add3A_147] : memref<330240xi32, #tpu.memory_space<hbm>> -> memref<48xi32, #tpu.memory_space<hbm>>
    tpu.enqueue_dma source(%dma_start3A_160 : memref<48xi32, #tpu.memory_space<hbm>>) target(%dma_start3A_159 : memref<48xi32, #tpu.memory_space<vmem>>) target_semaphore(%dma_start3A_156 : memref<!tpu.dma_semaphore, #tpu.memory_space<semaphore_mem>>)
    %add3A_161 = arith.constant 432 : i32
    %add3A_162 = arith.addi %add3A, %add3A_161 : i32
    %dma_start3A_163 = arith.constant 0 : i32
    %dma_start3A_164 = arith.constant 9 : i32
    %dma_start3A_165 = arith.constant 0 : i32
    %dma_start3A_166 = arith.constant 0 : i32
    %dma_start3A_167 = tpu.memref_slice %arg11[%dma_start3A_163, %dma_start3A_164, %dma_start3A_166] : memref<2x10x48xi32, #tpu.memory_space<vmem>> -> memref<1x1x48xi32, #tpu.memory_space<vmem>>
    %dma_start3A_168 = tpu.memref_squeeze %dma_start3A_167 : memref<1x1x48xi32, #tpu.memory_space<vmem>> -> memref<48xi32, #tpu.memory_space<vmem>>
    %dma_start3A_169 = tpu.memref_slice %arg5[%add3A_162] : memref<330240xi32, #tpu.memory_space<hbm>> -> memref<48xi32, #tpu.memory_space<hbm>>
    %dma_start3A_170 = tpu.memref_slice %arg19[%dma_start3A_165] : memref<2x!tpu.dma_semaphore, #tpu.memory_space<semaphore_mem>> -> memref<1x!tpu.dma_semaphore, #tpu.memory_space<semaphore_mem>>
    %dma_start3A_171 = tpu.memref_squeeze %dma_start3A_170 : memref<1x!tpu.dma_semaphore, #tpu.memory_space<semaphore_mem>> -> memref<!tpu.dma_semaphore, #tpu.memory_space<semaphore_mem>>
    %dma_start3A_172 = arith.constant 0 : i32
    %dma_start3A_173 = tpu.memref_slice %arg11[%dma_start3A_163, %dma_start3A_164, %dma_start3A_172] : memref<2x10x48xi32, #tpu.memory_space<vmem>> -> memref<1x1x48xi32, #tpu.memory_space<vmem>>
    %dma_start3A_174 = tpu.memref_squeeze %dma_start3A_173 : memref<1x1x48xi32, #tpu.memory_space<vmem>> -> memref<48xi32, #tpu.memory_space<vmem>>
    %dma_start3A_175 = tpu.memref_slice %arg5[%add3A_162] : memref<330240xi32, #tpu.memory_space<hbm>> -> memref<48xi32, #tpu.memory_space<hbm>>
    tpu.enqueue_dma source(%dma_start3A_175 : memref<48xi32, #tpu.memory_space<hbm>>) target(%dma_start3A_174 : memref<48xi32, #tpu.memory_space<vmem>>) target_semaphore(%dma_start3A_171 : memref<!tpu.dma_semaphore, #tpu.memory_space<semaphore_mem>>)
    %dma_wait3A = arith.constant 0 : i32
    %dma_wait3A_176 = arith.constant 0 : i32
    %dma_wait3A_177 = tpu.memref_slice %arg10[%dma_wait3A_176] : memref<960xi32, #tpu.memory_space<vmem>> -> memref<480xi32, #tpu.memory_space<vmem>>
    %dma_wait3A_178 = arith.constant 0 : i32
    %dma_wait3A_179 = tpu.memref_slice %arg4[%dma_wait3A_178] : memref<330240xi32, #tpu.memory_space<hbm>> -> memref<480xi32, #tpu.memory_space<hbm>>
    %dma_wait3A_180 = tpu.memref_slice %arg19[%dma_wait3A] : memref<2x!tpu.dma_semaphore, #tpu.memory_space<semaphore_mem>> -> memref<1x!tpu.dma_semaphore, #tpu.memory_space<semaphore_mem>>
    %dma_wait3A_181 = tpu.memref_squeeze %dma_wait3A_180 : memref<1x!tpu.dma_semaphore, #tpu.memory_space<semaphore_mem>> -> memref<!tpu.dma_semaphore, #tpu.memory_space<semaphore_mem>>
    %dma_wait3A_182 = arith.constant 0 : i32
    %dma_wait3A_183 = tpu.memref_slice %arg10[%dma_wait3A_182] : memref<960xi32, #tpu.memory_space<vmem>> -> memref<480xi32, #tpu.memory_space<vmem>>
    %dma_wait3A_184 = arith.constant 0 : i32
    %dma_wait3A_185 = tpu.memref_slice %arg4[%dma_wait3A_184] : memref<330240xi32, #tpu.memory_space<hbm>> -> memref<480xi32, #tpu.memory_space<hbm>>
    tpu.wait_dma2 semaphore(%dma_wait3A_181 : memref<!tpu.dma_semaphore, #tpu.memory_space<semaphore_mem>>) src(%dma_wait3A_185 : memref<480xi32, #tpu.memory_space<hbm>>) dst(%dma_wait3A_183 : memref<480xi32, #tpu.memory_space<vmem>>)
    %dma_wait3A_186 = arith.constant 0 : i32
    %dma_wait3A_187 = arith.constant 0 : i32
    %dma_wait3A_188 = tpu.memref_slice %arg10[%dma_wait3A_187] : memref<960xi32, #tpu.memory_space<vmem>> -> memref<480xi32, #tpu.memory_space<vmem>>
    %dma_wait3A_189 = arith.constant 0 : i32
    %dma_wait3A_190 = tpu.memref_slice %arg4[%dma_wait3A_189] : memref<330240xi32, #tpu.memory_space<hbm>> -> memref<480xi32, #tpu.memory_space<hbm>>
    %dma_wait3A_191 = tpu.memref_slice %arg19[%dma_wait3A_186] : memref<2x!tpu.dma_semaphore, #tpu.memory_space<semaphore_mem>> -> memref<1x!tpu.dma_semaphore, #tpu.memory_space<semaphore_mem>>
    %dma_wait3A_192 = tpu.memref_squeeze %dma_wait3A_191 : memref<1x!tpu.dma_semaphore, #tpu.memory_space<semaphore_mem>> -> memref<!tpu.dma_semaphore, #tpu.memory_space<semaphore_mem>>
    %dma_wait3A_193 = arith.constant 0 : i32
    %dma_wait3A_194 = tpu.memref_slice %arg10[%dma_wait3A_193] : memref<960xi32, #tpu.memory_space<vmem>> -> memref<480xi32, #tpu.memory_space<vmem>>
    %dma_wait3A_195 = arith.constant 0 : i32
    %dma_wait3A_196 = tpu.memref_slice %arg4[%dma_wait3A_195] : memref<330240xi32, #tpu.memory_space<hbm>> -> memref<480xi32, #tpu.memory_space<hbm>>
    tpu.wait_dma2 semaphore(%dma_wait3A_192 : memref<!tpu.dma_semaphore, #tpu.memory_space<semaphore_mem>>) src(%dma_wait3A_196 : memref<480xi32, #tpu.memory_space<hbm>>) dst(%dma_wait3A_194 : memref<480xi32, #tpu.memory_space<vmem>>)
    %dma_wait3A_197 = arith.constant 0 : i32
    %dma_wait3A_198 = arith.constant 0 : i32
    %dma_wait3A_199 = tpu.memref_slice %arg10[%dma_wait3A_198] : memref<960xi32, #tpu.memory_space<vmem>> -> memref<480xi32, #tpu.memory_space<vmem>>
    %dma_wait3A_200 = arith.constant 0 : i32
    %dma_wait3A_201 = tpu.memref_slice %arg4[%dma_wait3A_200] : memref<330240xi32, #tpu.memory_space<hbm>> -> memref<480xi32, #tpu.memory_space<hbm>>
    %dma_wait3A_202 = tpu.memref_slice %arg19[%dma_wait3A_197] : memref<2x!tpu.dma_semaphore, #tpu.memory_space<semaphore_mem>> -> memref<1x!tpu.dma_semaphore, #tpu.memory_space<semaphore_mem>>
    %dma_wait3A_203 = tpu.memref_squeeze %dma_wait3A_202 : memref<1x!tpu.dma_semaphore, #tpu.memory_space<semaphore_mem>> -> memref<!tpu.dma_semaphore, #tpu.memory_space<semaphore_mem>>
    %dma_wait3A_204 = arith.constant 0 : i32
    %dma_wait3A_205 = tpu.memref_slice %arg10[%dma_wait3A_204] : memref<960xi32, #tpu.memory_space<vmem>> -> memref<480xi32, #tpu.memory_space<vmem>>
    %dma_wait3A_206 = arith.constant 0 : i32
    %dma_wait3A_207 = tpu.memref_slice %arg4[%dma_wait3A_206] : memref<330240xi32, #tpu.memory_space<hbm>> -> memref<480xi32, #tpu.memory_space<hbm>>
    tpu.wait_dma2 semaphore(%dma_wait3A_203 : memref<!tpu.dma_semaphore, #tpu.memory_space<semaphore_mem>>) src(%dma_wait3A_207 : memref<480xi32, #tpu.memory_space<hbm>>) dst(%dma_wait3A_205 : memref<480xi32, #tpu.memory_space<vmem>>)
    %mul3A_208 = arith.constant 0 : i32
    %mul3A_209 = arith.constant 480 : i32
    %mul3A_210 = arith.muli %mul3A_208, %mul3A_209 : i32
    %mul3A_211 = arith.constant 0 : i32
    %mul3A_212 = arith.constant 48 : i32
    %mul3A_213 = arith.muli %mul3A_211, %mul3A_212 : i32
    %add3A_214 = arith.addi %mul3A_210, %mul3A_213 : i32
    %add3A_215 = arith.constant 0 : i32
    %add3A_216 = arith.addi %add3A_214, %add3A_215 : i32
    %get3A = arith.index_cast %add3A_216 : i32 to index
    %get3A_217 = tpu.vector_load %arg10[%get3A] {strides = array<i32>} : memref<960xi32, #tpu.memory_space<vmem>>, vector<16xi32>,
    %add3A_218 = vector.broadcast %mul3A_4 : i32 to vector<16xi32>
    %add3A_219 = arith.addi %get3A_217, %add3A_218 : vector<16xi32>
    %swap3A = arith.constant 0 : i32
    %swap3A_220 = arith.index_cast %swap3A : i32 to index
    %swap3A_221 = arith.constant 0 : index
    %swap3A_222 = tpu.vector_load %arg13[%swap3A_220, %swap3A_221] {strides = array<i32>} : memref<2x48xi32, #tpu.memory_space<vmem>>, vector<16xi32>,
    tpu.vector_store %arg13[%swap3A_220, %swap3A_221], %add3A_219 {strides = array<i32>} : memref<2x48xi32, #tpu.memory_space<vmem>>, vector<16xi32>,
    %add3A_223 = arith.constant 16 : i32
    %add3A_224 = arith.addi %add3A_214, %add3A_223 : i32
    %get3A_225 = arith.index_cast %add3A_224 : i32 to index
    %get3A_226 = tpu.vector_load %arg10[%get3A_225] {strides = array<i32>} : memref<960xi32, #tpu.memory_space<vmem>>, vector<16xi32>,
    %add3A_227 = vector.broadcast %mul3A_4 : i32 to vector<16xi32>
    %add3A_228 = arith.addi %get3A_226, %add3A_227 : vector<16xi32>
    %swap3A_229 = arith.constant 0 : i32
    %swap3A_230 = arith.index_cast %swap3A_229 : i32 to index
    %swap3A_231 = arith.constant 16 : index
    %swap3A_232 = tpu.vector_load %arg13[%swap3A_230, %swap3A_231] {strides = array<i32>} : memref<2x48xi32, #tpu.memory_space<vmem>>, vector<16xi32>,
    tpu.vector_store %arg13[%swap3A_230, %swap3A_231], %add3A_228 {strides = array<i32>} : memref<2x48xi32, #tpu.memory_space<vmem>>, vector<16xi32>,
    %add3A_233 = arith.constant 32 : i32
    %add3A_234 = arith.addi %add3A_214, %add3A_233 : i32
    %get3A_235 = arith.index_cast %add3A_234 : i32 to index
    %get3A_236 = tpu.vector_load %arg10[%get3A_235] {strides = array<i32>} : memref<960xi32, #tpu.memory_space<vmem>>, vector<16xi32>,
    %add3A_237 = vector.broadcast %mul3A_4 : i32 to vector<16xi32>
    %add3A_238 = arith.addi %get3A_236, %add3A_237 : vector<16xi32>
    %swap3A_239 = arith.constant 0 : i32
    %swap3A_240 = arith.index_cast %swap3A_239 : i32 to index
    %swap3A_241 = arith.constant 32 : index
    %swap3A_242 = tpu.vector_load %arg13[%swap3A_240, %swap3A_241] {strides = array<i32>} : memref<2x48xi32, #tpu.memory_space<vmem>>, vector<16xi32>,
    tpu.vector_store %arg13[%swap3A_240, %swap3A_241], %add3A_238 {strides = array<i32>} : memref<2x48xi32, #tpu.memory_space<vmem>>, vector<16xi32>,
    %dma_start3A_243 = arith.constant 0 : i32
    %dma_start3A_244 = arith.constant 0 : i32
    %dma_start3A_245 = arith.constant 0 : i32
    %dma_start3A_246 = arith.constant 0 : i32
    %dma_start3A_247 = arith.constant 0 : i32
    %dma_start3A_248 = tpu.memref_slice %arg14[%dma_start3A_244, %dma_start3A_246, %dma_start3A_247] : memref<2x48x128xf32, #tpu.memory_space<vmem>> -> memref<1x48x128xf32, #tpu.memory_space<vmem>>
    %dma_start3A_249 = tpu.memref_squeeze %dma_start3A_248 : memref<1x48x128xf32, #tpu.memory_space<vmem>> -> memref<48x128xf32, #tpu.memory_space<vmem>>
    %dma_start3A_250 = arith.constant 0 : i32
    %dma_start3A_251 = tpu.memref_slice %arg13[%dma_start3A_243, %dma_start3A_250] : memref<2x48xi32, #tpu.memory_space<vmem>> -> memref<1x48xi32, #tpu.memory_space<vmem>>
    %dma_start3A_252 = tpu.memref_squeeze %dma_start3A_251 : memref<1x48xi32, #tpu.memory_space<vmem>> -> memref<48xi32, #tpu.memory_space<vmem>>
    %dma_start3A_253 = arith.constant 0 : i32
    %dma_start3A_254 = arith.constant 0 : i32
    %dma_start3A_255 = tpu.memref_slice %arg2[%dma_start3A_253, %dma_start3A_254] : memref<20224x128xf32, #tpu.memory_space<hbm>> -> memref<20224x128xf32, #tpu.memory_space<hbm>>
    %dma_start3A_256 = tpu.memref_slice %arg17[%dma_start3A_245] : memref<2x!tpu.dma_semaphore, #tpu.memory_space<semaphore_mem>> -> memref<1x!tpu.dma_semaphore, #tpu.memory_space<semaphore_mem>>
    %dma_start3A_257 = tpu.memref_squeeze %dma_start3A_256 : memref<1x!tpu.dma_semaphore, #tpu.memory_space<semaphore_mem>> -> memref<!tpu.dma_semaphore, #tpu.memory_space<semaphore_mem>>
    tpu.enqueue_indirect_dma source(%dma_start3A_255 : memref<20224x128xf32, #tpu.memory_space<hbm>>) target(%dma_start3A_249 : memref<48x128xf32, #tpu.memory_space<vmem>>) offsets(%dma_start3A_252 : memref<48xi32, #tpu.memory_space<vmem>>) semaphore(%dma_start3A_257 : memref<!tpu.dma_semaphore, #tpu.memory_space<semaphore_mem>>)
    %dma_start3A_258 = arith.constant 0 : i32
    %dma_start3A_259 = arith.constant 0 : i32
    %dma_start3A_260 = arith.constant 0 : i32
    %dma_start3A_261 = arith.constant 0 : i32
    %dma_start3A_262 = arith.constant 0 : i32
    %dma_start3A_263 = arith.constant 0 : i32
    %dma_start3A_264 = tpu.memref_slice %arg15[%dma_start3A_260, %dma_start3A_262, %dma_start3A_263] : memref<2x48x128xf32, #tpu.memory_space<vmem>> -> memref<1x48x128xf32, #tpu.memory_space<vmem>>
    %dma_start3A_265 = tpu.memref_squeeze %dma_start3A_264 : memref<1x48x128xf32, #tpu.memory_space<vmem>> -> memref<48x128xf32, #tpu.memory_space<vmem>>
    %dma_start3A_266 = arith.constant 0 : i32
    %dma_start3A_267 = tpu.memref_slice %arg11[%dma_start3A_258, %dma_start3A_259, %dma_start3A_266] : memref<2x10x48xi32, #tpu.memory_space<vmem>> -> memref<1x1x48xi32, #tpu.memory_space<vmem>>
    %dma_start3A_268 = tpu.memref_squeeze %dma_start3A_267 : memref<1x1x48xi32, #tpu.memory_space<vmem>> -> memref<48xi32, #tpu.memory_space<vmem>>
    %dma_start3A_269 = arith.constant 0 : i32
    %dma_start3A_270 = arith.constant 0 : i32
    %dma_start3A_271 = tpu.memref_slice %arg3[%dma_start3A_269, %dma_start3A_270] : memref<10112x128xf32, #tpu.memory_space<hbm>> -> memref<10112x128xf32, #tpu.memory_space<hbm>>
    %dma_start3A_272 = tpu.memref_slice %arg17[%dma_start3A_261] : memref<2x!tpu.dma_semaphore, #tpu.memory_space<semaphore_mem>> -> memref<1x!tpu.dma_semaphore, #tpu.memory_space<semaphore_mem>>
    %dma_start3A_273 = tpu.memref_squeeze %dma_start3A_272 : memref<1x!tpu.dma_semaphore, #tpu.memory_space<semaphore_mem>> -> memref<!tpu.dma_semaphore, #tpu.memory_space<semaphore_mem>>
    tpu.enqueue_indirect_dma source(%dma_start3A_271 : memref<10112x128xf32, #tpu.memory_space<hbm>>) target(%dma_start3A_265 : memref<48x128xf32, #tpu.memory_space<vmem>>) offsets(%dma_start3A_268 : memref<48xi32, #tpu.memory_space<vmem>>) semaphore(%dma_start3A_273 : memref<!tpu.dma_semaphore, #tpu.memory_space<semaphore_mem>>)
    %while3A = arith.constant 0 : i64
    %while3A_274 = arith.constant 1 : i32
    %while3A_275 = arith.constant 0 : i32
    %while3A_276 = arith.constant 430 : i32
    %while3A_277 = arith.subi %while3A_276, %while3A_275 : i32
    %while3A_278 = arith.addi %while3A_275, %while3A_277 : i32
    %while3A_279 = arith.constant 1 : i32
    %while3A_280 = arith.divsi %while3A_277, %while3A_279 : i32
    %while3A_281 = arith.muli %while3A_280, %while3A_279 : i32
    %while3A_282 = arith.addi %while3A_275, %while3A_281 : i32
    %while3A_283 = arith.constant 1 : i32
    scf.for %while3A_302 = %while3A_275 to %while3A_282 step %while3A_283  : i32 {
      %and3A = arith.andi %while3A_302, %while3A_274 : i32
      %add3A_303 = arith.addi %while3A_302, %while3A_274 : i32
      %and3A_304 = arith.andi %add3A_303, %while3A_274 : i32
      %rem3A = arith.constant 10 : i32
      %rem3A_305 = arith.remsi %while3A_302, %rem3A : i32
      %div3A = arith.constant 10 : i32
      %div3A_306 = arith.divsi %while3A_302, %div3A : i32
      %and3A_307 = arith.andi %div3A_306, %while3A_274 : i32
      %rem3A_308 = arith.constant 10 : i32
      %rem3A_309 = arith.remsi %add3A_303, %rem3A_308 : i32
      %div3A_310 = arith.constant 10 : i32
      %div3A_311 = arith.divsi %add3A_303, %div3A_310 : i32
      %and3A_312 = arith.andi %div3A_311, %while3A_274 : i32
      %eq3A = arith.constant 9 : i32
      %eq3A_313 = arith.cmpi eq, %rem3A_305, %eq3A : i32
      %lt3A = arith.constant 430 : i32
      %lt3A_314 = arith.cmpi slt, %add3A_303, %lt3A : i32
      %and3A_315 = arith.andi %eq3A_313, %lt3A_314 : i1
      %convert_element_type3A = arith.extui %and3A_315 : i1 to i32
      %cond3A = arith.constant 0 : i32
      %cond3A_316 = arith.cmpi ne, %convert_element_type3A, %cond3A : i32
      scf.if %cond3A_316 {
        %dma_wait3A_387 = arith.constant 0 : i32
        %dma_wait3A_388 = tpu.memref_slice %arg10[%dma_wait3A_387] : memref<960xi32, #tpu.memory_space<vmem>> -> memref<480xi32, #tpu.memory_space<vmem>>
        %dma_wait3A_389 = arith.constant 0 : i32
        %dma_wait3A_390 = tpu.memref_slice %arg4[%dma_wait3A_389] : memref<330240xi32, #tpu.memory_space<hbm>> -> memref<480xi32, #tpu.memory_space<hbm>>
        %dma_wait3A_391 = tpu.memref_slice %arg19[%and3A_312] : memref<2x!tpu.dma_semaphore, #tpu.memory_space<semaphore_mem>> -> memref<1x!tpu.dma_semaphore, #tpu.memory_space<semaphore_mem>>
        %dma_wait3A_392 = tpu.memref_squeeze %dma_wait3A_391 : memref<1x!tpu.dma_semaphore, #tpu.memory_space<semaphore_mem>> -> memref<!tpu.dma_semaphore, #tpu.memory_space<semaphore_mem>>
        %dma_wait3A_393 = arith.constant 0 : i32
        %dma_wait3A_394 = tpu.memref_slice %arg10[%dma_wait3A_393] : memref<960xi32, #tpu.memory_space<vmem>> -> memref<480xi32, #tpu.memory_space<vmem>>
        %dma_wait3A_395 = arith.constant 0 : i32
        %dma_wait3A_396 = tpu.memref_slice %arg4[%dma_wait3A_395] : memref<330240xi32, #tpu.memory_space<hbm>> -> memref<480xi32, #tpu.memory_space<hbm>>
        tpu.wait_dma2 semaphore(%dma_wait3A_392 : memref<!tpu.dma_semaphore, #tpu.memory_space<semaphore_mem>>) src(%dma_wait3A_396 : memref<480xi32, #tpu.memory_space<hbm>>) dst(%dma_wait3A_394 : memref<480xi32, #tpu.memory_space<vmem>>)
        %dma_wait3A_397 = arith.constant 0 : i32
        %dma_wait3A_398 = tpu.memref_slice %arg10[%dma_wait3A_397] : memref<960xi32, #tpu.memory_space<vmem>> -> memref<480xi32, #tpu.memory_space<vmem>>
        %dma_wait3A_399 = arith.constant 0 : i32
        %dma_wait3A_400 = tpu.memref_slice %arg4[%dma_wait3A_399] : memref<330240xi32, #tpu.memory_space<hbm>> -> memref<480xi32, #tpu.memory_space<hbm>>
        %dma_wait3A_401 = tpu.memref_slice %arg19[%and3A_312] : memref<2x!tpu.dma_semaphore, #tpu.memory_space<semaphore_mem>> -> memref<1x!tpu.dma_semaphore, #tpu.memory_space<semaphore_mem>>
        %dma_wait3A_402 = tpu.memref_squeeze %dma_wait3A_401 : memref<1x!tpu.dma_semaphore, #tpu.memory_space<semaphore_mem>> -> memref<!tpu.dma_semaphore, #tpu.memory_space<semaphore_mem>>
        %dma_wait3A_403 = arith.constant 0 : i32
        %dma_wait3A_404 = tpu.memref_slice %arg10[%dma_wait3A_403] : memref<960xi32, #tpu.memory_space<vmem>> -> memref<480xi32, #tpu.memory_space<vmem>>
        %dma_wait3A_405 = arith.constant 0 : i32
        %dma_wait3A_406 = tpu.memref_slice %arg4[%dma_wait3A_405] : memref<330240xi32, #tpu.memory_space<hbm>> -> memref<480xi32, #tpu.memory_space<hbm>>
        tpu.wait_dma2 semaphore(%dma_wait3A_402 : memref<!tpu.dma_semaphore, #tpu.memory_space<semaphore_mem>>) src(%dma_wait3A_406 : memref<480xi32, #tpu.memory_space<hbm>>) dst(%dma_wait3A_404 : memref<480xi32, #tpu.memory_space<vmem>>)
        %dma_wait3A_407 = arith.constant 0 : i32
        %dma_wait3A_408 = tpu.memref_slice %arg10[%dma_wait3A_407] : memref<960xi32, #tpu.memory_space<vmem>> -> memref<480xi32, #tpu.memory_space<vmem>>
        %dma_wait3A_409 = arith.constant 0 : i32
        %dma_wait3A_410 = tpu.memref_slice %arg4[%dma_wait3A_409] : memref<330240xi32, #tpu.memory_space<hbm>> -> memref<480xi32, #tpu.memory_space<hbm>>
        %dma_wait3A_411 = tpu.memref_slice %arg19[%and3A_312] : memref<2x!tpu.dma_semaphore, #tpu.memory_space<semaphore_mem>> -> memref<1x!tpu.dma_semaphore, #tpu.memory_space<semaphore_mem>>
        %dma_wait3A_412 = tpu.memref_squeeze %dma_wait3A_411 : memref<1x!tpu.dma_semaphore, #tpu.memory_space<semaphore_mem>> -> memref<!tpu.dma_semaphore, #tpu.memory_space<semaphore_mem>>
        %dma_wait3A_413 = arith.constant 0 : i32
        %dma_wait3A_414 = tpu.memref_slice %arg10[%dma_wait3A_413] : memref<960xi32, #tpu.memory_space<vmem>> -> memref<480xi32, #tpu.memory_space<vmem>>
        %dma_wait3A_415 = arith.constant 0 : i32
        %dma_wait3A_416 = tpu.memref_slice %arg4[%dma_wait3A_415] : memref<330240xi32, #tpu.memory_space<hbm>> -> memref<480xi32, #tpu.memory_space<hbm>>
        tpu.wait_dma2 semaphore(%dma_wait3A_412 : memref<!tpu.dma_semaphore, #tpu.memory_space<semaphore_mem>>) src(%dma_wait3A_416 : memref<480xi32, #tpu.memory_space<hbm>>) dst(%dma_wait3A_414 : memref<480xi32, #tpu.memory_space<vmem>>)
      } else {
      }
      %lt3A_317 = arith.constant 430 : i32
      %lt3A_318 = arith.cmpi slt, %add3A_303, %lt3A_317 : i32
      %convert_element_type3A_319 = arith.extui %lt3A_318 : i1 to i32
      %cond3A_320 = arith.constant 0 : i32
      %cond3A_321 = arith.cmpi ne, %convert_element_type3A_319, %cond3A_320 : i32
      scf.if %cond3A_321 {
        %mul3A_387 = arith.constant 480 : i32
        %mul3A_388 = arith.muli %and3A_312, %mul3A_387 : i32
        %mul3A_389 = arith.constant 48 : i32
        %mul3A_390 = arith.muli %rem3A_309, %mul3A_389 : i32
        %add3A_391 = arith.addi %mul3A_388, %mul3A_390 : i32
        %add3A_392 = arith.constant 0 : i32
        %add3A_393 = arith.addi %add3A_391, %add3A_392 : i32
        %get3A_394 = arith.index_cast %add3A_393 : i32 to index
        %get3A_395 = tpu.vector_load %arg10[%get3A_394] {strides = array<i32>} : memref<960xi32, #tpu.memory_space<vmem>>, vector<16xi32>,
        %add3A_396 = vector.broadcast %mul3A_4 : i32 to vector<16xi32>
        %add3A_397 = arith.addi %get3A_395, %add3A_396 : vector<16xi32>
        %swap3A_398 = arith.index_cast %and3A_304 : i32 to index
        %swap3A_399 = arith.constant 0 : index
        %swap3A_400 = tpu.vector_load %arg13[%swap3A_398, %swap3A_399] {strides = array<i32>} : memref<2x48xi32, #tpu.memory_space<vmem>>, vector<16xi32>,
        tpu.vector_store %arg13[%swap3A_398, %swap3A_399], %add3A_397 {strides = array<i32>} : memref<2x48xi32, #tpu.memory_space<vmem>>, vector<16xi32>,
        %add3A_401 = arith.constant 16 : i32
        %add3A_402 = arith.addi %add3A_391, %add3A_401 : i32
        %get3A_403 = arith.index_cast %add3A_402 : i32 to index
        %get3A_404 = tpu.vector_load %arg10[%get3A_403] {strides = array<i32>} : memref<960xi32, #tpu.memory_space<vmem>>, vector<16xi32>,
        %add3A_405 = vector.broadcast %mul3A_4 : i32 to vector<16xi32>
        %add3A_406 = arith.addi %get3A_404, %add3A_405 : vector<16xi32>
        %swap3A_407 = arith.index_cast %and3A_304 : i32 to index
        %swap3A_408 = arith.constant 16 : index
        %swap3A_409 = tpu.vector_load %arg13[%swap3A_407, %swap3A_408] {strides = array<i32>} : memref<2x48xi32, #tpu.memory_space<vmem>>, vector<16xi32>,
        tpu.vector_store %arg13[%swap3A_407, %swap3A_408], %add3A_406 {strides = array<i32>} : memref<2x48xi32, #tpu.memory_space<vmem>>, vector<16xi32>,
        %add3A_410 = arith.constant 32 : i32
        %add3A_411 = arith.addi %add3A_391, %add3A_410 : i32
        %get3A_412 = arith.index_cast %add3A_411 : i32 to index
        %get3A_413 = tpu.vector_load %arg10[%get3A_412] {strides = array<i32>} : memref<960xi32, #tpu.memory_space<vmem>>, vector<16xi32>,
        %add3A_414 = vector.broadcast %mul3A_4 : i32 to vector<16xi32>
        %add3A_415 = arith.addi %get3A_413, %add3A_414 : vector<16xi32>
        %swap3A_416 = arith.index_cast %and3A_304 : i32 to index
        %swap3A_417 = arith.constant 32 : index
        %swap3A_418 = tpu.vector_load %arg13[%swap3A_416, %swap3A_417] {strides = array<i32>} : memref<2x48xi32, #tpu.memory_space<vmem>>, vector<16xi32>,
        tpu.vector_store %arg13[%swap3A_416, %swap3A_417], %add3A_415 {strides = array<i32>} : memref<2x48xi32, #tpu.memory_space<vmem>>, vector<16xi32>,
        %dma_start3A_419 = arith.constant 0 : i32
        %dma_start3A_420 = arith.constant 0 : i32
        %dma_start3A_421 = tpu.memref_slice %arg14[%and3A_304, %dma_start3A_419, %dma_start3A_420] : memref<2x48x128xf32, #tpu.memory_space<vmem>> -> memref<1x48x128xf32, #tpu.memory_space<vmem>>
        %dma_start3A_422 = tpu.memref_squeeze %dma_start3A_421 : memref<1x48x128xf32, #tpu.memory_space<vmem>> -> memref<48x128xf32, #tpu.memory_space<vmem>>
        %dma_start3A_423 = arith.constant 0 : i32
        %dma_start3A_424 = tpu.memref_slice %arg13[%and3A_304, %dma_start3A_423] : memref<2x48xi32, #tpu.memory_space<vmem>> -> memref<1x48xi32, #tpu.memory_space<vmem>>
        %dma_start3A_425 = tpu.memref_squeeze %dma_start3A_424 : memref<1x48xi32, #tpu.memory_space<vmem>> -> memref<48xi32, #tpu.memory_space<vmem>>
        %dma_start3A_426 = arith.constant 0 : i32
        %dma_start3A_427 = arith.constant 0 : i32
        %dma_start3A_428 = tpu.memref_slice %arg2[%dma_start3A_426, %dma_start3A_427] : memref<20224x128xf32, #tpu.memory_space<hbm>> -> memref<20224x128xf32, #tpu.memory_space<hbm>>
        %dma_start3A_429 = tpu.memref_slice %arg17[%and3A_304] : memref<2x!tpu.dma_semaphore, #tpu.memory_space<semaphore_mem>> -> memref<1x!tpu.dma_semaphore, #tpu.memory_space<semaphore_mem>>
        %dma_start3A_430 = tpu.memref_squeeze %dma_start3A_429 : memref<1x!tpu.dma_semaphore, #tpu.memory_space<semaphore_mem>> -> memref<!tpu.dma_semaphore, #tpu.memory_space<semaphore_mem>>
        tpu.enqueue_indirect_dma source(%dma_start3A_428 : memref<20224x128xf32, #tpu.memory_space<hbm>>) target(%dma_start3A_422 : memref<48x128xf32, #tpu.memory_space<vmem>>) offsets(%dma_start3A_425 : memref<48xi32, #tpu.memory_space<vmem>>) semaphore(%dma_start3A_430 : memref<!tpu.dma_semaphore, #tpu.memory_space<semaphore_mem>>)
        %dma_start3A_431 = arith.constant 0 : i32
        %dma_start3A_432 = arith.constant 0 : i32
        %dma_start3A_433 = tpu.memref_slice %arg15[%and3A_304, %dma_start3A_431, %dma_start3A_432] : memref<2x48x128xf32, #tpu.memory_space<vmem>> -> memref<1x48x128xf32, #tpu.memory_space<vmem>>
        %dma_start3A_434 = tpu.memref_squeeze %dma_start3A_433 : memref<1x48x128xf32, #tpu.memory_space<vmem>> -> memref<48x128xf32, #tpu.memory_space<vmem>>
        %dma_start3A_435 = arith.constant 0 : i32
        %dma_start3A_436 = tpu.memref_slice %arg11[%and3A_312, %rem3A_309, %dma_start3A_435] : memref<2x10x48xi32, #tpu.memory_space<vmem>> -> memref<1x1x48xi32, #tpu.memory_space<vmem>>
        %dma_start3A_437 = tpu.memref_squeeze %dma_start3A_436 : memref<1x1x48xi32, #tpu.memory_space<vmem>> -> memref<48xi32, #tpu.memory_space<vmem>>
        %dma_start3A_438 = arith.constant 0 : i32
        %dma_start3A_439 = arith.constant 0 : i32
        %dma_start3A_440 = tpu.memref_slice %arg3[%dma_start3A_438, %dma_start3A_439] : memref<10112x128xf32, #tpu.memory_space<hbm>> -> memref<10112x128xf32, #tpu.memory_space<hbm>>
        %dma_start3A_441 = tpu.memref_slice %arg17[%and3A_304] : memref<2x!tpu.dma_semaphore, #tpu.memory_space<semaphore_mem>> -> memref<1x!tpu.dma_semaphore, #tpu.memory_space<semaphore_mem>>
        %dma_start3A_442 = tpu.memref_squeeze %dma_start3A_441 : memref<1x!tpu.dma_semaphore, #tpu.memory_space<semaphore_mem>> -> memref<!tpu.dma_semaphore, #tpu.memory_space<semaphore_mem>>
        tpu.enqueue_indirect_dma source(%dma_start3A_440 : memref<10112x128xf32, #tpu.memory_space<hbm>>) target(%dma_start3A_434 : memref<48x128xf32, #tpu.memory_space<vmem>>) offsets(%dma_start3A_437 : memref<48xi32, #tpu.memory_space<vmem>>) semaphore(%dma_start3A_442 : memref<!tpu.dma_semaphore, #tpu.memory_space<semaphore_mem>>)
      } else {
      }
      %ge3A = arith.constant 2 : i32
      %ge3A_322 = arith.cmpi sge, %while3A_302, %ge3A : i32
      %convert_element_type3A_323 = arith.extui %ge3A_322 : i1 to i32
      %cond3A_324 = arith.constant 0 : i32
      %cond3A_325 = arith.cmpi ne, %convert_element_type3A_323, %cond3A_324 : i32
      scf.if %cond3A_325 {
        %dma_wait3A_387 = arith.constant 0 : i32
        %dma_wait3A_388 = arith.constant 0 : i32
        %dma_wait3A_389 = arith.constant 0 : i32
        %dma_wait3A_390 = arith.constant 0 : i32
        %dma_wait3A_391 = tpu.memref_slice %arg16[%and3A, %dma_wait3A_389, %dma_wait3A_390] : memref<2x48x128xf32, #tpu.memory_space<vmem>> -> memref<1x48x128xf32, #tpu.memory_space<vmem>>
        %dma_wait3A_392 = tpu.memref_squeeze %dma_wait3A_391 : memref<1x48x128xf32, #tpu.memory_space<vmem>> -> memref<48x128xf32, #tpu.memory_space<vmem>>
        %dma_wait3A_393 = arith.constant 0 : i32
        %dma_wait3A_394 = tpu.memref_slice %arg11[%dma_wait3A_387, %dma_wait3A_388, %dma_wait3A_393] : memref<2x10x48xi32, #tpu.memory_space<vmem>> -> memref<1x1x48xi32, #tpu.memory_space<vmem>>
        %dma_wait3A_395 = tpu.memref_squeeze %dma_wait3A_394 : memref<1x1x48xi32, #tpu.memory_space<vmem>> -> memref<48xi32, #tpu.memory_space<vmem>>
        %dma_wait3A_396 = arith.constant 0 : i32
        %dma_wait3A_397 = arith.constant 0 : i32
        %dma_wait3A_398 = tpu.memref_slice %arg9[%dma_wait3A_396, %dma_wait3A_397] : memref<10112x128xf32, #tpu.memory_space<vmem_shared>> -> memref<10112x128xf32, #tpu.memory_space<vmem_shared>>
        %dma_wait3A_399 = tpu.memref_slice %arg18[%and3A] : memref<2x!tpu.dma_semaphore, #tpu.memory_space<semaphore_mem>> -> memref<1x!tpu.dma_semaphore, #tpu.memory_space<semaphore_mem>>
        %dma_wait3A_400 = tpu.memref_squeeze %dma_wait3A_399 : memref<1x!tpu.dma_semaphore, #tpu.memory_space<semaphore_mem>> -> memref<!tpu.dma_semaphore, #tpu.memory_space<semaphore_mem>>
        tpu.wait_indirect_dma semaphore(%dma_wait3A_400 : memref<!tpu.dma_semaphore, #tpu.memory_space<semaphore_mem>>) src(%dma_wait3A_392 : memref<48x128xf32, #tpu.memory_space<vmem>>) dst(%dma_wait3A_398 : memref<10112x128xf32, #tpu.memory_space<vmem_shared>>)
      } else {
      }
      %eq3A_326 = arith.cmpi eq, %rem3A_305, %while3A_274 : i32
      %lt3A_327 = arith.constant 420 : i32
      %lt3A_328 = arith.cmpi slt, %while3A_302, %lt3A_327 : i32
      %and3A_329 = arith.andi %eq3A_326, %lt3A_328 : i1
      %convert_element_type3A_330 = arith.extui %and3A_329 : i1 to i32
      %cond3A_331 = arith.constant 0 : i32
      %cond3A_332 = arith.cmpi ne, %convert_element_type3A_330, %cond3A_331 : i32
      scf.if %cond3A_332 {
        %div3A_387 = arith.constant 10 : i32
        %div3A_388 = arith.divsi %while3A_302, %div3A_387 : i32
        %add3A_389 = arith.addi %div3A_388, %while3A_274 : i32
        %sub3A = arith.subi %while3A_274, %and3A_307 : i32
        %mul3A_390 = arith.constant 480 : i32
        %mul3A_391 = arith.muli %add3A_389, %mul3A_390 : i32
        %add3A_392 = arith.addi %mul3A_2, %mul3A_391 : i32
        %mul3A_393 = arith.constant 480 : i32
        %mul3A_394 = arith.muli %sub3A, %mul3A_393 : i32
        %dma_start3A_395 = tpu.memref_slice %arg10[%mul3A_394] : memref<960xi32, #tpu.memory_space<vmem>> -> memref<480xi32, #tpu.memory_space<vmem>>
        %dma_start3A_396 = tpu.memref_slice %arg4[%add3A_392] : memref<330240xi32, #tpu.memory_space<hbm>> -> memref<480xi32, #tpu.memory_space<hbm>>
        %dma_start3A_397 = tpu.memref_slice %arg19[%sub3A] : memref<2x!tpu.dma_semaphore, #tpu.memory_space<semaphore_mem>> -> memref<1x!tpu.dma_semaphore, #tpu.memory_space<semaphore_mem>>
        %dma_start3A_398 = tpu.memref_squeeze %dma_start3A_397 : memref<1x!tpu.dma_semaphore, #tpu.memory_space<semaphore_mem>> -> memref<!tpu.dma_semaphore, #tpu.memory_space<semaphore_mem>>
        %dma_start3A_399 = tpu.memref_slice %arg10[%mul3A_394] : memref<960xi32, #tpu.memory_space<vmem>> -> memref<480xi32, #tpu.memory_space<vmem>>
        %dma_start3A_400 = tpu.memref_slice %arg4[%add3A_392] : memref<330240xi32, #tpu.memory_space<hbm>> -> memref<480xi32, #tpu.memory_space<hbm>>
        tpu.enqueue_dma source(%dma_start3A_400 : memref<480xi32, #tpu.memory_space<hbm>>) target(%dma_start3A_399 : memref<480xi32, #tpu.memory_space<vmem>>) target_semaphore(%dma_start3A_398 : memref<!tpu.dma_semaphore, #tpu.memory_space<semaphore_mem>>)
        %dma_start3A_401 = tpu.memref_slice %arg12[%mul3A_394] : memref<960xf32, #tpu.memory_space<vmem>> -> memref<480xf32, #tpu.memory_space<vmem>>
        %dma_start3A_402 = tpu.memref_slice %arg6[%add3A_392] : memref<330240xf32, #tpu.memory_space<hbm>> -> memref<480xf32, #tpu.memory_space<hbm>>
        %dma_start3A_403 = tpu.memref_slice %arg19[%sub3A] : memref<2x!tpu.dma_semaphore, #tpu.memory_space<semaphore_mem>> -> memref<1x!tpu.dma_semaphore, #tpu.memory_space<semaphore_mem>>
        %dma_start3A_404 = tpu.memref_squeeze %dma_start3A_403 : memref<1x!tpu.dma_semaphore, #tpu.memory_space<semaphore_mem>> -> memref<!tpu.dma_semaphore, #tpu.memory_space<semaphore_mem>>
        %dma_start3A_405 = tpu.memref_slice %arg12[%mul3A_394] : memref<960xf32, #tpu.memory_space<vmem>> -> memref<480xf32, #tpu.memory_space<vmem>>
        %dma_start3A_406 = tpu.memref_slice %arg6[%add3A_392] : memref<330240xf32, #tpu.memory_space<hbm>> -> memref<480xf32, #tpu.memory_space<hbm>>
        tpu.enqueue_dma source(%dma_start3A_406 : memref<480xf32, #tpu.memory_space<hbm>>) target(%dma_start3A_405 : memref<480xf32, #tpu.memory_space<vmem>>) target_semaphore(%dma_start3A_404 : memref<!tpu.dma_semaphore, #tpu.memory_space<semaphore_mem>>)
        %add3A_407 = arith.constant 0 : i32
        %add3A_408 = arith.addi %add3A_392, %add3A_407 : i32
        %dma_start3A_409 = arith.constant 0 : i32
        %dma_start3A_410 = arith.constant 0 : i32
        %dma_start3A_411 = tpu.memref_slice %arg11[%sub3A, %dma_start3A_409, %dma_start3A_410] : memref<2x10x48xi32, #tpu.memory_space<vmem>> -> memref<1x1x48xi32, #tpu.memory_space<vmem>>
        %dma_start3A_412 = tpu.memref_squeeze %dma_start3A_411 : memref<1x1x48xi32, #tpu.memory_space<vmem>> -> memref<48xi32, #tpu.memory_space<vmem>>
        %dma_start3A_413 = tpu.memref_slice %arg5[%add3A_408] : memref<330240xi32, #tpu.memory_space<hbm>> -> memref<48xi32, #tpu.memory_space<hbm>>
        %dma_start3A_414 = tpu.memref_slice %arg19[%sub3A] : memref<2x!tpu.dma_semaphore, #tpu.memory_space<semaphore_mem>> -> memref<1x!tpu.dma_semaphore, #tpu.memory_space<semaphore_mem>>
        %dma_start3A_415 = tpu.memref_squeeze %dma_start3A_414 : memref<1x!tpu.dma_semaphore, #tpu.memory_space<semaphore_mem>> -> memref<!tpu.dma_semaphore, #tpu.memory_space<semaphore_mem>>
        %dma_start3A_416 = arith.constant 0 : i32
        %dma_start3A_417 = tpu.memref_slice %arg11[%sub3A, %dma_start3A_409, %dma_start3A_416] : memref<2x10x48xi32, #tpu.memory_space<vmem>> -> memref<1x1x48xi32, #tpu.memory_space<vmem>>
        %dma_start3A_418 = tpu.memref_squeeze %dma_start3A_417 : memref<1x1x48xi32, #tpu.memory_space<vmem>> -> memref<48xi32, #tpu.memory_space<vmem>>
        %dma_start3A_419 = tpu.memref_slice %arg5[%add3A_408] : memref<330240xi32, #tpu.memory_space<hbm>> -> memref<48xi32, #tpu.memory_space<hbm>>
        tpu.enqueue_dma source(%dma_start3A_419 : memref<48xi32, #tpu.memory_space<hbm>>) target(%dma_start3A_418 : memref<48xi32, #tpu.memory_space<vmem>>) target_semaphore(%dma_start3A_415 : memref<!tpu.dma_semaphore, #tpu.memory_space<semaphore_mem>>)
        %add3A_420 = arith.constant 48 : i32
        %add3A_421 = arith.addi %add3A_392, %add3A_420 : i32
        %dma_start3A_422 = arith.constant 1 : i32
        %dma_start3A_423 = arith.constant 0 : i32
        %dma_start3A_424 = tpu.memref_slice %arg11[%sub3A, %dma_start3A_422, %dma_start3A_423] : memref<2x10x48xi32, #tpu.memory_space<vmem>> -> memref<1x1x48xi32, #tpu.memory_space<vmem>>
        %dma_start3A_425 = tpu.memref_squeeze %dma_start3A_424 : memref<1x1x48xi32, #tpu.memory_space<vmem>> -> memref<48xi32, #tpu.memory_space<vmem>>
        %dma_start3A_426 = tpu.memref_slice %arg5[%add3A_421] : memref<330240xi32, #tpu.memory_space<hbm>> -> memref<48xi32, #tpu.memory_space<hbm>>
        %dma_start3A_427 = tpu.memref_slice %arg19[%sub3A] : memref<2x!tpu.dma_semaphore, #tpu.memory_space<semaphore_mem>> -> memref<1x!tpu.dma_semaphore, #tpu.memory_space<semaphore_mem>>
        %dma_start3A_428 = tpu.memref_squeeze %dma_start3A_427 : memref<1x!tpu.dma_semaphore, #tpu.memory_space<semaphore_mem>> -> memref<!tpu.dma_semaphore, #tpu.memory_space<semaphore_mem>>
        %dma_start3A_429 = arith.constant 0 : i32
        %dma_start3A_430 = tpu.memref_slice %arg11[%sub3A, %dma_start3A_422, %dma_start3A_429] : memref<2x10x48xi32, #tpu.memory_space<vmem>> -> memref<1x1x48xi32, #tpu.memory_space<vmem>>
        %dma_start3A_431 = tpu.memref_squeeze %dma_start3A_430 : memref<1x1x48xi32, #tpu.memory_space<vmem>> -> memref<48xi32, #tpu.memory_space<vmem>>
        %dma_start3A_432 = tpu.memref_slice %arg5[%add3A_421] : memref<330240xi32, #tpu.memory_space<hbm>> -> memref<48xi32, #tpu.memory_space<hbm>>
        tpu.enqueue_dma source(%dma_start3A_432 : memref<48xi32, #tpu.memory_space<hbm>>) target(%dma_start3A_431 : memref<48xi32, #tpu.memory_space<vmem>>) target_semaphore(%dma_start3A_428 : memref<!tpu.dma_semaphore, #tpu.memory_space<semaphore_mem>>)
        %add3A_433 = arith.constant 96 : i32
        %add3A_434 = arith.addi %add3A_392, %add3A_433 : i32
        %dma_start3A_435 = arith.constant 2 : i32
        %dma_start3A_436 = arith.constant 0 : i32
        %dma_start3A_437 = tpu.memref_slice %arg11[%sub3A, %dma_start3A_435, %dma_start3A_436] : memref<2x10x48xi32, #tpu.memory_space<vmem>> -> memref<1x1x48xi32, #tpu.memory_space<vmem>>
        %dma_start3A_438 = tpu.memref_squeeze %dma_start3A_437 : memref<1x1x48xi32, #tpu.memory_space<vmem>> -> memref<48xi32, #tpu.memory_space<vmem>>
        %dma_start3A_439 = tpu.memref_slice %arg5[%add3A_434] : memref<330240xi32, #tpu.memory_space<hbm>> -> memref<48xi32, #tpu.memory_space<hbm>>
        %dma_start3A_440 = tpu.memref_slice %arg19[%sub3A] : memref<2x!tpu.dma_semaphore, #tpu.memory_space<semaphore_mem>> -> memref<1x!tpu.dma_semaphore, #tpu.memory_space<semaphore_mem>>
        %dma_start3A_441 = tpu.memref_squeeze %dma_start3A_440 : memref<1x!tpu.dma_semaphore, #tpu.memory_space<semaphore_mem>> -> memref<!tpu.dma_semaphore, #tpu.memory_space<semaphore_mem>>
        %dma_start3A_442 = arith.constant 0 : i32
        %dma_start3A_443 = tpu.memref_slice %arg11[%sub3A, %dma_start3A_435, %dma_start3A_442] : memref<2x10x48xi32, #tpu.memory_space<vmem>> -> memref<1x1x48xi32, #tpu.memory_space<vmem>>
        %dma_start3A_444 = tpu.memref_squeeze %dma_start3A_443 : memref<1x1x48xi32, #tpu.memory_space<vmem>> -> memref<48xi32, #tpu.memory_space<vmem>>
        %dma_start3A_445 = tpu.memref_slice %arg5[%add3A_434] : memref<330240xi32, #tpu.memory_space<hbm>> -> memref<48xi32, #tpu.memory_space<hbm>>
        tpu.enqueue_dma source(%dma_start3A_445 : memref<48xi32, #tpu.memory_space<hbm>>) target(%dma_start3A_444 : memref<48xi32, #tpu.memory_space<vmem>>) target_semaphore(%dma_start3A_441 : memref<!tpu.dma_semaphore, #tpu.memory_space<semaphore_mem>>)
        %add3A_446 = arith.constant 144 : i32
        %add3A_447 = arith.addi %add3A_392, %add3A_446 : i32
        %dma_start3A_448 = arith.constant 3 : i32
        %dma_start3A_449 = arith.constant 0 : i32
        %dma_start3A_450 = tpu.memref_slice %arg11[%sub3A, %dma_start3A_448, %dma_start3A_449] : memref<2x10x48xi32, #tpu.memory_space<vmem>> -> memref<1x1x48xi32, #tpu.memory_space<vmem>>
        %dma_start3A_451 = tpu.memref_squeeze %dma_start3A_450 : memref<1x1x48xi32, #tpu.memory_space<vmem>> -> memref<48xi32, #tpu.memory_space<vmem>>
        %dma_start3A_452 = tpu.memref_slice %arg5[%add3A_447] : memref<330240xi32, #tpu.memory_space<hbm>> -> memref<48xi32, #tpu.memory_space<hbm>>
        %dma_start3A_453 = tpu.memref_slice %arg19[%sub3A] : memref<2x!tpu.dma_semaphore, #tpu.memory_space<semaphore_mem>> -> memref<1x!tpu.dma_semaphore, #tpu.memory_space<semaphore_mem>>
        %dma_start3A_454 = tpu.memref_squeeze %dma_start3A_453 : memref<1x!tpu.dma_semaphore, #tpu.memory_space<semaphore_mem>> -> memref<!tpu.dma_semaphore, #tpu.memory_space<semaphore_mem>>
        %dma_start3A_455 = arith.constant 0 : i32
        %dma_start3A_456 = tpu.memref_slice %arg11[%sub3A, %dma_start3A_448, %dma_start3A_455] : memref<2x10x48xi32, #tpu.memory_space<vmem>> -> memref<1x1x48xi32, #tpu.memory_space<vmem>>
        %dma_start3A_457 = tpu.memref_squeeze %dma_start3A_456 : memref<1x1x48xi32, #tpu.memory_space<vmem>> -> memref<48xi32, #tpu.memory_space<vmem>>
        %dma_start3A_458 = tpu.memref_slice %arg5[%add3A_447] : memref<330240xi32, #tpu.memory_space<hbm>> -> memref<48xi32, #tpu.memory_space<hbm>>
        tpu.enqueue_dma source(%dma_start3A_458 : memref<48xi32, #tpu.memory_space<hbm>>) target(%dma_start3A_457 : memref<48xi32, #tpu.memory_space<vmem>>) target_semaphore(%dma_start3A_454 : memref<!tpu.dma_semaphore, #tpu.memory_space<semaphore_mem>>)
        %add3A_459 = arith.constant 192 : i32
        %add3A_460 = arith.addi %add3A_392, %add3A_459 : i32
        %dma_start3A_461 = arith.constant 4 : i32
        %dma_start3A_462 = arith.constant 0 : i32
        %dma_start3A_463 = tpu.memref_slice %arg11[%sub3A, %dma_start3A_461, %dma_start3A_462] : memref<2x10x48xi32, #tpu.memory_space<vmem>> -> memref<1x1x48xi32, #tpu.memory_space<vmem>>
        %dma_start3A_464 = tpu.memref_squeeze %dma_start3A_463 : memref<1x1x48xi32, #tpu.memory_space<vmem>> -> memref<48xi32, #tpu.memory_space<vmem>>
        %dma_start3A_465 = tpu.memref_slice %arg5[%add3A_460] : memref<330240xi32, #tpu.memory_space<hbm>> -> memref<48xi32, #tpu.memory_space<hbm>>
        %dma_start3A_466 = tpu.memref_slice %arg19[%sub3A] : memref<2x!tpu.dma_semaphore, #tpu.memory_space<semaphore_mem>> -> memref<1x!tpu.dma_semaphore, #tpu.memory_space<semaphore_mem>>
        %dma_start3A_467 = tpu.memref_squeeze %dma_start3A_466 : memref<1x!tpu.dma_semaphore, #tpu.memory_space<semaphore_mem>> -> memref<!tpu.dma_semaphore, #tpu.memory_space<semaphore_mem>>
        %dma_start3A_468 = arith.constant 0 : i32
        %dma_start3A_469 = tpu.memref_slice %arg11[%sub3A, %dma_start3A_461, %dma_start3A_468] : memref<2x10x48xi32, #tpu.memory_space<vmem>> -> memref<1x1x48xi32, #tpu.memory_space<vmem>>
        %dma_start3A_470 = tpu.memref_squeeze %dma_start3A_469 : memref<1x1x48xi32, #tpu.memory_space<vmem>> -> memref<48xi32, #tpu.memory_space<vmem>>
        %dma_start3A_471 = tpu.memref_slice %arg5[%add3A_460] : memref<330240xi32, #tpu.memory_space<hbm>> -> memref<48xi32, #tpu.memory_space<hbm>>
        tpu.enqueue_dma source(%dma_start3A_471 : memref<48xi32, #tpu.memory_space<hbm>>) target(%dma_start3A_470 : memref<48xi32, #tpu.memory_space<vmem>>) target_semaphore(%dma_start3A_467 : memref<!tpu.dma_semaphore, #tpu.memory_space<semaphore_mem>>)
        %add3A_472 = arith.constant 240 : i32
        %add3A_473 = arith.addi %add3A_392, %add3A_472 : i32
        %dma_start3A_474 = arith.constant 5 : i32
        %dma_start3A_475 = arith.constant 0 : i32
        %dma_start3A_476 = tpu.memref_slice %arg11[%sub3A, %dma_start3A_474, %dma_start3A_475] : memref<2x10x48xi32, #tpu.memory_space<vmem>> -> memref<1x1x48xi32, #tpu.memory_space<vmem>>
        %dma_start3A_477 = tpu.memref_squeeze %dma_start3A_476 : memref<1x1x48xi32, #tpu.memory_space<vmem>> -> memref<48xi32, #tpu.memory_space<vmem>>
        %dma_start3A_478 = tpu.memref_slice %arg5[%add3A_473] : memref<330240xi32, #tpu.memory_space<hbm>> -> memref<48xi32, #tpu.memory_space<hbm>>
        %dma_start3A_479 = tpu.memref_slice %arg19[%sub3A] : memref<2x!tpu.dma_semaphore, #tpu.memory_space<semaphore_mem>> -> memref<1x!tpu.dma_semaphore, #tpu.memory_space<semaphore_mem>>
        %dma_start3A_480 = tpu.memref_squeeze %dma_start3A_479 : memref<1x!tpu.dma_semaphore, #tpu.memory_space<semaphore_mem>> -> memref<!tpu.dma_semaphore, #tpu.memory_space<semaphore_mem>>
        %dma_start3A_481 = arith.constant 0 : i32
        %dma_start3A_482 = tpu.memref_slice %arg11[%sub3A, %dma_start3A_474, %dma_start3A_481] : memref<2x10x48xi32, #tpu.memory_space<vmem>> -> memref<1x1x48xi32, #tpu.memory_space<vmem>>
        %dma_start3A_483 = tpu.memref_squeeze %dma_start3A_482 : memref<1x1x48xi32, #tpu.memory_space<vmem>> -> memref<48xi32, #tpu.memory_space<vmem>>
        %dma_start3A_484 = tpu.memref_slice %arg5[%add3A_473] : memref<330240xi32, #tpu.memory_space<hbm>> -> memref<48xi32, #tpu.memory_space<hbm>>
        tpu.enqueue_dma source(%dma_start3A_484 : memref<48xi32, #tpu.memory_space<hbm>>) target(%dma_start3A_483 : memref<48xi32, #tpu.memory_space<vmem>>) target_semaphore(%dma_start3A_480 : memref<!tpu.dma_semaphore, #tpu.memory_space<semaphore_mem>>)
        %add3A_485 = arith.constant 288 : i32
        %add3A_486 = arith.addi %add3A_392, %add3A_485 : i32
        %dma_start3A_487 = arith.constant 6 : i32
        %dma_start3A_488 = arith.constant 0 : i32
        %dma_start3A_489 = tpu.memref_slice %arg11[%sub3A, %dma_start3A_487, %dma_start3A_488] : memref<2x10x48xi32, #tpu.memory_space<vmem>> -> memref<1x1x48xi32, #tpu.memory_space<vmem>>
        %dma_start3A_490 = tpu.memref_squeeze %dma_start3A_489 : memref<1x1x48xi32, #tpu.memory_space<vmem>> -> memref<48xi32, #tpu.memory_space<vmem>>
        %dma_start3A_491 = tpu.memref_slice %arg5[%add3A_486] : memref<330240xi32, #tpu.memory_space<hbm>> -> memref<48xi32, #tpu.memory_space<hbm>>
        %dma_start3A_492 = tpu.memref_slice %arg19[%sub3A] : memref<2x!tpu.dma_semaphore, #tpu.memory_space<semaphore_mem>> -> memref<1x!tpu.dma_semaphore, #tpu.memory_space<semaphore_mem>>
        %dma_start3A_493 = tpu.memref_squeeze %dma_start3A_492 : memref<1x!tpu.dma_semaphore, #tpu.memory_space<semaphore_mem>> -> memref<!tpu.dma_semaphore, #tpu.memory_space<semaphore_mem>>
        %dma_start3A_494 = arith.constant 0 : i32
        %dma_start3A_495 = tpu.memref_slice %arg11[%sub3A, %dma_start3A_487, %dma_start3A_494] : memref<2x10x48xi32, #tpu.memory_space<vmem>> -> memref<1x1x48xi32, #tpu.memory_space<vmem>>
        %dma_start3A_496 = tpu.memref_squeeze %dma_start3A_495 : memref<1x1x48xi32, #tpu.memory_space<vmem>> -> memref<48xi32, #tpu.memory_space<vmem>>
        %dma_start3A_497 = tpu.memref_slice %arg5[%add3A_486] : memref<330240xi32, #tpu.memory_space<hbm>> -> memref<48xi32, #tpu.memory_space<hbm>>
        tpu.enqueue_dma source(%dma_start3A_497 : memref<48xi32, #tpu.memory_space<hbm>>) target(%dma_start3A_496 : memref<48xi32, #tpu.memory_space<vmem>>) target_semaphore(%dma_start3A_493 : memref<!tpu.dma_semaphore, #tpu.memory_space<semaphore_mem>>)
        %add3A_498 = arith.constant 336 : i32
        %add3A_499 = arith.addi %add3A_392, %add3A_498 : i32
        %dma_start3A_500 = arith.constant 7 : i32
        %dma_start3A_501 = arith.constant 0 : i32
        %dma_start3A_502 = tpu.memref_slice %arg11[%sub3A, %dma_start3A_500, %dma_start3A_501] : memref<2x10x48xi32, #tpu.memory_space<vmem>> -> memref<1x1x48xi32, #tpu.memory_space<vmem>>
        %dma_start3A_503 = tpu.memref_squeeze %dma_start3A_502 : memref<1x1x48xi32, #tpu.memory_space<vmem>> -> memref<48xi32, #tpu.memory_space<vmem>>
        %dma_start3A_504 = tpu.memref_slice %arg5[%add3A_499] : memref<330240xi32, #tpu.memory_space<hbm>> -> memref<48xi32, #tpu.memory_space<hbm>>
        %dma_start3A_505 = tpu.memref_slice %arg19[%sub3A] : memref<2x!tpu.dma_semaphore, #tpu.memory_space<semaphore_mem>> -> memref<1x!tpu.dma_semaphore, #tpu.memory_space<semaphore_mem>>
        %dma_start3A_506 = tpu.memref_squeeze %dma_start3A_505 : memref<1x!tpu.dma_semaphore, #tpu.memory_space<semaphore_mem>> -> memref<!tpu.dma_semaphore, #tpu.memory_space<semaphore_mem>>
        %dma_start3A_507 = arith.constant 0 : i32
        %dma_start3A_508 = tpu.memref_slice %arg11[%sub3A, %dma_start3A_500, %dma_start3A_507] : memref<2x10x48xi32, #tpu.memory_space<vmem>> -> memref<1x1x48xi32, #tpu.memory_space<vmem>>
        %dma_start3A_509 = tpu.memref_squeeze %dma_start3A_508 : memref<1x1x48xi32, #tpu.memory_space<vmem>> -> memref<48xi32, #tpu.memory_space<vmem>>
        %dma_start3A_510 = tpu.memref_slice %arg5[%add3A_499] : memref<330240xi32, #tpu.memory_space<hbm>> -> memref<48xi32, #tpu.memory_space<hbm>>
        tpu.enqueue_dma source(%dma_start3A_510 : memref<48xi32, #tpu.memory_space<hbm>>) target(%dma_start3A_509 : memref<48xi32, #tpu.memory_space<vmem>>) target_semaphore(%dma_start3A_506 : memref<!tpu.dma_semaphore, #tpu.memory_space<semaphore_mem>>)
        %add3A_511 = arith.constant 384 : i32
        %add3A_512 = arith.addi %add3A_392, %add3A_511 : i32
        %dma_start3A_513 = arith.constant 8 : i32
        %dma_start3A_514 = arith.constant 0 : i32
        %dma_start3A_515 = tpu.memref_slice %arg11[%sub3A, %dma_start3A_513, %dma_start3A_514] : memref<2x10x48xi32, #tpu.memory_space<vmem>> -> memref<1x1x48xi32, #tpu.memory_space<vmem>>
        %dma_start3A_516 = tpu.memref_squeeze %dma_start3A_515 : memref<1x1x48xi32, #tpu.memory_space<vmem>> -> memref<48xi32, #tpu.memory_space<vmem>>
        %dma_start3A_517 = tpu.memref_slice %arg5[%add3A_512] : memref<330240xi32, #tpu.memory_space<hbm>> -> memref<48xi32, #tpu.memory_space<hbm>>
        %dma_start3A_518 = tpu.memref_slice %arg19[%sub3A] : memref<2x!tpu.dma_semaphore, #tpu.memory_space<semaphore_mem>> -> memref<1x!tpu.dma_semaphore, #tpu.memory_space<semaphore_mem>>
        %dma_start3A_519 = tpu.memref_squeeze %dma_start3A_518 : memref<1x!tpu.dma_semaphore, #tpu.memory_space<semaphore_mem>> -> memref<!tpu.dma_semaphore, #tpu.memory_space<semaphore_mem>>
        %dma_start3A_520 = arith.constant 0 : i32
        %dma_start3A_521 = tpu.memref_slice %arg11[%sub3A, %dma_start3A_513, %dma_start3A_520] : memref<2x10x48xi32, #tpu.memory_space<vmem>> -> memref<1x1x48xi32, #tpu.memory_space<vmem>>
        %dma_start3A_522 = tpu.memref_squeeze %dma_start3A_521 : memref<1x1x48xi32, #tpu.memory_space<vmem>> -> memref<48xi32, #tpu.memory_space<vmem>>
        %dma_start3A_523 = tpu.memref_slice %arg5[%add3A_512] : memref<330240xi32, #tpu.memory_space<hbm>> -> memref<48xi32, #tpu.memory_space<hbm>>
        tpu.enqueue_dma source(%dma_start3A_523 : memref<48xi32, #tpu.memory_space<hbm>>) target(%dma_start3A_522 : memref<48xi32, #tpu.memory_space<vmem>>) target_semaphore(%dma_start3A_519 : memref<!tpu.dma_semaphore, #tpu.memory_space<semaphore_mem>>)
        %add3A_524 = arith.constant 432 : i32
        %add3A_525 = arith.addi %add3A_392, %add3A_524 : i32
        %dma_start3A_526 = arith.constant 9 : i32
        %dma_start3A_527 = arith.constant 0 : i32
        %dma_start3A_528 = tpu.memref_slice %arg11[%sub3A, %dma_start3A_526, %dma_start3A_527] : memref<2x10x48xi32, #tpu.memory_space<vmem>> -> memref<1x1x48xi32, #tpu.memory_space<vmem>>
        %dma_start3A_529 = tpu.memref_squeeze %dma_start3A_528 : memref<1x1x48xi32, #tpu.memory_space<vmem>> -> memref<48xi32, #tpu.memory_space<vmem>>
        %dma_start3A_530 = tpu.memref_slice %arg5[%add3A_525] : memref<330240xi32, #tpu.memory_space<hbm>> -> memref<48xi32, #tpu.memory_space<hbm>>
        %dma_start3A_531 = tpu.memref_slice %arg19[%sub3A] : memref<2x!tpu.dma_semaphore, #tpu.memory_space<semaphore_mem>> -> memref<1x!tpu.dma_semaphore, #tpu.memory_space<semaphore_mem>>
        %dma_start3A_532 = tpu.memref_squeeze %dma_start3A_531 : memref<1x!tpu.dma_semaphore, #tpu.memory_space<semaphore_mem>> -> memref<!tpu.dma_semaphore, #tpu.memory_space<semaphore_mem>>
        %dma_start3A_533 = arith.constant 0 : i32
        %dma_start3A_534 = tpu.memref_slice %arg11[%sub3A, %dma_start3A_526, %dma_start3A_533] : memref<2x10x48xi32, #tpu.memory_space<vmem>> -> memref<1x1x48xi32, #tpu.memory_space<vmem>>
        %dma_start3A_535 = tpu.memref_squeeze %dma_start3A_534 : memref<1x1x48xi32, #tpu.memory_space<vmem>> -> memref<48xi32, #tpu.memory_space<vmem>>
        %dma_start3A_536 = tpu.memref_slice %arg5[%add3A_525] : memref<330240xi32, #tpu.memory_space<hbm>> -> memref<48xi32, #tpu.memory_space<hbm>>
        tpu.enqueue_dma source(%dma_start3A_536 : memref<48xi32, #tpu.memory_space<hbm>>) target(%dma_start3A_535 : memref<48xi32, #tpu.memory_space<vmem>>) target_semaphore(%dma_start3A_532 : memref<!tpu.dma_semaphore, #tpu.memory_space<semaphore_mem>>)
      } else {
      }
      %dma_wait3A_333 = arith.constant 0 : i32
      %dma_wait3A_334 = arith.constant 0 : i32
      %dma_wait3A_335 = tpu.memref_slice %arg14[%and3A, %dma_wait3A_333, %dma_wait3A_334] : memref<2x48x128xf32, #tpu.memory_space<vmem>> -> memref<1x48x128xf32, #tpu.memory_space<vmem>>
      %dma_wait3A_336 = tpu.memref_squeeze %dma_wait3A_335 : memref<1x48x128xf32, #tpu.memory_space<vmem>> -> memref<48x128xf32, #tpu.memory_space<vmem>>
      %dma_wait3A_337 = arith.constant 0 : i32
      %dma_wait3A_338 = tpu.memref_slice %arg13[%and3A, %dma_wait3A_337] : memref<2x48xi32, #tpu.memory_space<vmem>> -> memref<1x48xi32, #tpu.memory_space<vmem>>
      %dma_wait3A_339 = tpu.memref_squeeze %dma_wait3A_338 : memref<1x48xi32, #tpu.memory_space<vmem>> -> memref<48xi32, #tpu.memory_space<vmem>>
      %dma_wait3A_340 = arith.constant 0 : i32
      %dma_wait3A_341 = arith.constant 0 : i32
      %dma_wait3A_342 = tpu.memref_slice %arg2[%dma_wait3A_340, %dma_wait3A_341] : memref<20224x128xf32, #tpu.memory_space<hbm>> -> memref<20224x128xf32, #tpu.memory_space<hbm>>
      %dma_wait3A_343 = tpu.memref_slice %arg17[%and3A] : memref<2x!tpu.dma_semaphore, #tpu.memory_space<semaphore_mem>> -> memref<1x!tpu.dma_semaphore, #tpu.memory_space<semaphore_mem>>
      %dma_wait3A_344 = tpu.memref_squeeze %dma_wait3A_343 : memref<1x!tpu.dma_semaphore, #tpu.memory_space<semaphore_mem>> -> memref<!tpu.dma_semaphore, #tpu.memory_space<semaphore_mem>>
      tpu.wait_indirect_dma semaphore(%dma_wait3A_344 : memref<!tpu.dma_semaphore, #tpu.memory_space<semaphore_mem>>) src(%dma_wait3A_342 : memref<20224x128xf32, #tpu.memory_space<hbm>>) dst(%dma_wait3A_336 : memref<48x128xf32, #tpu.memory_space<vmem>>)
      %dma_wait3A_345 = arith.constant 0 : i32
      %dma_wait3A_346 = arith.constant 0 : i32
      %dma_wait3A_347 = arith.constant 0 : i32
      %dma_wait3A_348 = arith.constant 0 : i32
      %dma_wait3A_349 = tpu.memref_slice %arg15[%and3A, %dma_wait3A_347, %dma_wait3A_348] : memref<2x48x128xf32, #tpu.memory_space<vmem>> -> memref<1x48x128xf32, #tpu.memory_space<vmem>>
      %dma_wait3A_350 = tpu.memref_squeeze %dma_wait3A_349 : memref<1x48x128xf32, #tpu.memory_space<vmem>> -> memref<48x128xf32, #tpu.memory_space<vmem>>
      %dma_wait3A_351 = arith.constant 0 : i32
      %dma_wait3A_352 = tpu.memref_slice %arg11[%dma_wait3A_345, %dma_wait3A_346, %dma_wait3A_351] : memref<2x10x48xi32, #tpu.memory_space<vmem>> -> memref<1x1x48xi32, #tpu.memory_space<vmem>>
      %dma_wait3A_353 = tpu.memref_squeeze %dma_wait3A_352 : memref<1x1x48xi32, #tpu.memory_space<vmem>> -> memref<48xi32, #tpu.memory_space<vmem>>
      %dma_wait3A_354 = arith.constant 0 : i32
      %dma_wait3A_355 = arith.constant 0 : i32
      %dma_wait3A_356 = tpu.memref_slice %arg3[%dma_wait3A_354, %dma_wait3A_355] : memref<10112x128xf32, #tpu.memory_space<hbm>> -> memref<10112x128xf32, #tpu.memory_space<hbm>>
      %dma_wait3A_357 = tpu.memref_slice %arg17[%and3A] : memref<2x!tpu.dma_semaphore, #tpu.memory_space<semaphore_mem>> -> memref<1x!tpu.dma_semaphore, #tpu.memory_space<semaphore_mem>>
      %dma_wait3A_358 = tpu.memref_squeeze %dma_wait3A_357 : memref<1x!tpu.dma_semaphore, #tpu.memory_space<semaphore_mem>> -> memref<!tpu.dma_semaphore, #tpu.memory_space<semaphore_mem>>
      tpu.wait_indirect_dma semaphore(%dma_wait3A_358 : memref<!tpu.dma_semaphore, #tpu.memory_space<semaphore_mem>>) src(%dma_wait3A_356 : memref<10112x128xf32, #tpu.memory_space<hbm>>) dst(%dma_wait3A_350 : memref<48x128xf32, #tpu.memory_space<vmem>>)
      %mul3A_359 = arith.constant 480 : i32
      %mul3A_360 = arith.muli %and3A_307, %mul3A_359 : i32
      %mul3A_361 = arith.constant 48 : i32
      %mul3A_362 = arith.muli %rem3A_305, %mul3A_361 : i32
      %add3A_363 = arith.addi %mul3A_360, %mul3A_362 : i32
      %while3A_364 = arith.constant 0 : i64
      %while3A_365 = arith.constant 0 : i32
      %while3A_366 = arith.constant 1 : i32
      %while3A_367 = arith.subi %while3A_366, %while3A_365 : i32
      %while3A_368 = arith.addi %while3A_365, %while3A_367 : i32
      %while3A_369 = arith.constant 1 : i32
      %while3A_370 = arith.divsi %while3A_367, %while3A_369 : i32
      %while3A_371 = arith.muli %while3A_370, %while3A_369 : i32
      %while3A_372 = arith.addi %while3A_365, %while3A_371 : i32
      %while3A_373 = arith.constant 1 : i32
      scf.for %while3A_387 = %while3A_365 to %while3A_372 step %while3A_373  : i32 {
        %add3A_388 = arith.addi %add3A_363, %while3A_387 : i32
        %broadcast_in_dim3A = vector.broadcast %add3A_388 : i32 to vector<16xi32>
        %gather3A = tpu.vector_load_idx %arg12[%broadcast_in_dim3A] : memref<960xf32, #tpu.memory_space<vmem>>[vector<16xi32>], vector<16xf32>,
        %get3A_389 = arith.index_cast %and3A : i32 to index
        %get3A_390 = arith.index_cast %while3A_387 : i32 to index
        %get3A_391 = arith.constant 0 : index
        %get3A_392 = tpu.vector_load %arg14[%get3A_389, %get3A_390, %get3A_391] {strides = array<i32>} : memref<2x48x128xf32, #tpu.memory_space<vmem>>, vector<16xf32>,
        %add3A_393 = arith.constant 0 : i32
        %add3A_394 = arith.addi %mul3A_6, %add3A_393 : i32
        %get3A_395 = arith.index_cast %and3A : i32 to index
        %get3A_396 = arith.index_cast %while3A_387 : i32 to index
        %get3A_397 = arith.index_cast %add3A_394 : i32 to index
        %get3A_398 = tpu.vector_load %arg15[%get3A_395, %get3A_396, %get3A_397] {strides = array<i32>} : memref<2x48x128xf32, #tpu.memory_space<vmem>>, vector<16xf32>,
        %add3A_399 = arith.addf %get3A_392, %get3A_398 : vector<16xf32>
        %mul3A_400 = arith.constant 2.500000e-01 : f32
        %mul3A_401 = vector.broadcast %mul3A_400 : f32 to vector<16xf32>
        %mul3A_402 = arith.mulf %mul3A_401, %add3A_399 : vector<16xf32>
        %max3A = arith.maximumf %add3A_399, %mul3A_402 : vector<16xf32>
        %mul3A_403 = arith.mulf %max3A, %gather3A : vector<16xf32>
        %exp3A = math.exp %mul3A_403 : vector<16xf32>
        %swap3A_404 = arith.index_cast %and3A : i32 to index
        %swap3A_405 = arith.index_cast %while3A_387 : i32 to index
        %swap3A_406 = arith.constant 0 : index
        %swap3A_407 = tpu.vector_load %arg16[%swap3A_404, %swap3A_405, %swap3A_406] {strides = array<i32>} : memref<2x48x128xf32, #tpu.memory_space<vmem>>, vector<16xf32>,
        tpu.vector_store %arg16[%swap3A_404, %swap3A_405, %swap3A_406], %exp3A {strides = array<i32>} : memref<2x48x128xf32, #tpu.memory_space<vmem>>, vector<16xf32>,
        %get3A_408 = arith.index_cast %and3A : i32 to index
        %get3A_409 = arith.index_cast %while3A_387 : i32 to index
        %get3A_410 = arith.constant 64 : index
        %get3A_411 = tpu.vector_load %arg14[%get3A_408, %get3A_409, %get3A_410] {strides = array<i32>} : memref<2x48x128xf32, #tpu.memory_space<vmem>>, vector<16xf32>,
        %mul3A_412 = arith.mulf %exp3A, %get3A_411 : vector<16xf32>
        %swap3A_413 = arith.index_cast %and3A : i32 to index
        %swap3A_414 = arith.index_cast %while3A_387 : i32 to index
        %swap3A_415 = arith.constant 64 : index
        %swap3A_416 = tpu.vector_load %arg16[%swap3A_413, %swap3A_414, %swap3A_415] {strides = array<i32>} : memref<2x48x128xf32, #tpu.memory_space<vmem>>, vector<16xf32>,
        tpu.vector_store %arg16[%swap3A_413, %swap3A_414, %swap3A_415], %mul3A_412 {strides = array<i32>} : memref<2x48x128xf32, #tpu.memory_space<vmem>>, vector<16xf32>,
        %get3A_417 = arith.index_cast %and3A : i32 to index
        %get3A_418 = arith.index_cast %while3A_387 : i32 to index
        %get3A_419 = arith.constant 16 : index
        %get3A_420 = tpu.vector_load %arg14[%get3A_417, %get3A_418, %get3A_419] {strides = array<i32>} : memref<2x48x128xf32, #tpu.memory_space<vmem>>, vector<16xf32>,
        %add3A_421 = arith.constant 16 : i32
        %add3A_422 = arith.addi %mul3A_6, %add3A_421 : i32
        %get3A_423 = arith.index_cast %and3A : i32 to index
        %get3A_424 = arith.index_cast %while3A_387 : i32 to index
        %get3A_425 = arith.index_cast %add3A_422 : i32 to index
        %get3A_426 = tpu.vector_load %arg15[%get3A_423, %get3A_424, %get3A_425] {strides = array<i32>} : memref<2x48x128xf32, #tpu.memory_space<vmem>>, vector<16xf32>,
        %add3A_427 = arith.addf %get3A_420, %get3A_426 : vector<16xf32>
        %mul3A_428 = arith.constant 2.500000e-01 : f32
        %mul3A_429 = vector.broadcast %mul3A_428 : f32 to vector<16xf32>
        %mul3A_430 = arith.mulf %mul3A_429, %add3A_427 : vector<16xf32>
        %max3A_431 = arith.maximumf %add3A_427, %mul3A_430 : vector<16xf32>
        %mul3A_432 = arith.mulf %max3A_431, %gather3A : vector<16xf32>
        %exp3A_433 = math.exp %mul3A_432 : vector<16xf32>
        %swap3A_434 = arith.index_cast %and3A : i32 to index
        %swap3A_435 = arith.index_cast %while3A_387 : i32 to index
        %swap3A_436 = arith.constant 16 : index
        %swap3A_437 = tpu.vector_load %arg16[%swap3A_434, %swap3A_435, %swap3A_436] {strides = array<i32>} : memref<2x48x128xf32, #tpu.memory_space<vmem>>, vector<16xf32>,
        tpu.vector_store %arg16[%swap3A_434, %swap3A_435, %swap3A_436], %exp3A_433 {strides = array<i32>} : memref<2x48x128xf32, #tpu.memory_space<vmem>>, vector<16xf32>,
        %get3A_438 = arith.index_cast %and3A : i32 to index
        %get3A_439 = arith.index_cast %while3A_387 : i32 to index
        %get3A_440 = arith.constant 80 : index
        %get3A_441 = tpu.vector_load %arg14[%get3A_438, %get3A_439, %get3A_440] {strides = array<i32>} : memref<2x48x128xf32, #tpu.memory_space<vmem>>, vector<16xf32>,
        %mul3A_442 = arith.mulf %exp3A_433, %get3A_441 : vector<16xf32>
        %swap3A_443 = arith.index_cast %and3A : i32 to index
        %swap3A_444 = arith.index_cast %while3A_387 : i32 to index
        %swap3A_445 = arith.constant 80 : index
        %swap3A_446 = tpu.vector_load %arg16[%swap3A_443, %swap3A_444, %swap3A_445] {strides = array<i32>} : memref<2x48x128xf32, #tpu.memory_space<vmem>>, vector<16xf32>,
        tpu.vector_store %arg16[%swap3A_443, %swap3A_444, %swap3A_445], %mul3A_442 {strides = array<i32>} : memref<2x48x128xf32, #tpu.memory_space<vmem>>, vector<16xf32>,
        %get3A_447 = arith.index_cast %and3A : i32 to index
        %get3A_448 = arith.index_cast %while3A_387 : i32 to index
        %get3A_449 = arith.constant 32 : index
        %get3A_450 = tpu.vector_load %arg14[%get3A_447, %get3A_448, %get3A_449] {strides = array<i32>} : memref<2x48x128xf32, #tpu.memory_space<vmem>>, vector<16xf32>,
        %add3A_451 = arith.constant 32 : i32
        %add3A_452 = arith.addi %mul3A_6, %add3A_451 : i32
        %get3A_453 = arith.index_cast %and3A : i32 to index
        %get3A_454 = arith.index_cast %while3A_387 : i32 to index
        %get3A_455 = arith.index_cast %add3A_452 : i32 to index
        %get3A_456 = tpu.vector_load %arg15[%get3A_453, %get3A_454, %get3A_455] {strides = array<i32>} : memref<2x48x128xf32, #tpu.memory_space<vmem>>, vector<16xf32>,
        %add3A_457 = arith.addf %get3A_450, %get3A_456 : vector<16xf32>
        %mul3A_458 = arith.constant 2.500000e-01 : f32
        %mul3A_459 = vector.broadcast %mul3A_458 : f32 to vector<16xf32>
        %mul3A_460 = arith.mulf %mul3A_459, %add3A_457 : vector<16xf32>
        %max3A_461 = arith.maximumf %add3A_457, %mul3A_460 : vector<16xf32>
        %mul3A_462 = arith.mulf %max3A_461, %gather3A : vector<16xf32>
        %exp3A_463 = math.exp %mul3A_462 : vector<16xf32>
        %swap3A_464 = arith.index_cast %and3A : i32 to index
        %swap3A_465 = arith.index_cast %while3A_387 : i32 to index
        %swap3A_466 = arith.constant 32 : index
        %swap3A_467 = tpu.vector_load %arg16[%swap3A_464, %swap3A_465, %swap3A_466] {strides = array<i32>} : memref<2x48x128xf32, #tpu.memory_space<vmem>>, vector<16xf32>,
        tpu.vector_store %arg16[%swap3A_464, %swap3A_465, %swap3A_466], %exp3A_463 {strides = array<i32>} : memref<2x48x128xf32, #tpu.memory_space<vmem>>, vector<16xf32>,
        %get3A_468 = arith.index_cast %and3A : i32 to index
        %get3A_469 = arith.index_cast %while3A_387 : i32 to index
        %get3A_470 = arith.constant 96 : index
        %get3A_471 = tpu.vector_load %arg14[%get3A_468, %get3A_469, %get3A_470] {strides = array<i32>} : memref<2x48x128xf32, #tpu.memory_space<vmem>>, vector<16xf32>,
        %mul3A_472 = arith.mulf %exp3A_463, %get3A_471 : vector<16xf32>
        %swap3A_473 = arith.index_cast %and3A : i32 to index
        %swap3A_474 = arith.index_cast %while3A_387 : i32 to index
        %swap3A_475 = arith.constant 96 : index
        %swap3A_476 = tpu.vector_load %arg16[%swap3A_473, %swap3A_474, %swap3A_475] {strides = array<i32>} : memref<2x48x128xf32, #tpu.memory_space<vmem>>, vector<16xf32>,
        tpu.vector_store %arg16[%swap3A_473, %swap3A_474, %swap3A_475], %mul3A_472 {strides = array<i32>} : memref<2x48x128xf32, #tpu.memory_space<vmem>>, vector<16xf32>,
        %get3A_477 = arith.index_cast %and3A : i32 to index
        %get3A_478 = arith.index_cast %while3A_387 : i32 to index
        %get3A_479 = arith.constant 48 : index
        %get3A_480 = tpu.vector_load %arg14[%get3A_477, %get3A_478, %get3A_479] {strides = array<i32>} : memref<2x48x128xf32, #tpu.memory_space<vmem>>, vector<16xf32>,
        %add3A_481 = arith.constant 48 : i32
        %add3A_482 = arith.addi %mul3A_6, %add3A_481 : i32
        %get3A_483 = arith.index_cast %and3A : i32 to index
        %get3A_484 = arith.index_cast %while3A_387 : i32 to index
        %get3A_485 = arith.index_cast %add3A_482 : i32 to index
        %get3A_486 = tpu.vector_load %arg15[%get3A_483, %get3A_484, %get3A_485] {strides = array<i32>} : memref<2x48x128xf32, #tpu.memory_space<vmem>>, vector<16xf32>,
        %add3A_487 = arith.addf %get3A_480, %get3A_486 : vector<16xf32>
        %mul3A_488 = arith.constant 2.500000e-01 : f32
        %mul3A_489 = vector.broadcast %mul3A_488 : f32 to vector<16xf32>
        %mul3A_490 = arith.mulf %mul3A_489, %add3A_487 : vector<16xf32>
        %max3A_491 = arith.maximumf %add3A_487, %mul3A_490 : vector<16xf32>
        %mul3A_492 = arith.mulf %max3A_491, %gather3A : vector<16xf32>
        %exp3A_493 = math.exp %mul3A_492 : vector<16xf32>
        %swap3A_494 = arith.index_cast %and3A : i32 to index
        %swap3A_495 = arith.index_cast %while3A_387 : i32 to index
        %swap3A_496 = arith.constant 48 : index
        %swap3A_497 = tpu.vector_load %arg16[%swap3A_494, %swap3A_495, %swap3A_496] {strides = array<i32>} : memref<2x48x128xf32, #tpu.memory_space<vmem>>, vector<16xf32>,
        tpu.vector_store %arg16[%swap3A_494, %swap3A_495, %swap3A_496], %exp3A_493 {strides = array<i32>} : memref<2x48x128xf32, #tpu.memory_space<vmem>>, vector<16xf32>,
        %get3A_498 = arith.index_cast %and3A : i32 to index
        %get3A_499 = arith.index_cast %while3A_387 : i32 to index
        %get3A_500 = arith.constant 112 : index
        %get3A_501 = tpu.vector_load %arg14[%get3A_498, %get3A_499, %get3A_500] {strides = array<i32>} : memref<2x48x128xf32, #tpu.memory_space<vmem>>, vector<16xf32>,
        %mul3A_502 = arith.mulf %exp3A_493, %get3A_501 : vector<16xf32>
        %swap3A_503 = arith.index_cast %and3A : i32 to index
        %swap3A_504 = arith.index_cast %while3A_387 : i32 to index
        %swap3A_505 = arith.constant 112 : index
        %swap3A_506 = tpu.vector_load %arg16[%swap3A_503, %swap3A_504, %swap3A_505] {strides = array<i32>} : memref<2x48x128xf32, #tpu.memory_space<vmem>>, vector<16xf32>,
        tpu.vector_store %arg16[%swap3A_503, %swap3A_504, %swap3A_505], %mul3A_502 {strides = array<i32>} : memref<2x48x128xf32, #tpu.memory_space<vmem>>, vector<16xf32>,
      }
      %while3A_374 = arith.constant 1 : i32
      scf.for %while3A_387 = %while3A_372 to %while3A_368 step %while3A_374  : i32 {
        %add3A_388 = arith.addi %add3A_363, %while3A_387 : i32
        %broadcast_in_dim3A = vector.broadcast %add3A_388 : i32 to vector<16xi32>
        %gather3A = tpu.vector_load_idx %arg12[%broadcast_in_dim3A] : memref<960xf32, #tpu.memory_space<vmem>>[vector<16xi32>], vector<16xf32>,
        %get3A_389 = arith.index_cast %and3A : i32 to index
        %get3A_390 = arith.index_cast %while3A_387 : i32 to index
        %get3A_391 = arith.constant 0 : index
        %get3A_392 = tpu.vector_load %arg14[%get3A_389, %get3A_390, %get3A_391] {strides = array<i32>} : memref<2x48x128xf32, #tpu.memory_space<vmem>>, vector<16xf32>,
        %add3A_393 = arith.constant 0 : i32
        %add3A_394 = arith.addi %mul3A_6, %add3A_393 : i32
        %get3A_395 = arith.index_cast %and3A : i32 to index
        %get3A_396 = arith.index_cast %while3A_387 : i32 to index
        %get3A_397 = arith.index_cast %add3A_394 : i32 to index
        %get3A_398 = tpu.vector_load %arg15[%get3A_395, %get3A_396, %get3A_397] {strides = array<i32>} : memref<2x48x128xf32, #tpu.memory_space<vmem>>, vector<16xf32>,
        %add3A_399 = arith.addf %get3A_392, %get3A_398 : vector<16xf32>
        %mul3A_400 = arith.constant 2.500000e-01 : f32
        %mul3A_401 = vector.broadcast %mul3A_400 : f32 to vector<16xf32>
        %mul3A_402 = arith.mulf %mul3A_401, %add3A_399 : vector<16xf32>
        %max3A = arith.maximumf %add3A_399, %mul3A_402 : vector<16xf32>
        %mul3A_403 = arith.mulf %max3A, %gather3A : vector<16xf32>
        %exp3A = math.exp %mul3A_403 : vector<16xf32>
        %swap3A_404 = arith.index_cast %and3A : i32 to index
        %swap3A_405 = arith.index_cast %while3A_387 : i32 to index
        %swap3A_406 = arith.constant 0 : index
        %swap3A_407 = tpu.vector_load %arg16[%swap3A_404, %swap3A_405, %swap3A_406] {strides = array<i32>} : memref<2x48x128xf32, #tpu.memory_space<vmem>>, vector<16xf32>,
        tpu.vector_store %arg16[%swap3A_404, %swap3A_405, %swap3A_406], %exp3A {strides = array<i32>} : memref<2x48x128xf32, #tpu.memory_space<vmem>>, vector<16xf32>,
        %get3A_408 = arith.index_cast %and3A : i32 to index
        %get3A_409 = arith.index_cast %while3A_387 : i32 to index
        %get3A_410 = arith.constant 64 : index
        %get3A_411 = tpu.vector_load %arg14[%get3A_408, %get3A_409, %get3A_410] {strides = array<i32>} : memref<2x48x128xf32, #tpu.memory_space<vmem>>, vector<16xf32>,
        %mul3A_412 = arith.mulf %exp3A, %get3A_411 : vector<16xf32>
        %swap3A_413 = arith.index_cast %and3A : i32 to index
        %swap3A_414 = arith.index_cast %while3A_387 : i32 to index
        %swap3A_415 = arith.constant 64 : index
        %swap3A_416 = tpu.vector_load %arg16[%swap3A_413, %swap3A_414, %swap3A_415] {strides = array<i32>} : memref<2x48x128xf32, #tpu.memory_space<vmem>>, vector<16xf32>,
        tpu.vector_store %arg16[%swap3A_413, %swap3A_414, %swap3A_415], %mul3A_412 {strides = array<i32>} : memref<2x48x128xf32, #tpu.memory_space<vmem>>, vector<16xf32>,
        %get3A_417 = arith.index_cast %and3A : i32 to index
        %get3A_418 = arith.index_cast %while3A_387 : i32 to index
        %get3A_419 = arith.constant 16 : index
        %get3A_420 = tpu.vector_load %arg14[%get3A_417, %get3A_418, %get3A_419] {strides = array<i32>} : memref<2x48x128xf32, #tpu.memory_space<vmem>>, vector<16xf32>,
        %add3A_421 = arith.constant 16 : i32
        %add3A_422 = arith.addi %mul3A_6, %add3A_421 : i32
        %get3A_423 = arith.index_cast %and3A : i32 to index
        %get3A_424 = arith.index_cast %while3A_387 : i32 to index
        %get3A_425 = arith.index_cast %add3A_422 : i32 to index
        %get3A_426 = tpu.vector_load %arg15[%get3A_423, %get3A_424, %get3A_425] {strides = array<i32>} : memref<2x48x128xf32, #tpu.memory_space<vmem>>, vector<16xf32>,
        %add3A_427 = arith.addf %get3A_420, %get3A_426 : vector<16xf32>
        %mul3A_428 = arith.constant 2.500000e-01 : f32
        %mul3A_429 = vector.broadcast %mul3A_428 : f32 to vector<16xf32>
        %mul3A_430 = arith.mulf %mul3A_429, %add3A_427 : vector<16xf32>
        %max3A_431 = arith.maximumf %add3A_427, %mul3A_430 : vector<16xf32>
        %mul3A_432 = arith.mulf %max3A_431, %gather3A : vector<16xf32>
        %exp3A_433 = math.exp %mul3A_432 : vector<16xf32>
        %swap3A_434 = arith.index_cast %and3A : i32 to index
        %swap3A_435 = arith.index_cast %while3A_387 : i32 to index
        %swap3A_436 = arith.constant 16 : index
        %swap3A_437 = tpu.vector_load %arg16[%swap3A_434, %swap3A_435, %swap3A_436] {strides = array<i32>} : memref<2x48x128xf32, #tpu.memory_space<vmem>>, vector<16xf32>,
        tpu.vector_store %arg16[%swap3A_434, %swap3A_435, %swap3A_436], %exp3A_433 {strides = array<i32>} : memref<2x48x128xf32, #tpu.memory_space<vmem>>, vector<16xf32>,
        %get3A_438 = arith.index_cast %and3A : i32 to index
        %get3A_439 = arith.index_cast %while3A_387 : i32 to index
        %get3A_440 = arith.constant 80 : index
        %get3A_441 = tpu.vector_load %arg14[%get3A_438, %get3A_439, %get3A_440] {strides = array<i32>} : memref<2x48x128xf32, #tpu.memory_space<vmem>>, vector<16xf32>,
        %mul3A_442 = arith.mulf %exp3A_433, %get3A_441 : vector<16xf32>
        %swap3A_443 = arith.index_cast %and3A : i32 to index
        %swap3A_444 = arith.index_cast %while3A_387 : i32 to index
        %swap3A_445 = arith.constant 80 : index
        %swap3A_446 = tpu.vector_load %arg16[%swap3A_443, %swap3A_444, %swap3A_445] {strides = array<i32>} : memref<2x48x128xf32, #tpu.memory_space<vmem>>, vector<16xf32>,
        tpu.vector_store %arg16[%swap3A_443, %swap3A_444, %swap3A_445], %mul3A_442 {strides = array<i32>} : memref<2x48x128xf32, #tpu.memory_space<vmem>>, vector<16xf32>,
        %get3A_447 = arith.index_cast %and3A : i32 to index
        %get3A_448 = arith.index_cast %while3A_387 : i32 to index
        %get3A_449 = arith.constant 32 : index
        %get3A_450 = tpu.vector_load %arg14[%get3A_447, %get3A_448, %get3A_449] {strides = array<i32>} : memref<2x48x128xf32, #tpu.memory_space<vmem>>, vector<16xf32>,
        %add3A_451 = arith.constant 32 : i32
        %add3A_452 = arith.addi %mul3A_6, %add3A_451 : i32
        %get3A_453 = arith.index_cast %and3A : i32 to index
        %get3A_454 = arith.index_cast %while3A_387 : i32 to index
        %get3A_455 = arith.index_cast %add3A_452 : i32 to index
        %get3A_456 = tpu.vector_load %arg15[%get3A_453, %get3A_454, %get3A_455] {strides = array<i32>} : memref<2x48x128xf32, #tpu.memory_space<vmem>>, vector<16xf32>,
        %add3A_457 = arith.addf %get3A_450, %get3A_456 : vector<16xf32>
        %mul3A_458 = arith.constant 2.500000e-01 : f32
        %mul3A_459 = vector.broadcast %mul3A_458 : f32 to vector<16xf32>
        %mul3A_460 = arith.mulf %mul3A_459, %add3A_457 : vector<16xf32>
        %max3A_461 = arith.maximumf %add3A_457, %mul3A_460 : vector<16xf32>
        %mul3A_462 = arith.mulf %max3A_461, %gather3A : vector<16xf32>
        %exp3A_463 = math.exp %mul3A_462 : vector<16xf32>
        %swap3A_464 = arith.index_cast %and3A : i32 to index
        %swap3A_465 = arith.index_cast %while3A_387 : i32 to index
        %swap3A_466 = arith.constant 32 : index
        %swap3A_467 = tpu.vector_load %arg16[%swap3A_464, %swap3A_465, %swap3A_466] {strides = array<i32>} : memref<2x48x128xf32, #tpu.memory_space<vmem>>, vector<16xf32>,
        tpu.vector_store %arg16[%swap3A_464, %swap3A_465, %swap3A_466], %exp3A_463 {strides = array<i32>} : memref<2x48x128xf32, #tpu.memory_space<vmem>>, vector<16xf32>,
        %get3A_468 = arith.index_cast %and3A : i32 to index
        %get3A_469 = arith.index_cast %while3A_387 : i32 to index
        %get3A_470 = arith.constant 96 : index
        %get3A_471 = tpu.vector_load %arg14[%get3A_468, %get3A_469, %get3A_470] {strides = array<i32>} : memref<2x48x128xf32, #tpu.memory_space<vmem>>, vector<16xf32>,
        %mul3A_472 = arith.mulf %exp3A_463, %get3A_471 : vector<16xf32>
        %swap3A_473 = arith.index_cast %and3A : i32 to index
        %swap3A_474 = arith.index_cast %while3A_387 : i32 to index
        %swap3A_475 = arith.constant 96 : index
        %swap3A_476 = tpu.vector_load %arg16[%swap3A_473, %swap3A_474, %swap3A_475] {strides = array<i32>} : memref<2x48x128xf32, #tpu.memory_space<vmem>>, vector<16xf32>,
        tpu.vector_store %arg16[%swap3A_473, %swap3A_474, %swap3A_475], %mul3A_472 {strides = array<i32>} : memref<2x48x128xf32, #tpu.memory_space<vmem>>, vector<16xf32>,
        %get3A_477 = arith.index_cast %and3A : i32 to index
        %get3A_478 = arith.index_cast %while3A_387 : i32 to index
        %get3A_479 = arith.constant 48 : index
        %get3A_480 = tpu.vector_load %arg14[%get3A_477, %get3A_478, %get3A_479] {strides = array<i32>} : memref<2x48x128xf32, #tpu.memory_space<vmem>>, vector<16xf32>,
        %add3A_481 = arith.constant 48 : i32
        %add3A_482 = arith.addi %mul3A_6, %add3A_481 : i32
        %get3A_483 = arith.index_cast %and3A : i32 to index
        %get3A_484 = arith.index_cast %while3A_387 : i32 to index
        %get3A_485 = arith.index_cast %add3A_482 : i32 to index
        %get3A_486 = tpu.vector_load %arg15[%get3A_483, %get3A_484, %get3A_485] {strides = array<i32>} : memref<2x48x128xf32, #tpu.memory_space<vmem>>, vector<16xf32>,
        %add3A_487 = arith.addf %get3A_480, %get3A_486 : vector<16xf32>
        %mul3A_488 = arith.constant 2.500000e-01 : f32
        %mul3A_489 = vector.broadcast %mul3A_488 : f32 to vector<16xf32>
        %mul3A_490 = arith.mulf %mul3A_489, %add3A_487 : vector<16xf32>
        %max3A_491 = arith.maximumf %add3A_487, %mul3A_490 : vector<16xf32>
        %mul3A_492 = arith.mulf %max3A_491, %gather3A : vector<16xf32>
        %exp3A_493 = math.exp %mul3A_492 : vector<16xf32>
        %swap3A_494 = arith.index_cast %and3A : i32 to index
        %swap3A_495 = arith.index_cast %while3A_387 : i32 to index
        %swap3A_496 = arith.constant 48 : index
        %swap3A_497 = tpu.vector_load %arg16[%swap3A_494, %swap3A_495, %swap3A_496] {strides = array<i32>} : memref<2x48x128xf32, #tpu.memory_space<vmem>>, vector<16xf32>,
        tpu.vector_store %arg16[%swap3A_494, %swap3A_495, %swap3A_496], %exp3A_493 {strides = array<i32>} : memref<2x48x128xf32, #tpu.memory_space<vmem>>, vector<16xf32>,
        %get3A_498 = arith.index_cast %and3A : i32 to index
        %get3A_499 = arith.index_cast %while3A_387 : i32 to index
        %get3A_500 = arith.constant 112 : index
        %get3A_501 = tpu.vector_load %arg14[%get3A_498, %get3A_499, %get3A_500] {strides = array<i32>} : memref<2x48x128xf32, #tpu.memory_space<vmem>>, vector<16xf32>,
        %mul3A_502 = arith.mulf %exp3A_493, %get3A_501 : vector<16xf32>
        %swap3A_503 = arith.index_cast %and3A : i32 to index
        %swap3A_504 = arith.index_cast %while3A_387 : i32 to index
        %swap3A_505 = arith.constant 112 : index
        %swap3A_506 = tpu.vector_load %arg16[%swap3A_503, %swap3A_504, %swap3A_505] {strides = array<i32>} : memref<2x48x128xf32, #tpu.memory_space<vmem>>, vector<16xf32>,
        tpu.vector_store %arg16[%swap3A_503, %swap3A_504, %swap3A_505], %mul3A_502 {strides = array<i32>} : memref<2x48x128xf32, #tpu.memory_space<vmem>>, vector<16xf32>,
      }
      %dma_start3A_375 = arith.constant 0 : i32
      %dma_start3A_376 = arith.constant 0 : i32
      %dma_start3A_377 = tpu.memref_slice %arg16[%and3A, %dma_start3A_375, %dma_start3A_376] : memref<2x48x128xf32, #tpu.memory_space<vmem>> -> memref<1x48x128xf32, #tpu.memory_space<vmem>>
      %dma_start3A_378 = tpu.memref_squeeze %dma_start3A_377 : memref<1x48x128xf32, #tpu.memory_space<vmem>> -> memref<48x128xf32, #tpu.memory_space<vmem>>
      %dma_start3A_379 = arith.constant 0 : i32
      %dma_start3A_380 = tpu.memref_slice %arg11[%and3A_307, %rem3A_305, %dma_start3A_379] : memref<2x10x48xi32, #tpu.memory_space<vmem>> -> memref<1x1x48xi32, #tpu.memory_space<vmem>>
      %dma_start3A_381 = tpu.memref_squeeze %dma_start3A_380 : memref<1x1x48xi32, #tpu.memory_space<vmem>> -> memref<48xi32, #tpu.memory_space<vmem>>
      %dma_start3A_382 = arith.constant 0 : i32
      %dma_start3A_383 = arith.constant 0 : i32
      %dma_start3A_384 = tpu.memref_slice %arg9[%dma_start3A_382, %dma_start3A_383] : memref<10112x128xf32, #tpu.memory_space<vmem_shared>> -> memref<10112x128xf32, #tpu.memory_space<vmem_shared>>
      %dma_start3A_385 = tpu.memref_slice %arg18[%and3A] : memref<2x!tpu.dma_semaphore, #tpu.memory_space<semaphore_mem>> -> memref<1x!tpu.dma_semaphore, #tpu.memory_space<semaphore_mem>>
      %dma_start3A_386 = tpu.memref_squeeze %dma_start3A_385 : memref<1x!tpu.dma_semaphore, #tpu.memory_space<semaphore_mem>> -> memref<!tpu.dma_semaphore, #tpu.memory_space<semaphore_mem>>
      tpu.enqueue_indirect_dma source(%dma_start3A_378 : memref<48x128xf32, #tpu.memory_space<vmem>>) target(%dma_start3A_384 : memref<10112x128xf32, #tpu.memory_space<vmem_shared>>) offsets(%dma_start3A_381 : memref<48xi32, #tpu.memory_space<vmem>>) semaphore(%dma_start3A_386 : memref<!tpu.dma_semaphore, #tpu.memory_space<semaphore_mem>>) {add = true}
    }
    %while3A_284 = arith.constant 1 : i32
    scf.for %while3A_302 = %while3A_282 to %while3A_278 step %while3A_284  : i32 {
      %and3A = arith.andi %while3A_302, %while3A_274 : i32
      %add3A_303 = arith.addi %while3A_302, %while3A_274 : i32
      %and3A_304 = arith.andi %add3A_303, %while3A_274 : i32
      %rem3A = arith.constant 10 : i32
      %rem3A_305 = arith.remsi %while3A_302, %rem3A : i32
      %div3A = arith.constant 10 : i32
      %div3A_306 = arith.divsi %while3A_302, %div3A : i32
      %and3A_307 = arith.andi %div3A_306, %while3A_274 : i32
      %rem3A_308 = arith.constant 10 : i32
      %rem3A_309 = arith.remsi %add3A_303, %rem3A_308 : i32
      %div3A_310 = arith.constant 10 : i32
      %div3A_311 = arith.divsi %add3A_303, %div3A_310 : i32
      %and3A_312 = arith.andi %div3A_311, %while3A_274 : i32
      %eq3A = arith.constant 9 : i32
      %eq3A_313 = arith.cmpi eq, %rem3A_305, %eq3A : i32
      %lt3A = arith.constant 430 : i32
      %lt3A_314 = arith.cmpi slt, %add3A_303, %lt3A : i32
      %and3A_315 = arith.andi %eq3A_313, %lt3A_314 : i1
      %convert_element_type3A = arith.extui %and3A_315 : i1 to i32
      %cond3A = arith.constant 0 : i32
      %cond3A_316 = arith.cmpi ne, %convert_element_type3A, %cond3A : i32
      scf.if %cond3A_316 {
        %dma_wait3A_387 = arith.constant 0 : i32
        %dma_wait3A_388 = tpu.memref_slice %arg10[%dma_wait3A_387] : memref<960xi32, #tpu.memory_space<vmem>> -> memref<480xi32, #tpu.memory_space<vmem>>
        %dma_wait3A_389 = arith.constant 0 : i32
        %dma_wait3A_390 = tpu.memref_slice %arg4[%dma_wait3A_389] : memref<330240xi32, #tpu.memory_space<hbm>> -> memref<480xi32, #tpu.memory_space<hbm>>
        %dma_wait3A_391 = tpu.memref_slice %arg19[%and3A_312] : memref<2x!tpu.dma_semaphore, #tpu.memory_space<semaphore_mem>> -> memref<1x!tpu.dma_semaphore, #tpu.memory_space<semaphore_mem>>
        %dma_wait3A_392 = tpu.memref_squeeze %dma_wait3A_391 : memref<1x!tpu.dma_semaphore, #tpu.memory_space<semaphore_mem>> -> memref<!tpu.dma_semaphore, #tpu.memory_space<semaphore_mem>>
        %dma_wait3A_393 = arith.constant 0 : i32
        %dma_wait3A_394 = tpu.memref_slice %arg10[%dma_wait3A_393] : memref<960xi32, #tpu.memory_space<vmem>> -> memref<480xi32, #tpu.memory_space<vmem>>
        %dma_wait3A_395 = arith.constant 0 : i32
        %dma_wait3A_396 = tpu.memref_slice %arg4[%dma_wait3A_395] : memref<330240xi32, #tpu.memory_space<hbm>> -> memref<480xi32, #tpu.memory_space<hbm>>
        tpu.wait_dma2 semaphore(%dma_wait3A_392 : memref<!tpu.dma_semaphore, #tpu.memory_space<semaphore_mem>>) src(%dma_wait3A_396 : memref<480xi32, #tpu.memory_space<hbm>>) dst(%dma_wait3A_394 : memref<480xi32, #tpu.memory_space<vmem>>)
        %dma_wait3A_397 = arith.constant 0 : i32
        %dma_wait3A_398 = tpu.memref_slice %arg10[%dma_wait3A_397] : memref<960xi32, #tpu.memory_space<vmem>> -> memref<480xi32, #tpu.memory_space<vmem>>
        %dma_wait3A_399 = arith.constant 0 : i32
        %dma_wait3A_400 = tpu.memref_slice %arg4[%dma_wait3A_399] : memref<330240xi32, #tpu.memory_space<hbm>> -> memref<480xi32, #tpu.memory_space<hbm>>
        %dma_wait3A_401 = tpu.memref_slice %arg19[%and3A_312] : memref<2x!tpu.dma_semaphore, #tpu.memory_space<semaphore_mem>> -> memref<1x!tpu.dma_semaphore, #tpu.memory_space<semaphore_mem>>
        %dma_wait3A_402 = tpu.memref_squeeze %dma_wait3A_401 : memref<1x!tpu.dma_semaphore, #tpu.memory_space<semaphore_mem>> -> memref<!tpu.dma_semaphore, #tpu.memory_space<semaphore_mem>>
        %dma_wait3A_403 = arith.constant 0 : i32
        %dma_wait3A_404 = tpu.memref_slice %arg10[%dma_wait3A_403] : memref<960xi32, #tpu.memory_space<vmem>> -> memref<480xi32, #tpu.memory_space<vmem>>
        %dma_wait3A_405 = arith.constant 0 : i32
        %dma_wait3A_406 = tpu.memref_slice %arg4[%dma_wait3A_405] : memref<330240xi32, #tpu.memory_space<hbm>> -> memref<480xi32, #tpu.memory_space<hbm>>
        tpu.wait_dma2 semaphore(%dma_wait3A_402 : memref<!tpu.dma_semaphore, #tpu.memory_space<semaphore_mem>>) src(%dma_wait3A_406 : memref<480xi32, #tpu.memory_space<hbm>>) dst(%dma_wait3A_404 : memref<480xi32, #tpu.memory_space<vmem>>)
        %dma_wait3A_407 = arith.constant 0 : i32
        %dma_wait3A_408 = tpu.memref_slice %arg10[%dma_wait3A_407] : memref<960xi32, #tpu.memory_space<vmem>> -> memref<480xi32, #tpu.memory_space<vmem>>
        %dma_wait3A_409 = arith.constant 0 : i32
        %dma_wait3A_410 = tpu.memref_slice %arg4[%dma_wait3A_409] : memref<330240xi32, #tpu.memory_space<hbm>> -> memref<480xi32, #tpu.memory_space<hbm>>
        %dma_wait3A_411 = tpu.memref_slice %arg19[%and3A_312] : memref<2x!tpu.dma_semaphore, #tpu.memory_space<semaphore_mem>> -> memref<1x!tpu.dma_semaphore, #tpu.memory_space<semaphore_mem>>
        %dma_wait3A_412 = tpu.memref_squeeze %dma_wait3A_411 : memref<1x!tpu.dma_semaphore, #tpu.memory_space<semaphore_mem>> -> memref<!tpu.dma_semaphore, #tpu.memory_space<semaphore_mem>>
        %dma_wait3A_413 = arith.constant 0 : i32
        %dma_wait3A_414 = tpu.memref_slice %arg10[%dma_wait3A_413] : memref<960xi32, #tpu.memory_space<vmem>> -> memref<480xi32, #tpu.memory_space<vmem>>
        %dma_wait3A_415 = arith.constant 0 : i32
        %dma_wait3A_416 = tpu.memref_slice %arg4[%dma_wait3A_415] : memref<330240xi32, #tpu.memory_space<hbm>> -> memref<480xi32, #tpu.memory_space<hbm>>
        tpu.wait_dma2 semaphore(%dma_wait3A_412 : memref<!tpu.dma_semaphore, #tpu.memory_space<semaphore_mem>>) src(%dma_wait3A_416 : memref<480xi32, #tpu.memory_space<hbm>>) dst(%dma_wait3A_414 : memref<480xi32, #tpu.memory_space<vmem>>)
      } else {
      }
      %lt3A_317 = arith.constant 430 : i32
      %lt3A_318 = arith.cmpi slt, %add3A_303, %lt3A_317 : i32
      %convert_element_type3A_319 = arith.extui %lt3A_318 : i1 to i32
      %cond3A_320 = arith.constant 0 : i32
      %cond3A_321 = arith.cmpi ne, %convert_element_type3A_319, %cond3A_320 : i32
      scf.if %cond3A_321 {
        %mul3A_387 = arith.constant 480 : i32
        %mul3A_388 = arith.muli %and3A_312, %mul3A_387 : i32
        %mul3A_389 = arith.constant 48 : i32
        %mul3A_390 = arith.muli %rem3A_309, %mul3A_389 : i32
        %add3A_391 = arith.addi %mul3A_388, %mul3A_390 : i32
        %add3A_392 = arith.constant 0 : i32
        %add3A_393 = arith.addi %add3A_391, %add3A_392 : i32
        %get3A_394 = arith.index_cast %add3A_393 : i32 to index
        %get3A_395 = tpu.vector_load %arg10[%get3A_394] {strides = array<i32>} : memref<960xi32, #tpu.memory_space<vmem>>, vector<16xi32>,
        %add3A_396 = vector.broadcast %mul3A_4 : i32 to vector<16xi32>
        %add3A_397 = arith.addi %get3A_395, %add3A_396 : vector<16xi32>
        %swap3A_398 = arith.index_cast %and3A_304 : i32 to index
        %swap3A_399 = arith.constant 0 : index
        %swap3A_400 = tpu.vector_load %arg13[%swap3A_398, %swap3A_399] {strides = array<i32>} : memref<2x48xi32, #tpu.memory_space<vmem>>, vector<16xi32>,
        tpu.vector_store %arg13[%swap3A_398, %swap3A_399], %add3A_397 {strides = array<i32>} : memref<2x48xi32, #tpu.memory_space<vmem>>, vector<16xi32>,
        %add3A_401 = arith.constant 16 : i32
        %add3A_402 = arith.addi %add3A_391, %add3A_401 : i32
        %get3A_403 = arith.index_cast %add3A_402 : i32 to index
        %get3A_404 = tpu.vector_load %arg10[%get3A_403] {strides = array<i32>} : memref<960xi32, #tpu.memory_space<vmem>>, vector<16xi32>,
        %add3A_405 = vector.broadcast %mul3A_4 : i32 to vector<16xi32>
        %add3A_406 = arith.addi %get3A_404, %add3A_405 : vector<16xi32>
        %swap3A_407 = arith.index_cast %and3A_304 : i32 to index
        %swap3A_408 = arith.constant 16 : index
        %swap3A_409 = tpu.vector_load %arg13[%swap3A_407, %swap3A_408] {strides = array<i32>} : memref<2x48xi32, #tpu.memory_space<vmem>>, vector<16xi32>,
        tpu.vector_store %arg13[%swap3A_407, %swap3A_408], %add3A_406 {strides = array<i32>} : memref<2x48xi32, #tpu.memory_space<vmem>>, vector<16xi32>,
        %add3A_410 = arith.constant 32 : i32
        %add3A_411 = arith.addi %add3A_391, %add3A_410 : i32
        %get3A_412 = arith.index_cast %add3A_411 : i32 to index
        %get3A_413 = tpu.vector_load %arg10[%get3A_412] {strides = array<i32>} : memref<960xi32, #tpu.memory_space<vmem>>, vector<16xi32>,
        %add3A_414 = vector.broadcast %mul3A_4 : i32 to vector<16xi32>
        %add3A_415 = arith.addi %get3A_413, %add3A_414 : vector<16xi32>
        %swap3A_416 = arith.index_cast %and3A_304 : i32 to index
        %swap3A_417 = arith.constant 32 : index
        %swap3A_418 = tpu.vector_load %arg13[%swap3A_416, %swap3A_417] {strides = array<i32>} : memref<2x48xi32, #tpu.memory_space<vmem>>, vector<16xi32>,
        tpu.vector_store %arg13[%swap3A_416, %swap3A_417], %add3A_415 {strides = array<i32>} : memref<2x48xi32, #tpu.memory_space<vmem>>, vector<16xi32>,
        %dma_start3A_419 = arith.constant 0 : i32
        %dma_start3A_420 = arith.constant 0 : i32
        %dma_start3A_421 = tpu.memref_slice %arg14[%and3A_304, %dma_start3A_419, %dma_start3A_420] : memref<2x48x128xf32, #tpu.memory_space<vmem>> -> memref<1x48x128xf32, #tpu.memory_space<vmem>>
        %dma_start3A_422 = tpu.memref_squeeze %dma_start3A_421 : memref<1x48x128xf32, #tpu.memory_space<vmem>> -> memref<48x128xf32, #tpu.memory_space<vmem>>
        %dma_start3A_423 = arith.constant 0 : i32
        %dma_start3A_424 = tpu.memref_slice %arg13[%and3A_304, %dma_start3A_423] : memref<2x48xi32, #tpu.memory_space<vmem>> -> memref<1x48xi32, #tpu.memory_space<vmem>>
        %dma_start3A_425 = tpu.memref_squeeze %dma_start3A_424 : memref<1x48xi32, #tpu.memory_space<vmem>> -> memref<48xi32, #tpu.memory_space<vmem>>
        %dma_start3A_426 = arith.constant 0 : i32
        %dma_start3A_427 = arith.constant 0 : i32
        %dma_start3A_428 = tpu.memref_slice %arg2[%dma_start3A_426, %dma_start3A_427] : memref<20224x128xf32, #tpu.memory_space<hbm>> -> memref<20224x128xf32, #tpu.memory_space<hbm>>
        %dma_start3A_429 = tpu.memref_slice %arg17[%and3A_304] : memref<2x!tpu.dma_semaphore, #tpu.memory_space<semaphore_mem>> -> memref<1x!tpu.dma_semaphore, #tpu.memory_space<semaphore_mem>>
        %dma_start3A_430 = tpu.memref_squeeze %dma_start3A_429 : memref<1x!tpu.dma_semaphore, #tpu.memory_space<semaphore_mem>> -> memref<!tpu.dma_semaphore, #tpu.memory_space<semaphore_mem>>
        tpu.enqueue_indirect_dma source(%dma_start3A_428 : memref<20224x128xf32, #tpu.memory_space<hbm>>) target(%dma_start3A_422 : memref<48x128xf32, #tpu.memory_space<vmem>>) offsets(%dma_start3A_425 : memref<48xi32, #tpu.memory_space<vmem>>) semaphore(%dma_start3A_430 : memref<!tpu.dma_semaphore, #tpu.memory_space<semaphore_mem>>)
        %dma_start3A_431 = arith.constant 0 : i32
        %dma_start3A_432 = arith.constant 0 : i32
        %dma_start3A_433 = tpu.memref_slice %arg15[%and3A_304, %dma_start3A_431, %dma_start3A_432] : memref<2x48x128xf32, #tpu.memory_space<vmem>> -> memref<1x48x128xf32, #tpu.memory_space<vmem>>
        %dma_start3A_434 = tpu.memref_squeeze %dma_start3A_433 : memref<1x48x128xf32, #tpu.memory_space<vmem>> -> memref<48x128xf32, #tpu.memory_space<vmem>>
        %dma_start3A_435 = arith.constant 0 : i32
        %dma_start3A_436 = tpu.memref_slice %arg11[%and3A_312, %rem3A_309, %dma_start3A_435] : memref<2x10x48xi32, #tpu.memory_space<vmem>> -> memref<1x1x48xi32, #tpu.memory_space<vmem>>
        %dma_start3A_437 = tpu.memref_squeeze %dma_start3A_436 : memref<1x1x48xi32, #tpu.memory_space<vmem>> -> memref<48xi32, #tpu.memory_space<vmem>>
        %dma_start3A_438 = arith.constant 0 : i32
        %dma_start3A_439 = arith.constant 0 : i32
        %dma_start3A_440 = tpu.memref_slice %arg3[%dma_start3A_438, %dma_start3A_439] : memref<10112x128xf32, #tpu.memory_space<hbm>> -> memref<10112x128xf32, #tpu.memory_space<hbm>>
        %dma_start3A_441 = tpu.memref_slice %arg17[%and3A_304] : memref<2x!tpu.dma_semaphore, #tpu.memory_space<semaphore_mem>> -> memref<1x!tpu.dma_semaphore, #tpu.memory_space<semaphore_mem>>
        %dma_start3A_442 = tpu.memref_squeeze %dma_start3A_441 : memref<1x!tpu.dma_semaphore, #tpu.memory_space<semaphore_mem>> -> memref<!tpu.dma_semaphore, #tpu.memory_space<semaphore_mem>>
        tpu.enqueue_indirect_dma source(%dma_start3A_440 : memref<10112x128xf32, #tpu.memory_space<hbm>>) target(%dma_start3A_434 : memref<48x128xf32, #tpu.memory_space<vmem>>) offsets(%dma_start3A_437 : memref<48xi32, #tpu.memory_space<vmem>>) semaphore(%dma_start3A_442 : memref<!tpu.dma_semaphore, #tpu.memory_space<semaphore_mem>>)
      } else {
      }
      %ge3A = arith.constant 2 : i32
      %ge3A_322 = arith.cmpi sge, %while3A_302, %ge3A : i32
      %convert_element_type3A_323 = arith.extui %ge3A_322 : i1 to i32
      %cond3A_324 = arith.constant 0 : i32
      %cond3A_325 = arith.cmpi ne, %convert_element_type3A_323, %cond3A_324 : i32
      scf.if %cond3A_325 {
        %dma_wait3A_387 = arith.constant 0 : i32
        %dma_wait3A_388 = arith.constant 0 : i32
        %dma_wait3A_389 = arith.constant 0 : i32
        %dma_wait3A_390 = arith.constant 0 : i32
        %dma_wait3A_391 = tpu.memref_slice %arg16[%and3A, %dma_wait3A_389, %dma_wait3A_390] : memref<2x48x128xf32, #tpu.memory_space<vmem>> -> memref<1x48x128xf32, #tpu.memory_space<vmem>>
        %dma_wait3A_392 = tpu.memref_squeeze %dma_wait3A_391 : memref<1x48x128xf32, #tpu.memory_space<vmem>> -> memref<48x128xf32, #tpu.memory_space<vmem>>
        %dma_wait3A_393 = arith.constant 0 : i32
        %dma_wait3A_394 = tpu.memref_slice %arg11[%dma_wait3A_387, %dma_wait3A_388, %dma_wait3A_393] : memref<2x10x48xi32, #tpu.memory_space<vmem>> -> memref<1x1x48xi32, #tpu.memory_space<vmem>>
        %dma_wait3A_395 = tpu.memref_squeeze %dma_wait3A_394 : memref<1x1x48xi32, #tpu.memory_space<vmem>> -> memref<48xi32, #tpu.memory_space<vmem>>
        %dma_wait3A_396 = arith.constant 0 : i32
        %dma_wait3A_397 = arith.constant 0 : i32
        %dma_wait3A_398 = tpu.memref_slice %arg9[%dma_wait3A_396, %dma_wait3A_397] : memref<10112x128xf32, #tpu.memory_space<vmem_shared>> -> memref<10112x128xf32, #tpu.memory_space<vmem_shared>>
        %dma_wait3A_399 = tpu.memref_slice %arg18[%and3A] : memref<2x!tpu.dma_semaphore, #tpu.memory_space<semaphore_mem>> -> memref<1x!tpu.dma_semaphore, #tpu.memory_space<semaphore_mem>>
        %dma_wait3A_400 = tpu.memref_squeeze %dma_wait3A_399 : memref<1x!tpu.dma_semaphore, #tpu.memory_space<semaphore_mem>> -> memref<!tpu.dma_semaphore, #tpu.memory_space<semaphore_mem>>
        tpu.wait_indirect_dma semaphore(%dma_wait3A_400 : memref<!tpu.dma_semaphore, #tpu.memory_space<semaphore_mem>>) src(%dma_wait3A_392 : memref<48x128xf32, #tpu.memory_space<vmem>>) dst(%dma_wait3A_398 : memref<10112x128xf32, #tpu.memory_space<vmem_shared>>)
      } else {
      }
      %eq3A_326 = arith.cmpi eq, %rem3A_305, %while3A_274 : i32
      %lt3A_327 = arith.constant 420 : i32
      %lt3A_328 = arith.cmpi slt, %while3A_302, %lt3A_327 : i32
      %and3A_329 = arith.andi %eq3A_326, %lt3A_328 : i1
      %convert_element_type3A_330 = arith.extui %and3A_329 : i1 to i32
      %cond3A_331 = arith.constant 0 : i32
      %cond3A_332 = arith.cmpi ne, %convert_element_type3A_330, %cond3A_331 : i32
      scf.if %cond3A_332 {
        %div3A_387 = arith.constant 10 : i32
        %div3A_388 = arith.divsi %while3A_302, %div3A_387 : i32
        %add3A_389 = arith.addi %div3A_388, %while3A_274 : i32
        %sub3A = arith.subi %while3A_274, %and3A_307 : i32
        %mul3A_390 = arith.constant 480 : i32
        %mul3A_391 = arith.muli %add3A_389, %mul3A_390 : i32
        %add3A_392 = arith.addi %mul3A_2, %mul3A_391 : i32
        %mul3A_393 = arith.constant 480 : i32
        %mul3A_394 = arith.muli %sub3A, %mul3A_393 : i32
        %dma_start3A_395 = tpu.memref_slice %arg10[%mul3A_394] : memref<960xi32, #tpu.memory_space<vmem>> -> memref<480xi32, #tpu.memory_space<vmem>>
        %dma_start3A_396 = tpu.memref_slice %arg4[%add3A_392] : memref<330240xi32, #tpu.memory_space<hbm>> -> memref<480xi32, #tpu.memory_space<hbm>>
        %dma_start3A_397 = tpu.memref_slice %arg19[%sub3A] : memref<2x!tpu.dma_semaphore, #tpu.memory_space<semaphore_mem>> -> memref<1x!tpu.dma_semaphore, #tpu.memory_space<semaphore_mem>>
        %dma_start3A_398 = tpu.memref_squeeze %dma_start3A_397 : memref<1x!tpu.dma_semaphore, #tpu.memory_space<semaphore_mem>> -> memref<!tpu.dma_semaphore, #tpu.memory_space<semaphore_mem>>
        %dma_start3A_399 = tpu.memref_slice %arg10[%mul3A_394] : memref<960xi32, #tpu.memory_space<vmem>> -> memref<480xi32, #tpu.memory_space<vmem>>
        %dma_start3A_400 = tpu.memref_slice %arg4[%add3A_392] : memref<330240xi32, #tpu.memory_space<hbm>> -> memref<480xi32, #tpu.memory_space<hbm>>
        tpu.enqueue_dma source(%dma_start3A_400 : memref<480xi32, #tpu.memory_space<hbm>>) target(%dma_start3A_399 : memref<480xi32, #tpu.memory_space<vmem>>) target_semaphore(%dma_start3A_398 : memref<!tpu.dma_semaphore, #tpu.memory_space<semaphore_mem>>)
        %dma_start3A_401 = tpu.memref_slice %arg12[%mul3A_394] : memref<960xf32, #tpu.memory_space<vmem>> -> memref<480xf32, #tpu.memory_space<vmem>>
        %dma_start3A_402 = tpu.memref_slice %arg6[%add3A_392] : memref<330240xf32, #tpu.memory_space<hbm>> -> memref<480xf32, #tpu.memory_space<hbm>>
        %dma_start3A_403 = tpu.memref_slice %arg19[%sub3A] : memref<2x!tpu.dma_semaphore, #tpu.memory_space<semaphore_mem>> -> memref<1x!tpu.dma_semaphore, #tpu.memory_space<semaphore_mem>>
        %dma_start3A_404 = tpu.memref_squeeze %dma_start3A_403 : memref<1x!tpu.dma_semaphore, #tpu.memory_space<semaphore_mem>> -> memref<!tpu.dma_semaphore, #tpu.memory_space<semaphore_mem>>
        %dma_start3A_405 = tpu.memref_slice %arg12[%mul3A_394] : memref<960xf32, #tpu.memory_space<vmem>> -> memref<480xf32, #tpu.memory_space<vmem>>
        %dma_start3A_406 = tpu.memref_slice %arg6[%add3A_392] : memref<330240xf32, #tpu.memory_space<hbm>> -> memref<480xf32, #tpu.memory_space<hbm>>
        tpu.enqueue_dma source(%dma_start3A_406 : memref<480xf32, #tpu.memory_space<hbm>>) target(%dma_start3A_405 : memref<480xf32, #tpu.memory_space<vmem>>) target_semaphore(%dma_start3A_404 : memref<!tpu.dma_semaphore, #tpu.memory_space<semaphore_mem>>)
        %add3A_407 = arith.constant 0 : i32
        %add3A_408 = arith.addi %add3A_392, %add3A_407 : i32
        %dma_start3A_409 = arith.constant 0 : i32
        %dma_start3A_410 = arith.constant 0 : i32
        %dma_start3A_411 = tpu.memref_slice %arg11[%sub3A, %dma_start3A_409, %dma_start3A_410] : memref<2x10x48xi32, #tpu.memory_space<vmem>> -> memref<1x1x48xi32, #tpu.memory_space<vmem>>
        %dma_start3A_412 = tpu.memref_squeeze %dma_start3A_411 : memref<1x1x48xi32, #tpu.memory_space<vmem>> -> memref<48xi32, #tpu.memory_space<vmem>>
        %dma_start3A_413 = tpu.memref_slice %arg5[%add3A_408] : memref<330240xi32, #tpu.memory_space<hbm>> -> memref<48xi32, #tpu.memory_space<hbm>>
        %dma_start3A_414 = tpu.memref_slice %arg19[%sub3A] : memref<2x!tpu.dma_semaphore, #tpu.memory_space<semaphore_mem>> -> memref<1x!tpu.dma_semaphore, #tpu.memory_space<semaphore_mem>>
        %dma_start3A_415 = tpu.memref_squeeze %dma_start3A_414 : memref<1x!tpu.dma_semaphore, #tpu.memory_space<semaphore_mem>> -> memref<!tpu.dma_semaphore, #tpu.memory_space<semaphore_mem>>
        %dma_start3A_416 = arith.constant 0 : i32
        %dma_start3A_417 = tpu.memref_slice %arg11[%sub3A, %dma_start3A_409, %dma_start3A_416] : memref<2x10x48xi32, #tpu.memory_space<vmem>> -> memref<1x1x48xi32, #tpu.memory_space<vmem>>
        %dma_start3A_418 = tpu.memref_squeeze %dma_start3A_417 : memref<1x1x48xi32, #tpu.memory_space<vmem>> -> memref<48xi32, #tpu.memory_space<vmem>>
        %dma_start3A_419 = tpu.memref_slice %arg5[%add3A_408] : memref<330240xi32, #tpu.memory_space<hbm>> -> memref<48xi32, #tpu.memory_space<hbm>>
        tpu.enqueue_dma source(%dma_start3A_419 : memref<48xi32, #tpu.memory_space<hbm>>) target(%dma_start3A_418 : memref<48xi32, #tpu.memory_space<vmem>>) target_semaphore(%dma_start3A_415 : memref<!tpu.dma_semaphore, #tpu.memory_space<semaphore_mem>>)
        %add3A_420 = arith.constant 48 : i32
        %add3A_421 = arith.addi %add3A_392, %add3A_420 : i32
        %dma_start3A_422 = arith.constant 1 : i32
        %dma_start3A_423 = arith.constant 0 : i32
        %dma_start3A_424 = tpu.memref_slice %arg11[%sub3A, %dma_start3A_422, %dma_start3A_423] : memref<2x10x48xi32, #tpu.memory_space<vmem>> -> memref<1x1x48xi32, #tpu.memory_space<vmem>>
        %dma_start3A_425 = tpu.memref_squeeze %dma_start3A_424 : memref<1x1x48xi32, #tpu.memory_space<vmem>> -> memref<48xi32, #tpu.memory_space<vmem>>
        %dma_start3A_426 = tpu.memref_slice %arg5[%add3A_421] : memref<330240xi32, #tpu.memory_space<hbm>> -> memref<48xi32, #tpu.memory_space<hbm>>
        %dma_start3A_427 = tpu.memref_slice %arg19[%sub3A] : memref<2x!tpu.dma_semaphore, #tpu.memory_space<semaphore_mem>> -> memref<1x!tpu.dma_semaphore, #tpu.memory_space<semaphore_mem>>
        %dma_start3A_428 = tpu.memref_squeeze %dma_start3A_427 : memref<1x!tpu.dma_semaphore, #tpu.memory_space<semaphore_mem>> -> memref<!tpu.dma_semaphore, #tpu.memory_space<semaphore_mem>>
        %dma_start3A_429 = arith.constant 0 : i32
        %dma_start3A_430 = tpu.memref_slice %arg11[%sub3A, %dma_start3A_422, %dma_start3A_429] : memref<2x10x48xi32, #tpu.memory_space<vmem>> -> memref<1x1x48xi32, #tpu.memory_space<vmem>>
        %dma_start3A_431 = tpu.memref_squeeze %dma_start3A_430 : memref<1x1x48xi32, #tpu.memory_space<vmem>> -> memref<48xi32, #tpu.memory_space<vmem>>
        %dma_start3A_432 = tpu.memref_slice %arg5[%add3A_421] : memref<330240xi32, #tpu.memory_space<hbm>> -> memref<48xi32, #tpu.memory_space<hbm>>
        tpu.enqueue_dma source(%dma_start3A_432 : memref<48xi32, #tpu.memory_space<hbm>>) target(%dma_start3A_431 : memref<48xi32, #tpu.memory_space<vmem>>) target_semaphore(%dma_start3A_428 : memref<!tpu.dma_semaphore, #tpu.memory_space<semaphore_mem>>)
        %add3A_433 = arith.constant 96 : i32
        %add3A_434 = arith.addi %add3A_392, %add3A_433 : i32
        %dma_start3A_435 = arith.constant 2 : i32
        %dma_start3A_436 = arith.constant 0 : i32
        %dma_start3A_437 = tpu.memref_slice %arg11[%sub3A, %dma_start3A_435, %dma_start3A_436] : memref<2x10x48xi32, #tpu.memory_space<vmem>> -> memref<1x1x48xi32, #tpu.memory_space<vmem>>
        %dma_start3A_438 = tpu.memref_squeeze %dma_start3A_437 : memref<1x1x48xi32, #tpu.memory_space<vmem>> -> memref<48xi32, #tpu.memory_space<vmem>>
        %dma_start3A_439 = tpu.memref_slice %arg5[%add3A_434] : memref<330240xi32, #tpu.memory_space<hbm>> -> memref<48xi32, #tpu.memory_space<hbm>>
        %dma_start3A_440 = tpu.memref_slice %arg19[%sub3A] : memref<2x!tpu.dma_semaphore, #tpu.memory_space<semaphore_mem>> -> memref<1x!tpu.dma_semaphore, #tpu.memory_space<semaphore_mem>>
        %dma_start3A_441 = tpu.memref_squeeze %dma_start3A_440 : memref<1x!tpu.dma_semaphore, #tpu.memory_space<semaphore_mem>> -> memref<!tpu.dma_semaphore, #tpu.memory_space<semaphore_mem>>
        %dma_start3A_442 = arith.constant 0 : i32
        %dma_start3A_443 = tpu.memref_slice %arg11[%sub3A, %dma_start3A_435, %dma_start3A_442] : memref<2x10x48xi32, #tpu.memory_space<vmem>> -> memref<1x1x48xi32, #tpu.memory_space<vmem>>
        %dma_start3A_444 = tpu.memref_squeeze %dma_start3A_443 : memref<1x1x48xi32, #tpu.memory_space<vmem>> -> memref<48xi32, #tpu.memory_space<vmem>>
        %dma_start3A_445 = tpu.memref_slice %arg5[%add3A_434] : memref<330240xi32, #tpu.memory_space<hbm>> -> memref<48xi32, #tpu.memory_space<hbm>>
        tpu.enqueue_dma source(%dma_start3A_445 : memref<48xi32, #tpu.memory_space<hbm>>) target(%dma_start3A_444 : memref<48xi32, #tpu.memory_space<vmem>>) target_semaphore(%dma_start3A_441 : memref<!tpu.dma_semaphore, #tpu.memory_space<semaphore_mem>>)
        %add3A_446 = arith.constant 144 : i32
        %add3A_447 = arith.addi %add3A_392, %add3A_446 : i32
        %dma_start3A_448 = arith.constant 3 : i32
        %dma_start3A_449 = arith.constant 0 : i32
        %dma_start3A_450 = tpu.memref_slice %arg11[%sub3A, %dma_start3A_448, %dma_start3A_449] : memref<2x10x48xi32, #tpu.memory_space<vmem>> -> memref<1x1x48xi32, #tpu.memory_space<vmem>>
        %dma_start3A_451 = tpu.memref_squeeze %dma_start3A_450 : memref<1x1x48xi32, #tpu.memory_space<vmem>> -> memref<48xi32, #tpu.memory_space<vmem>>
        %dma_start3A_452 = tpu.memref_slice %arg5[%add3A_447] : memref<330240xi32, #tpu.memory_space<hbm>> -> memref<48xi32, #tpu.memory_space<hbm>>
        %dma_start3A_453 = tpu.memref_slice %arg19[%sub3A] : memref<2x!tpu.dma_semaphore, #tpu.memory_space<semaphore_mem>> -> memref<1x!tpu.dma_semaphore, #tpu.memory_space<semaphore_mem>>
        %dma_start3A_454 = tpu.memref_squeeze %dma_start3A_453 : memref<1x!tpu.dma_semaphore, #tpu.memory_space<semaphore_mem>> -> memref<!tpu.dma_semaphore, #tpu.memory_space<semaphore_mem>>
        %dma_start3A_455 = arith.constant 0 : i32
        %dma_start3A_456 = tpu.memref_slice %arg11[%sub3A, %dma_start3A_448, %dma_start3A_455] : memref<2x10x48xi32, #tpu.memory_space<vmem>> -> memref<1x1x48xi32, #tpu.memory_space<vmem>>
        %dma_start3A_457 = tpu.memref_squeeze %dma_start3A_456 : memref<1x1x48xi32, #tpu.memory_space<vmem>> -> memref<48xi32, #tpu.memory_space<vmem>>
        %dma_start3A_458 = tpu.memref_slice %arg5[%add3A_447] : memref<330240xi32, #tpu.memory_space<hbm>> -> memref<48xi32, #tpu.memory_space<hbm>>
        tpu.enqueue_dma source(%dma_start3A_458 : memref<48xi32, #tpu.memory_space<hbm>>) target(%dma_start3A_457 : memref<48xi32, #tpu.memory_space<vmem>>) target_semaphore(%dma_start3A_454 : memref<!tpu.dma_semaphore, #tpu.memory_space<semaphore_mem>>)
        %add3A_459 = arith.constant 192 : i32
        %add3A_460 = arith.addi %add3A_392, %add3A_459 : i32
        %dma_start3A_461 = arith.constant 4 : i32
        %dma_start3A_462 = arith.constant 0 : i32
        %dma_start3A_463 = tpu.memref_slice %arg11[%sub3A, %dma_start3A_461, %dma_start3A_462] : memref<2x10x48xi32, #tpu.memory_space<vmem>> -> memref<1x1x48xi32, #tpu.memory_space<vmem>>
        %dma_start3A_464 = tpu.memref_squeeze %dma_start3A_463 : memref<1x1x48xi32, #tpu.memory_space<vmem>> -> memref<48xi32, #tpu.memory_space<vmem>>
        %dma_start3A_465 = tpu.memref_slice %arg5[%add3A_460] : memref<330240xi32, #tpu.memory_space<hbm>> -> memref<48xi32, #tpu.memory_space<hbm>>
        %dma_start3A_466 = tpu.memref_slice %arg19[%sub3A] : memref<2x!tpu.dma_semaphore, #tpu.memory_space<semaphore_mem>> -> memref<1x!tpu.dma_semaphore, #tpu.memory_space<semaphore_mem>>
        %dma_start3A_467 = tpu.memref_squeeze %dma_start3A_466 : memref<1x!tpu.dma_semaphore, #tpu.memory_space<semaphore_mem>> -> memref<!tpu.dma_semaphore, #tpu.memory_space<semaphore_mem>>
        %dma_start3A_468 = arith.constant 0 : i32
        %dma_start3A_469 = tpu.memref_slice %arg11[%sub3A, %dma_start3A_461, %dma_start3A_468] : memref<2x10x48xi32, #tpu.memory_space<vmem>> -> memref<1x1x48xi32, #tpu.memory_space<vmem>>
        %dma_start3A_470 = tpu.memref_squeeze %dma_start3A_469 : memref<1x1x48xi32, #tpu.memory_space<vmem>> -> memref<48xi32, #tpu.memory_space<vmem>>
        %dma_start3A_471 = tpu.memref_slice %arg5[%add3A_460] : memref<330240xi32, #tpu.memory_space<hbm>> -> memref<48xi32, #tpu.memory_space<hbm>>
        tpu.enqueue_dma source(%dma_start3A_471 : memref<48xi32, #tpu.memory_space<hbm>>) target(%dma_start3A_470 : memref<48xi32, #tpu.memory_space<vmem>>) target_semaphore(%dma_start3A_467 : memref<!tpu.dma_semaphore, #tpu.memory_space<semaphore_mem>>)
        %add3A_472 = arith.constant 240 : i32
        %add3A_473 = arith.addi %add3A_392, %add3A_472 : i32
        %dma_start3A_474 = arith.constant 5 : i32
        %dma_start3A_475 = arith.constant 0 : i32
        %dma_start3A_476 = tpu.memref_slice %arg11[%sub3A, %dma_start3A_474, %dma_start3A_475] : memref<2x10x48xi32, #tpu.memory_space<vmem>> -> memref<1x1x48xi32, #tpu.memory_space<vmem>>
        %dma_start3A_477 = tpu.memref_squeeze %dma_start3A_476 : memref<1x1x48xi32, #tpu.memory_space<vmem>> -> memref<48xi32, #tpu.memory_space<vmem>>
        %dma_start3A_478 = tpu.memref_slice %arg5[%add3A_473] : memref<330240xi32, #tpu.memory_space<hbm>> -> memref<48xi32, #tpu.memory_space<hbm>>
        %dma_start3A_479 = tpu.memref_slice %arg19[%sub3A] : memref<2x!tpu.dma_semaphore, #tpu.memory_space<semaphore_mem>> -> memref<1x!tpu.dma_semaphore, #tpu.memory_space<semaphore_mem>>
        %dma_start3A_480 = tpu.memref_squeeze %dma_start3A_479 : memref<1x!tpu.dma_semaphore, #tpu.memory_space<semaphore_mem>> -> memref<!tpu.dma_semaphore, #tpu.memory_space<semaphore_mem>>
        %dma_start3A_481 = arith.constant 0 : i32
        %dma_start3A_482 = tpu.memref_slice %arg11[%sub3A, %dma_start3A_474, %dma_start3A_481] : memref<2x10x48xi32, #tpu.memory_space<vmem>> -> memref<1x1x48xi32, #tpu.memory_space<vmem>>
        %dma_start3A_483 = tpu.memref_squeeze %dma_start3A_482 : memref<1x1x48xi32, #tpu.memory_space<vmem>> -> memref<48xi32, #tpu.memory_space<vmem>>
        %dma_start3A_484 = tpu.memref_slice %arg5[%add3A_473] : memref<330240xi32, #tpu.memory_space<hbm>> -> memref<48xi32, #tpu.memory_space<hbm>>
        tpu.enqueue_dma source(%dma_start3A_484 : memref<48xi32, #tpu.memory_space<hbm>>) target(%dma_start3A_483 : memref<48xi32, #tpu.memory_space<vmem>>) target_semaphore(%dma_start3A_480 : memref<!tpu.dma_semaphore, #tpu.memory_space<semaphore_mem>>)
        %add3A_485 = arith.constant 288 : i32
        %add3A_486 = arith.addi %add3A_392, %add3A_485 : i32
        %dma_start3A_487 = arith.constant 6 : i32
        %dma_start3A_488 = arith.constant 0 : i32
        %dma_start3A_489 = tpu.memref_slice %arg11[%sub3A, %dma_start3A_487, %dma_start3A_488] : memref<2x10x48xi32, #tpu.memory_space<vmem>> -> memref<1x1x48xi32, #tpu.memory_space<vmem>>
        %dma_start3A_490 = tpu.memref_squeeze %dma_start3A_489 : memref<1x1x48xi32, #tpu.memory_space<vmem>> -> memref<48xi32, #tpu.memory_space<vmem>>
        %dma_start3A_491 = tpu.memref_slice %arg5[%add3A_486] : memref<330240xi32, #tpu.memory_space<hbm>> -> memref<48xi32, #tpu.memory_space<hbm>>
        %dma_start3A_492 = tpu.memref_slice %arg19[%sub3A] : memref<2x!tpu.dma_semaphore, #tpu.memory_space<semaphore_mem>> -> memref<1x!tpu.dma_semaphore, #tpu.memory_space<semaphore_mem>>
        %dma_start3A_493 = tpu.memref_squeeze %dma_start3A_492 : memref<1x!tpu.dma_semaphore, #tpu.memory_space<semaphore_mem>> -> memref<!tpu.dma_semaphore, #tpu.memory_space<semaphore_mem>>
        %dma_start3A_494 = arith.constant 0 : i32
        %dma_start3A_495 = tpu.memref_slice %arg11[%sub3A, %dma_start3A_487, %dma_start3A_494] : memref<2x10x48xi32, #tpu.memory_space<vmem>> -> memref<1x1x48xi32, #tpu.memory_space<vmem>>
        %dma_start3A_496 = tpu.memref_squeeze %dma_start3A_495 : memref<1x1x48xi32, #tpu.memory_space<vmem>> -> memref<48xi32, #tpu.memory_space<vmem>>
        %dma_start3A_497 = tpu.memref_slice %arg5[%add3A_486] : memref<330240xi32, #tpu.memory_space<hbm>> -> memref<48xi32, #tpu.memory_space<hbm>>
        tpu.enqueue_dma source(%dma_start3A_497 : memref<48xi32, #tpu.memory_space<hbm>>) target(%dma_start3A_496 : memref<48xi32, #tpu.memory_space<vmem>>) target_semaphore(%dma_start3A_493 : memref<!tpu.dma_semaphore, #tpu.memory_space<semaphore_mem>>)
        %add3A_498 = arith.constant 336 : i32
        %add3A_499 = arith.addi %add3A_392, %add3A_498 : i32
        %dma_start3A_500 = arith.constant 7 : i32
        %dma_start3A_501 = arith.constant 0 : i32
        %dma_start3A_502 = tpu.memref_slice %arg11[%sub3A, %dma_start3A_500, %dma_start3A_501] : memref<2x10x48xi32, #tpu.memory_space<vmem>> -> memref<1x1x48xi32, #tpu.memory_space<vmem>>
        %dma_start3A_503 = tpu.memref_squeeze %dma_start3A_502 : memref<1x1x48xi32, #tpu.memory_space<vmem>> -> memref<48xi32, #tpu.memory_space<vmem>>
        %dma_start3A_504 = tpu.memref_slice %arg5[%add3A_499] : memref<330240xi32, #tpu.memory_space<hbm>> -> memref<48xi32, #tpu.memory_space<hbm>>
        %dma_start3A_505 = tpu.memref_slice %arg19[%sub3A] : memref<2x!tpu.dma_semaphore, #tpu.memory_space<semaphore_mem>> -> memref<1x!tpu.dma_semaphore, #tpu.memory_space<semaphore_mem>>
        %dma_start3A_506 = tpu.memref_squeeze %dma_start3A_505 : memref<1x!tpu.dma_semaphore, #tpu.memory_space<semaphore_mem>> -> memref<!tpu.dma_semaphore, #tpu.memory_space<semaphore_mem>>
        %dma_start3A_507 = arith.constant 0 : i32
        %dma_start3A_508 = tpu.memref_slice %arg11[%sub3A, %dma_start3A_500, %dma_start3A_507] : memref<2x10x48xi32, #tpu.memory_space<vmem>> -> memref<1x1x48xi32, #tpu.memory_space<vmem>>
        %dma_start3A_509 = tpu.memref_squeeze %dma_start3A_508 : memref<1x1x48xi32, #tpu.memory_space<vmem>> -> memref<48xi32, #tpu.memory_space<vmem>>
        %dma_start3A_510 = tpu.memref_slice %arg5[%add3A_499] : memref<330240xi32, #tpu.memory_space<hbm>> -> memref<48xi32, #tpu.memory_space<hbm>>
        tpu.enqueue_dma source(%dma_start3A_510 : memref<48xi32, #tpu.memory_space<hbm>>) target(%dma_start3A_509 : memref<48xi32, #tpu.memory_space<vmem>>) target_semaphore(%dma_start3A_506 : memref<!tpu.dma_semaphore, #tpu.memory_space<semaphore_mem>>)
        %add3A_511 = arith.constant 384 : i32
        %add3A_512 = arith.addi %add3A_392, %add3A_511 : i32
        %dma_start3A_513 = arith.constant 8 : i32
        %dma_start3A_514 = arith.constant 0 : i32
        %dma_start3A_515 = tpu.memref_slice %arg11[%sub3A, %dma_start3A_513, %dma_start3A_514] : memref<2x10x48xi32, #tpu.memory_space<vmem>> -> memref<1x1x48xi32, #tpu.memory_space<vmem>>
        %dma_start3A_516 = tpu.memref_squeeze %dma_start3A_515 : memref<1x1x48xi32, #tpu.memory_space<vmem>> -> memref<48xi32, #tpu.memory_space<vmem>>
        %dma_start3A_517 = tpu.memref_slice %arg5[%add3A_512] : memref<330240xi32, #tpu.memory_space<hbm>> -> memref<48xi32, #tpu.memory_space<hbm>>
        %dma_start3A_518 = tpu.memref_slice %arg19[%sub3A] : memref<2x!tpu.dma_semaphore, #tpu.memory_space<semaphore_mem>> -> memref<1x!tpu.dma_semaphore, #tpu.memory_space<semaphore_mem>>
        %dma_start3A_519 = tpu.memref_squeeze %dma_start3A_518 : memref<1x!tpu.dma_semaphore, #tpu.memory_space<semaphore_mem>> -> memref<!tpu.dma_semaphore, #tpu.memory_space<semaphore_mem>>
        %dma_start3A_520 = arith.constant 0 : i32
        %dma_start3A_521 = tpu.memref_slice %arg11[%sub3A, %dma_start3A_513, %dma_start3A_520] : memref<2x10x48xi32, #tpu.memory_space<vmem>> -> memref<1x1x48xi32, #tpu.memory_space<vmem>>
        %dma_start3A_522 = tpu.memref_squeeze %dma_start3A_521 : memref<1x1x48xi32, #tpu.memory_space<vmem>> -> memref<48xi32, #tpu.memory_space<vmem>>
        %dma_start3A_523 = tpu.memref_slice %arg5[%add3A_512] : memref<330240xi32, #tpu.memory_space<hbm>> -> memref<48xi32, #tpu.memory_space<hbm>>
        tpu.enqueue_dma source(%dma_start3A_523 : memref<48xi32, #tpu.memory_space<hbm>>) target(%dma_start3A_522 : memref<48xi32, #tpu.memory_space<vmem>>) target_semaphore(%dma_start3A_519 : memref<!tpu.dma_semaphore, #tpu.memory_space<semaphore_mem>>)
        %add3A_524 = arith.constant 432 : i32
        %add3A_525 = arith.addi %add3A_392, %add3A_524 : i32
        %dma_start3A_526 = arith.constant 9 : i32
        %dma_start3A_527 = arith.constant 0 : i32
        %dma_start3A_528 = tpu.memref_slice %arg11[%sub3A, %dma_start3A_526, %dma_start3A_527] : memref<2x10x48xi32, #tpu.memory_space<vmem>> -> memref<1x1x48xi32, #tpu.memory_space<vmem>>
        %dma_start3A_529 = tpu.memref_squeeze %dma_start3A_528 : memref<1x1x48xi32, #tpu.memory_space<vmem>> -> memref<48xi32, #tpu.memory_space<vmem>>
        %dma_start3A_530 = tpu.memref_slice %arg5[%add3A_525] : memref<330240xi32, #tpu.memory_space<hbm>> -> memref<48xi32, #tpu.memory_space<hbm>>
        %dma_start3A_531 = tpu.memref_slice %arg19[%sub3A] : memref<2x!tpu.dma_semaphore, #tpu.memory_space<semaphore_mem>> -> memref<1x!tpu.dma_semaphore, #tpu.memory_space<semaphore_mem>>
        %dma_start3A_532 = tpu.memref_squeeze %dma_start3A_531 : memref<1x!tpu.dma_semaphore, #tpu.memory_space<semaphore_mem>> -> memref<!tpu.dma_semaphore, #tpu.memory_space<semaphore_mem>>
        %dma_start3A_533 = arith.constant 0 : i32
        %dma_start3A_534 = tpu.memref_slice %arg11[%sub3A, %dma_start3A_526, %dma_start3A_533] : memref<2x10x48xi32, #tpu.memory_space<vmem>> -> memref<1x1x48xi32, #tpu.memory_space<vmem>>
        %dma_start3A_535 = tpu.memref_squeeze %dma_start3A_534 : memref<1x1x48xi32, #tpu.memory_space<vmem>> -> memref<48xi32, #tpu.memory_space<vmem>>
        %dma_start3A_536 = tpu.memref_slice %arg5[%add3A_525] : memref<330240xi32, #tpu.memory_space<hbm>> -> memref<48xi32, #tpu.memory_space<hbm>>
        tpu.enqueue_dma source(%dma_start3A_536 : memref<48xi32, #tpu.memory_space<hbm>>) target(%dma_start3A_535 : memref<48xi32, #tpu.memory_space<vmem>>) target_semaphore(%dma_start3A_532 : memref<!tpu.dma_semaphore, #tpu.memory_space<semaphore_mem>>)
      } else {
      }
      %dma_wait3A_333 = arith.constant 0 : i32
      %dma_wait3A_334 = arith.constant 0 : i32
      %dma_wait3A_335 = tpu.memref_slice %arg14[%and3A, %dma_wait3A_333, %dma_wait3A_334] : memref<2x48x128xf32, #tpu.memory_space<vmem>> -> memref<1x48x128xf32, #tpu.memory_space<vmem>>
      %dma_wait3A_336 = tpu.memref_squeeze %dma_wait3A_335 : memref<1x48x128xf32, #tpu.memory_space<vmem>> -> memref<48x128xf32, #tpu.memory_space<vmem>>
      %dma_wait3A_337 = arith.constant 0 : i32
      %dma_wait3A_338 = tpu.memref_slice %arg13[%and3A, %dma_wait3A_337] : memref<2x48xi32, #tpu.memory_space<vmem>> -> memref<1x48xi32, #tpu.memory_space<vmem>>
      %dma_wait3A_339 = tpu.memref_squeeze %dma_wait3A_338 : memref<1x48xi32, #tpu.memory_space<vmem>> -> memref<48xi32, #tpu.memory_space<vmem>>
      %dma_wait3A_340 = arith.constant 0 : i32
      %dma_wait3A_341 = arith.constant 0 : i32
      %dma_wait3A_342 = tpu.memref_slice %arg2[%dma_wait3A_340, %dma_wait3A_341] : memref<20224x128xf32, #tpu.memory_space<hbm>> -> memref<20224x128xf32, #tpu.memory_space<hbm>>
      %dma_wait3A_343 = tpu.memref_slice %arg17[%and3A] : memref<2x!tpu.dma_semaphore, #tpu.memory_space<semaphore_mem>> -> memref<1x!tpu.dma_semaphore, #tpu.memory_space<semaphore_mem>>
      %dma_wait3A_344 = tpu.memref_squeeze %dma_wait3A_343 : memref<1x!tpu.dma_semaphore, #tpu.memory_space<semaphore_mem>> -> memref<!tpu.dma_semaphore, #tpu.memory_space<semaphore_mem>>
      tpu.wait_indirect_dma semaphore(%dma_wait3A_344 : memref<!tpu.dma_semaphore, #tpu.memory_space<semaphore_mem>>) src(%dma_wait3A_342 : memref<20224x128xf32, #tpu.memory_space<hbm>>) dst(%dma_wait3A_336 : memref<48x128xf32, #tpu.memory_space<vmem>>)
      %dma_wait3A_345 = arith.constant 0 : i32
      %dma_wait3A_346 = arith.constant 0 : i32
      %dma_wait3A_347 = arith.constant 0 : i32
      %dma_wait3A_348 = arith.constant 0 : i32
      %dma_wait3A_349 = tpu.memref_slice %arg15[%and3A, %dma_wait3A_347, %dma_wait3A_348] : memref<2x48x128xf32, #tpu.memory_space<vmem>> -> memref<1x48x128xf32, #tpu.memory_space<vmem>>
      %dma_wait3A_350 = tpu.memref_squeeze %dma_wait3A_349 : memref<1x48x128xf32, #tpu.memory_space<vmem>> -> memref<48x128xf32, #tpu.memory_space<vmem>>
      %dma_wait3A_351 = arith.constant 0 : i32
      %dma_wait3A_352 = tpu.memref_slice %arg11[%dma_wait3A_345, %dma_wait3A_346, %dma_wait3A_351] : memref<2x10x48xi32, #tpu.memory_space<vmem>> -> memref<1x1x48xi32, #tpu.memory_space<vmem>>
      %dma_wait3A_353 = tpu.memref_squeeze %dma_wait3A_352 : memref<1x1x48xi32, #tpu.memory_space<vmem>> -> memref<48xi32, #tpu.memory_space<vmem>>
      %dma_wait3A_354 = arith.constant 0 : i32
      %dma_wait3A_355 = arith.constant 0 : i32
      %dma_wait3A_356 = tpu.memref_slice %arg3[%dma_wait3A_354, %dma_wait3A_355] : memref<10112x128xf32, #tpu.memory_space<hbm>> -> memref<10112x128xf32, #tpu.memory_space<hbm>>
      %dma_wait3A_357 = tpu.memref_slice %arg17[%and3A] : memref<2x!tpu.dma_semaphore, #tpu.memory_space<semaphore_mem>> -> memref<1x!tpu.dma_semaphore, #tpu.memory_space<semaphore_mem>>
      %dma_wait3A_358 = tpu.memref_squeeze %dma_wait3A_357 : memref<1x!tpu.dma_semaphore, #tpu.memory_space<semaphore_mem>> -> memref<!tpu.dma_semaphore, #tpu.memory_space<semaphore_mem>>
      tpu.wait_indirect_dma semaphore(%dma_wait3A_358 : memref<!tpu.dma_semaphore, #tpu.memory_space<semaphore_mem>>) src(%dma_wait3A_356 : memref<10112x128xf32, #tpu.memory_space<hbm>>) dst(%dma_wait3A_350 : memref<48x128xf32, #tpu.memory_space<vmem>>)
      %mul3A_359 = arith.constant 480 : i32
      %mul3A_360 = arith.muli %and3A_307, %mul3A_359 : i32
      %mul3A_361 = arith.constant 48 : i32
      %mul3A_362 = arith.muli %rem3A_305, %mul3A_361 : i32
      %add3A_363 = arith.addi %mul3A_360, %mul3A_362 : i32
      %while3A_364 = arith.constant 0 : i64
      %while3A_365 = arith.constant 0 : i32
      %while3A_366 = arith.constant 1 : i32
      %while3A_367 = arith.subi %while3A_366, %while3A_365 : i32
      %while3A_368 = arith.addi %while3A_365, %while3A_367 : i32
      %while3A_369 = arith.constant 1 : i32
      %while3A_370 = arith.divsi %while3A_367, %while3A_369 : i32
      %while3A_371 = arith.muli %while3A_370, %while3A_369 : i32
      %while3A_372 = arith.addi %while3A_365, %while3A_371 : i32
      %while3A_373 = arith.constant 1 : i32
      scf.for %while3A_387 = %while3A_365 to %while3A_372 step %while3A_373  : i32 {
        %add3A_388 = arith.addi %add3A_363, %while3A_387 : i32
        %broadcast_in_dim3A = vector.broadcast %add3A_388 : i32 to vector<16xi32>
        %gather3A = tpu.vector_load_idx %arg12[%broadcast_in_dim3A] : memref<960xf32, #tpu.memory_space<vmem>>[vector<16xi32>], vector<16xf32>,
        %get3A_389 = arith.index_cast %and3A : i32 to index
        %get3A_390 = arith.index_cast %while3A_387 : i32 to index
        %get3A_391 = arith.constant 0 : index
        %get3A_392 = tpu.vector_load %arg14[%get3A_389, %get3A_390, %get3A_391] {strides = array<i32>} : memref<2x48x128xf32, #tpu.memory_space<vmem>>, vector<16xf32>,
        %add3A_393 = arith.constant 0 : i32
        %add3A_394 = arith.addi %mul3A_6, %add3A_393 : i32
        %get3A_395 = arith.index_cast %and3A : i32 to index
        %get3A_396 = arith.index_cast %while3A_387 : i32 to index
        %get3A_397 = arith.index_cast %add3A_394 : i32 to index
        %get3A_398 = tpu.vector_load %arg15[%get3A_395, %get3A_396, %get3A_397] {strides = array<i32>} : memref<2x48x128xf32, #tpu.memory_space<vmem>>, vector<16xf32>,
        %add3A_399 = arith.addf %get3A_392, %get3A_398 : vector<16xf32>
        %mul3A_400 = arith.constant 2.500000e-01 : f32
        %mul3A_401 = vector.broadcast %mul3A_400 : f32 to vector<16xf32>
        %mul3A_402 = arith.mulf %mul3A_401, %add3A_399 : vector<16xf32>
        %max3A = arith.maximumf %add3A_399, %mul3A_402 : vector<16xf32>
        %mul3A_403 = arith.mulf %max3A, %gather3A : vector<16xf32>
        %exp3A = math.exp %mul3A_403 : vector<16xf32>
        %swap3A_404 = arith.index_cast %and3A : i32 to index
        %swap3A_405 = arith.index_cast %while3A_387 : i32 to index
        %swap3A_406 = arith.constant 0 : index
        %swap3A_407 = tpu.vector_load %arg16[%swap3A_404, %swap3A_405, %swap3A_406] {strides = array<i32>} : memref<2x48x128xf32, #tpu.memory_space<vmem>>, vector<16xf32>,
        tpu.vector_store %arg16[%swap3A_404, %swap3A_405, %swap3A_406], %exp3A {strides = array<i32>} : memref<2x48x128xf32, #tpu.memory_space<vmem>>, vector<16xf32>,
        %get3A_408 = arith.index_cast %and3A : i32 to index
        %get3A_409 = arith.index_cast %while3A_387 : i32 to index
        %get3A_410 = arith.constant 64 : index
        %get3A_411 = tpu.vector_load %arg14[%get3A_408, %get3A_409, %get3A_410] {strides = array<i32>} : memref<2x48x128xf32, #tpu.memory_space<vmem>>, vector<16xf32>,
        %mul3A_412 = arith.mulf %exp3A, %get3A_411 : vector<16xf32>
        %swap3A_413 = arith.index_cast %and3A : i32 to index
        %swap3A_414 = arith.index_cast %while3A_387 : i32 to index
        %swap3A_415 = arith.constant 64 : index
        %swap3A_416 = tpu.vector_load %arg16[%swap3A_413, %swap3A_414, %swap3A_415] {strides = array<i32>} : memref<2x48x128xf32, #tpu.memory_space<vmem>>, vector<16xf32>,
        tpu.vector_store %arg16[%swap3A_413, %swap3A_414, %swap3A_415], %mul3A_412 {strides = array<i32>} : memref<2x48x128xf32, #tpu.memory_space<vmem>>, vector<16xf32>,
        %get3A_417 = arith.index_cast %and3A : i32 to index
        %get3A_418 = arith.index_cast %while3A_387 : i32 to index
        %get3A_419 = arith.constant 16 : index
        %get3A_420 = tpu.vector_load %arg14[%get3A_417, %get3A_418, %get3A_419] {strides = array<i32>} : memref<2x48x128xf32, #tpu.memory_space<vmem>>, vector<16xf32>,
        %add3A_421 = arith.constant 16 : i32
        %add3A_422 = arith.addi %mul3A_6, %add3A_421 : i32
        %get3A_423 = arith.index_cast %and3A : i32 to index
        %get3A_424 = arith.index_cast %while3A_387 : i32 to index
        %get3A_425 = arith.index_cast %add3A_422 : i32 to index
        %get3A_426 = tpu.vector_load %arg15[%get3A_423, %get3A_424, %get3A_425] {strides = array<i32>} : memref<2x48x128xf32, #tpu.memory_space<vmem>>, vector<16xf32>,
        %add3A_427 = arith.addf %get3A_420, %get3A_426 : vector<16xf32>
        %mul3A_428 = arith.constant 2.500000e-01 : f32
        %mul3A_429 = vector.broadcast %mul3A_428 : f32 to vector<16xf32>
        %mul3A_430 = arith.mulf %mul3A_429, %add3A_427 : vector<16xf32>
        %max3A_431 = arith.maximumf %add3A_427, %mul3A_430 : vector<16xf32>
        %mul3A_432 = arith.mulf %max3A_431, %gather3A : vector<16xf32>
        %exp3A_433 = math.exp %mul3A_432 : vector<16xf32>
        %swap3A_434 = arith.index_cast %and3A : i32 to index
        %swap3A_435 = arith.index_cast %while3A_387 : i32 to index
        %swap3A_436 = arith.constant 16 : index
        %swap3A_437 = tpu.vector_load %arg16[%swap3A_434, %swap3A_435, %swap3A_436] {strides = array<i32>} : memref<2x48x128xf32, #tpu.memory_space<vmem>>, vector<16xf32>,
        tpu.vector_store %arg16[%swap3A_434, %swap3A_435, %swap3A_436], %exp3A_433 {strides = array<i32>} : memref<2x48x128xf32, #tpu.memory_space<vmem>>, vector<16xf32>,
        %get3A_438 = arith.index_cast %and3A : i32 to index
        %get3A_439 = arith.index_cast %while3A_387 : i32 to index
        %get3A_440 = arith.constant 80 : index
        %get3A_441 = tpu.vector_load %arg14[%get3A_438, %get3A_439, %get3A_440] {strides = array<i32>} : memref<2x48x128xf32, #tpu.memory_space<vmem>>, vector<16xf32>,
        %mul3A_442 = arith.mulf %exp3A_433, %get3A_441 : vector<16xf32>
        %swap3A_443 = arith.index_cast %and3A : i32 to index
        %swap3A_444 = arith.index_cast %while3A_387 : i32 to index
        %swap3A_445 = arith.constant 80 : index
        %swap3A_446 = tpu.vector_load %arg16[%swap3A_443, %swap3A_444, %swap3A_445] {strides = array<i32>} : memref<2x48x128xf32, #tpu.memory_space<vmem>>, vector<16xf32>,
        tpu.vector_store %arg16[%swap3A_443, %swap3A_444, %swap3A_445], %mul3A_442 {strides = array<i32>} : memref<2x48x128xf32, #tpu.memory_space<vmem>>, vector<16xf32>,
        %get3A_447 = arith.index_cast %and3A : i32 to index
        %get3A_448 = arith.index_cast %while3A_387 : i32 to index
        %get3A_449 = arith.constant 32 : index
        %get3A_450 = tpu.vector_load %arg14[%get3A_447, %get3A_448, %get3A_449] {strides = array<i32>} : memref<2x48x128xf32, #tpu.memory_space<vmem>>, vector<16xf32>,
        %add3A_451 = arith.constant 32 : i32
        %add3A_452 = arith.addi %mul3A_6, %add3A_451 : i32
        %get3A_453 = arith.index_cast %and3A : i32 to index
        %get3A_454 = arith.index_cast %while3A_387 : i32 to index
        %get3A_455 = arith.index_cast %add3A_452 : i32 to index
        %get3A_456 = tpu.vector_load %arg15[%get3A_453, %get3A_454, %get3A_455] {strides = array<i32>} : memref<2x48x128xf32, #tpu.memory_space<vmem>>, vector<16xf32>,
        %add3A_457 = arith.addf %get3A_450, %get3A_456 : vector<16xf32>
        %mul3A_458 = arith.constant 2.500000e-01 : f32
        %mul3A_459 = vector.broadcast %mul3A_458 : f32 to vector<16xf32>
        %mul3A_460 = arith.mulf %mul3A_459, %add3A_457 : vector<16xf32>
        %max3A_461 = arith.maximumf %add3A_457, %mul3A_460 : vector<16xf32>
        %mul3A_462 = arith.mulf %max3A_461, %gather3A : vector<16xf32>
        %exp3A_463 = math.exp %mul3A_462 : vector<16xf32>
        %swap3A_464 = arith.index_cast %and3A : i32 to index
        %swap3A_465 = arith.index_cast %while3A_387 : i32 to index
        %swap3A_466 = arith.constant 32 : index
        %swap3A_467 = tpu.vector_load %arg16[%swap3A_464, %swap3A_465, %swap3A_466] {strides = array<i32>} : memref<2x48x128xf32, #tpu.memory_space<vmem>>, vector<16xf32>,
        tpu.vector_store %arg16[%swap3A_464, %swap3A_465, %swap3A_466], %exp3A_463 {strides = array<i32>} : memref<2x48x128xf32, #tpu.memory_space<vmem>>, vector<16xf32>,
        %get3A_468 = arith.index_cast %and3A : i32 to index
        %get3A_469 = arith.index_cast %while3A_387 : i32 to index
        %get3A_470 = arith.constant 96 : index
        %get3A_471 = tpu.vector_load %arg14[%get3A_468, %get3A_469, %get3A_470] {strides = array<i32>} : memref<2x48x128xf32, #tpu.memory_space<vmem>>, vector<16xf32>,
        %mul3A_472 = arith.mulf %exp3A_463, %get3A_471 : vector<16xf32>
        %swap3A_473 = arith.index_cast %and3A : i32 to index
        %swap3A_474 = arith.index_cast %while3A_387 : i32 to index
        %swap3A_475 = arith.constant 96 : index
        %swap3A_476 = tpu.vector_load %arg16[%swap3A_473, %swap3A_474, %swap3A_475] {strides = array<i32>} : memref<2x48x128xf32, #tpu.memory_space<vmem>>, vector<16xf32>,
        tpu.vector_store %arg16[%swap3A_473, %swap3A_474, %swap3A_475], %mul3A_472 {strides = array<i32>} : memref<2x48x128xf32, #tpu.memory_space<vmem>>, vector<16xf32>,
        %get3A_477 = arith.index_cast %and3A : i32 to index
        %get3A_478 = arith.index_cast %while3A_387 : i32 to index
        %get3A_479 = arith.constant 48 : index
        %get3A_480 = tpu.vector_load %arg14[%get3A_477, %get3A_478, %get3A_479] {strides = array<i32>} : memref<2x48x128xf32, #tpu.memory_space<vmem>>, vector<16xf32>,
        %add3A_481 = arith.constant 48 : i32
        %add3A_482 = arith.addi %mul3A_6, %add3A_481 : i32
        %get3A_483 = arith.index_cast %and3A : i32 to index
        %get3A_484 = arith.index_cast %while3A_387 : i32 to index
        %get3A_485 = arith.index_cast %add3A_482 : i32 to index
        %get3A_486 = tpu.vector_load %arg15[%get3A_483, %get3A_484, %get3A_485] {strides = array<i32>} : memref<2x48x128xf32, #tpu.memory_space<vmem>>, vector<16xf32>,
        %add3A_487 = arith.addf %get3A_480, %get3A_486 : vector<16xf32>
        %mul3A_488 = arith.constant 2.500000e-01 : f32
        %mul3A_489 = vector.broadcast %mul3A_488 : f32 to vector<16xf32>
        %mul3A_490 = arith.mulf %mul3A_489, %add3A_487 : vector<16xf32>
        %max3A_491 = arith.maximumf %add3A_487, %mul3A_490 : vector<16xf32>
        %mul3A_492 = arith.mulf %max3A_491, %gather3A : vector<16xf32>
        %exp3A_493 = math.exp %mul3A_492 : vector<16xf32>
        %swap3A_494 = arith.index_cast %and3A : i32 to index
        %swap3A_495 = arith.index_cast %while3A_387 : i32 to index
        %swap3A_496 = arith.constant 48 : index
        %swap3A_497 = tpu.vector_load %arg16[%swap3A_494, %swap3A_495, %swap3A_496] {strides = array<i32>} : memref<2x48x128xf32, #tpu.memory_space<vmem>>, vector<16xf32>,
        tpu.vector_store %arg16[%swap3A_494, %swap3A_495, %swap3A_496], %exp3A_493 {strides = array<i32>} : memref<2x48x128xf32, #tpu.memory_space<vmem>>, vector<16xf32>,
        %get3A_498 = arith.index_cast %and3A : i32 to index
        %get3A_499 = arith.index_cast %while3A_387 : i32 to index
        %get3A_500 = arith.constant 112 : index
        %get3A_501 = tpu.vector_load %arg14[%get3A_498, %get3A_499, %get3A_500] {strides = array<i32>} : memref<2x48x128xf32, #tpu.memory_space<vmem>>, vector<16xf32>,
        %mul3A_502 = arith.mulf %exp3A_493, %get3A_501 : vector<16xf32>
        %swap3A_503 = arith.index_cast %and3A : i32 to index
        %swap3A_504 = arith.index_cast %while3A_387 : i32 to index
        %swap3A_505 = arith.constant 112 : index
        %swap3A_506 = tpu.vector_load %arg16[%swap3A_503, %swap3A_504, %swap3A_505] {strides = array<i32>} : memref<2x48x128xf32, #tpu.memory_space<vmem>>, vector<16xf32>,
        tpu.vector_store %arg16[%swap3A_503, %swap3A_504, %swap3A_505], %mul3A_502 {strides = array<i32>} : memref<2x48x128xf32, #tpu.memory_space<vmem>>, vector<16xf32>,
      }
      %while3A_374 = arith.constant 1 : i32
      scf.for %while3A_387 = %while3A_372 to %while3A_368 step %while3A_374  : i32 {
        %add3A_388 = arith.addi %add3A_363, %while3A_387 : i32
        %broadcast_in_dim3A = vector.broadcast %add3A_388 : i32 to vector<16xi32>
        %gather3A = tpu.vector_load_idx %arg12[%broadcast_in_dim3A] : memref<960xf32, #tpu.memory_space<vmem>>[vector<16xi32>], vector<16xf32>,
        %get3A_389 = arith.index_cast %and3A : i32 to index
        %get3A_390 = arith.index_cast %while3A_387 : i32 to index
        %get3A_391 = arith.constant 0 : index
        %get3A_392 = tpu.vector_load %arg14[%get3A_389, %get3A_390, %get3A_391] {strides = array<i32>} : memref<2x48x128xf32, #tpu.memory_space<vmem>>, vector<16xf32>,
        %add3A_393 = arith.constant 0 : i32
        %add3A_394 = arith.addi %mul3A_6, %add3A_393 : i32
        %get3A_395 = arith.index_cast %and3A : i32 to index
        %get3A_396 = arith.index_cast %while3A_387 : i32 to index
        %get3A_397 = arith.index_cast %add3A_394 : i32 to index
        %get3A_398 = tpu.vector_load %arg15[%get3A_395, %get3A_396, %get3A_397] {strides = array<i32>} : memref<2x48x128xf32, #tpu.memory_space<vmem>>, vector<16xf32>,
        %add3A_399 = arith.addf %get3A_392, %get3A_398 : vector<16xf32>
        %mul3A_400 = arith.constant 2.500000e-01 : f32
        %mul3A_401 = vector.broadcast %mul3A_400 : f32 to vector<16xf32>
        %mul3A_402 = arith.mulf %mul3A_401, %add3A_399 : vector<16xf32>
        %max3A = arith.maximumf %add3A_399, %mul3A_402 : vector<16xf32>
        %mul3A_403 = arith.mulf %max3A, %gather3A : vector<16xf32>
        %exp3A = math.exp %mul3A_403 : vector<16xf32>
        %swap3A_404 = arith.index_cast %and3A : i32 to index
        %swap3A_405 = arith.index_cast %while3A_387 : i32 to index
        %swap3A_406 = arith.constant 0 : index
        %swap3A_407 = tpu.vector_load %arg16[%swap3A_404, %swap3A_405, %swap3A_406] {strides = array<i32>} : memref<2x48x128xf32, #tpu.memory_space<vmem>>, vector<16xf32>,
        tpu.vector_store %arg16[%swap3A_404, %swap3A_405, %swap3A_406], %exp3A {strides = array<i32>} : memref<2x48x128xf32, #tpu.memory_space<vmem>>, vector<16xf32>,
        %get3A_408 = arith.index_cast %and3A : i32 to index
        %get3A_409 = arith.index_cast %while3A_387 : i32 to index
        %get3A_410 = arith.constant 64 : index
        %get3A_411 = tpu.vector_load %arg14[%get3A_408, %get3A_409, %get3A_410] {strides = array<i32>} : memref<2x48x128xf32, #tpu.memory_space<vmem>>, vector<16xf32>,
        %mul3A_412 = arith.mulf %exp3A, %get3A_411 : vector<16xf32>
        %swap3A_413 = arith.index_cast %and3A : i32 to index
        %swap3A_414 = arith.index_cast %while3A_387 : i32 to index
        %swap3A_415 = arith.constant 64 : index
        %swap3A_416 = tpu.vector_load %arg16[%swap3A_413, %swap3A_414, %swap3A_415] {strides = array<i32>} : memref<2x48x128xf32, #tpu.memory_space<vmem>>, vector<16xf32>,
        tpu.vector_store %arg16[%swap3A_413, %swap3A_414, %swap3A_415], %mul3A_412 {strides = array<i32>} : memref<2x48x128xf32, #tpu.memory_space<vmem>>, vector<16xf32>,
        %get3A_417 = arith.index_cast %and3A : i32 to index
        %get3A_418 = arith.index_cast %while3A_387 : i32 to index
        %get3A_419 = arith.constant 16 : index
        %get3A_420 = tpu.vector_load %arg14[%get3A_417, %get3A_418, %get3A_419] {strides = array<i32>} : memref<2x48x128xf32, #tpu.memory_space<vmem>>, vector<16xf32>,
        %add3A_421 = arith.constant 16 : i32
        %add3A_422 = arith.addi %mul3A_6, %add3A_421 : i32
        %get3A_423 = arith.index_cast %and3A : i32 to index
        %get3A_424 = arith.index_cast %while3A_387 : i32 to index
        %get3A_425 = arith.index_cast %add3A_422 : i32 to index
        %get3A_426 = tpu.vector_load %arg15[%get3A_423, %get3A_424, %get3A_425] {strides = array<i32>} : memref<2x48x128xf32, #tpu.memory_space<vmem>>, vector<16xf32>,
        %add3A_427 = arith.addf %get3A_420, %get3A_426 : vector<16xf32>
        %mul3A_428 = arith.constant 2.500000e-01 : f32
        %mul3A_429 = vector.broadcast %mul3A_428 : f32 to vector<16xf32>
        %mul3A_430 = arith.mulf %mul3A_429, %add3A_427 : vector<16xf32>
        %max3A_431 = arith.maximumf %add3A_427, %mul3A_430 : vector<16xf32>
        %mul3A_432 = arith.mulf %max3A_431, %gather3A : vector<16xf32>
        %exp3A_433 = math.exp %mul3A_432 : vector<16xf32>
        %swap3A_434 = arith.index_cast %and3A : i32 to index
        %swap3A_435 = arith.index_cast %while3A_387 : i32 to index
        %swap3A_436 = arith.constant 16 : index
        %swap3A_437 = tpu.vector_load %arg16[%swap3A_434, %swap3A_435, %swap3A_436] {strides = array<i32>} : memref<2x48x128xf32, #tpu.memory_space<vmem>>, vector<16xf32>,
        tpu.vector_store %arg16[%swap3A_434, %swap3A_435, %swap3A_436], %exp3A_433 {strides = array<i32>} : memref<2x48x128xf32, #tpu.memory_space<vmem>>, vector<16xf32>,
        %get3A_438 = arith.index_cast %and3A : i32 to index
        %get3A_439 = arith.index_cast %while3A_387 : i32 to index
        %get3A_440 = arith.constant 80 : index
        %get3A_441 = tpu.vector_load %arg14[%get3A_438, %get3A_439, %get3A_440] {strides = array<i32>} : memref<2x48x128xf32, #tpu.memory_space<vmem>>, vector<16xf32>,
        %mul3A_442 = arith.mulf %exp3A_433, %get3A_441 : vector<16xf32>
        %swap3A_443 = arith.index_cast %and3A : i32 to index
        %swap3A_444 = arith.index_cast %while3A_387 : i32 to index
        %swap3A_445 = arith.constant 80 : index
        %swap3A_446 = tpu.vector_load %arg16[%swap3A_443, %swap3A_444, %swap3A_445] {strides = array<i32>} : memref<2x48x128xf32, #tpu.memory_space<vmem>>, vector<16xf32>,
        tpu.vector_store %arg16[%swap3A_443, %swap3A_444, %swap3A_445], %mul3A_442 {strides = array<i32>} : memref<2x48x128xf32, #tpu.memory_space<vmem>>, vector<16xf32>,
        %get3A_447 = arith.index_cast %and3A : i32 to index
        %get3A_448 = arith.index_cast %while3A_387 : i32 to index
        %get3A_449 = arith.constant 32 : index
        %get3A_450 = tpu.vector_load %arg14[%get3A_447, %get3A_448, %get3A_449] {strides = array<i32>} : memref<2x48x128xf32, #tpu.memory_space<vmem>>, vector<16xf32>,
        %add3A_451 = arith.constant 32 : i32
        %add3A_452 = arith.addi %mul3A_6, %add3A_451 : i32
        %get3A_453 = arith.index_cast %and3A : i32 to index
        %get3A_454 = arith.index_cast %while3A_387 : i32 to index
        %get3A_455 = arith.index_cast %add3A_452 : i32 to index
        %get3A_456 = tpu.vector_load %arg15[%get3A_453, %get3A_454, %get3A_455] {strides = array<i32>} : memref<2x48x128xf32, #tpu.memory_space<vmem>>, vector<16xf32>,
        %add3A_457 = arith.addf %get3A_450, %get3A_456 : vector<16xf32>
        %mul3A_458 = arith.constant 2.500000e-01 : f32
        %mul3A_459 = vector.broadcast %mul3A_458 : f32 to vector<16xf32>
        %mul3A_460 = arith.mulf %mul3A_459, %add3A_457 : vector<16xf32>
        %max3A_461 = arith.maximumf %add3A_457, %mul3A_460 : vector<16xf32>
        %mul3A_462 = arith.mulf %max3A_461, %gather3A : vector<16xf32>
        %exp3A_463 = math.exp %mul3A_462 : vector<16xf32>
        %swap3A_464 = arith.index_cast %and3A : i32 to index
        %swap3A_465 = arith.index_cast %while3A_387 : i32 to index
        %swap3A_466 = arith.constant 32 : index
        %swap3A_467 = tpu.vector_load %arg16[%swap3A_464, %swap3A_465, %swap3A_466] {strides = array<i32>} : memref<2x48x128xf32, #tpu.memory_space<vmem>>, vector<16xf32>,
        tpu.vector_store %arg16[%swap3A_464, %swap3A_465, %swap3A_466], %exp3A_463 {strides = array<i32>} : memref<2x48x128xf32, #tpu.memory_space<vmem>>, vector<16xf32>,
        %get3A_468 = arith.index_cast %and3A : i32 to index
        %get3A_469 = arith.index_cast %while3A_387 : i32 to index
        %get3A_470 = arith.constant 96 : index
        %get3A_471 = tpu.vector_load %arg14[%get3A_468, %get3A_469, %get3A_470] {strides = array<i32>} : memref<2x48x128xf32, #tpu.memory_space<vmem>>, vector<16xf32>,
        %mul3A_472 = arith.mulf %exp3A_463, %get3A_471 : vector<16xf32>
        %swap3A_473 = arith.index_cast %and3A : i32 to index
        %swap3A_474 = arith.index_cast %while3A_387 : i32 to index
        %swap3A_475 = arith.constant 96 : index
        %swap3A_476 = tpu.vector_load %arg16[%swap3A_473, %swap3A_474, %swap3A_475] {strides = array<i32>} : memref<2x48x128xf32, #tpu.memory_space<vmem>>, vector<16xf32>,
        tpu.vector_store %arg16[%swap3A_473, %swap3A_474, %swap3A_475], %mul3A_472 {strides = array<i32>} : memref<2x48x128xf32, #tpu.memory_space<vmem>>, vector<16xf32>,
        %get3A_477 = arith.index_cast %and3A : i32 to index
        %get3A_478 = arith.index_cast %while3A_387 : i32 to index
        %get3A_479 = arith.constant 48 : index
        %get3A_480 = tpu.vector_load %arg14[%get3A_477, %get3A_478, %get3A_479] {strides = array<i32>} : memref<2x48x128xf32, #tpu.memory_space<vmem>>, vector<16xf32>,
        %add3A_481 = arith.constant 48 : i32
        %add3A_482 = arith.addi %mul3A_6, %add3A_481 : i32
        %get3A_483 = arith.index_cast %and3A : i32 to index
        %get3A_484 = arith.index_cast %while3A_387 : i32 to index
        %get3A_485 = arith.index_cast %add3A_482 : i32 to index
        %get3A_486 = tpu.vector_load %arg15[%get3A_483, %get3A_484, %get3A_485] {strides = array<i32>} : memref<2x48x128xf32, #tpu.memory_space<vmem>>, vector<16xf32>,
        %add3A_487 = arith.addf %get3A_480, %get3A_486 : vector<16xf32>
        %mul3A_488 = arith.constant 2.500000e-01 : f32
        %mul3A_489 = vector.broadcast %mul3A_488 : f32 to vector<16xf32>
        %mul3A_490 = arith.mulf %mul3A_489, %add3A_487 : vector<16xf32>
        %max3A_491 = arith.maximumf %add3A_487, %mul3A_490 : vector<16xf32>
        %mul3A_492 = arith.mulf %max3A_491, %gather3A : vector<16xf32>
        %exp3A_493 = math.exp %mul3A_492 : vector<16xf32>
        %swap3A_494 = arith.index_cast %and3A : i32 to index
        %swap3A_495 = arith.index_cast %while3A_387 : i32 to index
        %swap3A_496 = arith.constant 48 : index
        %swap3A_497 = tpu.vector_load %arg16[%swap3A_494, %swap3A_495, %swap3A_496] {strides = array<i32>} : memref<2x48x128xf32, #tpu.memory_space<vmem>>, vector<16xf32>,
        tpu.vector_store %arg16[%swap3A_494, %swap3A_495, %swap3A_496], %exp3A_493 {strides = array<i32>} : memref<2x48x128xf32, #tpu.memory_space<vmem>>, vector<16xf32>,
        %get3A_498 = arith.index_cast %and3A : i32 to index
        %get3A_499 = arith.index_cast %while3A_387 : i32 to index
        %get3A_500 = arith.constant 112 : index
        %get3A_501 = tpu.vector_load %arg14[%get3A_498, %get3A_499, %get3A_500] {strides = array<i32>} : memref<2x48x128xf32, #tpu.memory_space<vmem>>, vector<16xf32>,
        %mul3A_502 = arith.mulf %exp3A_493, %get3A_501 : vector<16xf32>
        %swap3A_503 = arith.index_cast %and3A : i32 to index
        %swap3A_504 = arith.index_cast %while3A_387 : i32 to index
        %swap3A_505 = arith.constant 112 : index
        %swap3A_506 = tpu.vector_load %arg16[%swap3A_503, %swap3A_504, %swap3A_505] {strides = array<i32>} : memref<2x48x128xf32, #tpu.memory_space<vmem>>, vector<16xf32>,
        tpu.vector_store %arg16[%swap3A_503, %swap3A_504, %swap3A_505], %mul3A_502 {strides = array<i32>} : memref<2x48x128xf32, #tpu.memory_space<vmem>>, vector<16xf32>,
      }
      %dma_start3A_375 = arith.constant 0 : i32
      %dma_start3A_376 = arith.constant 0 : i32
      %dma_start3A_377 = tpu.memref_slice %arg16[%and3A, %dma_start3A_375, %dma_start3A_376] : memref<2x48x128xf32, #tpu.memory_space<vmem>> -> memref<1x48x128xf32, #tpu.memory_space<vmem>>
      %dma_start3A_378 = tpu.memref_squeeze %dma_start3A_377 : memref<1x48x128xf32, #tpu.memory_space<vmem>> -> memref<48x128xf32, #tpu.memory_space<vmem>>
      %dma_start3A_379 = arith.constant 0 : i32
      %dma_start3A_380 = tpu.memref_slice %arg11[%and3A_307, %rem3A_305, %dma_start3A_379] : memref<2x10x48xi32, #tpu.memory_space<vmem>> -> memref<1x1x48xi32, #tpu.memory_space<vmem>>
      %dma_start3A_381 = tpu.memref_squeeze %dma_start3A_380 : memref<1x1x48xi32, #tpu.memory_space<vmem>> -> memref<48xi32, #tpu.memory_space<vmem>>
      %dma_start3A_382 = arith.constant 0 : i32
      %dma_start3A_383 = arith.constant 0 : i32
      %dma_start3A_384 = tpu.memref_slice %arg9[%dma_start3A_382, %dma_start3A_383] : memref<10112x128xf32, #tpu.memory_space<vmem_shared>> -> memref<10112x128xf32, #tpu.memory_space<vmem_shared>>
      %dma_start3A_385 = tpu.memref_slice %arg18[%and3A] : memref<2x!tpu.dma_semaphore, #tpu.memory_space<semaphore_mem>> -> memref<1x!tpu.dma_semaphore, #tpu.memory_space<semaphore_mem>>
      %dma_start3A_386 = tpu.memref_squeeze %dma_start3A_385 : memref<1x!tpu.dma_semaphore, #tpu.memory_space<semaphore_mem>> -> memref<!tpu.dma_semaphore, #tpu.memory_space<semaphore_mem>>
      tpu.enqueue_indirect_dma source(%dma_start3A_378 : memref<48x128xf32, #tpu.memory_space<vmem>>) target(%dma_start3A_384 : memref<10112x128xf32, #tpu.memory_space<vmem_shared>>) offsets(%dma_start3A_381 : memref<48xi32, #tpu.memory_space<vmem>>) semaphore(%dma_start3A_386 : memref<!tpu.dma_semaphore, #tpu.memory_space<semaphore_mem>>) {add = true}
    }
    %while3A_285 = arith.constant 0 : i64
    %while3A_286 = arith.constant 0 : i32
    %while3A_287 = arith.constant 2 : i32
    %while3A_288 = arith.subi %while3A_287, %while3A_286 : i32
    %while3A_289 = arith.addi %while3A_286, %while3A_288 : i32
    %while3A_290 = arith.constant 1 : i32
    %while3A_291 = arith.divsi %while3A_288, %while3A_290 : i32
    %while3A_292 = arith.muli %while3A_291, %while3A_290 : i32
    %while3A_293 = arith.addi %while3A_286, %while3A_292 : i32
    %while3A_294 = arith.constant 1 : i32
    scf.for %while3A_302 = %while3A_286 to %while3A_293 step %while3A_294  : i32 {
      %dma_wait3A_303 = arith.constant 0 : i32
      %dma_wait3A_304 = arith.constant 0 : i32
      %dma_wait3A_305 = arith.constant 0 : i32
      %dma_wait3A_306 = arith.constant 0 : i32
      %dma_wait3A_307 = tpu.memref_slice %arg16[%while3A_302, %dma_wait3A_305, %dma_wait3A_306] : memref<2x48x128xf32, #tpu.memory_space<vmem>> -> memref<1x48x128xf32, #tpu.memory_space<vmem>>
      %dma_wait3A_308 = tpu.memref_squeeze %dma_wait3A_307 : memref<1x48x128xf32, #tpu.memory_space<vmem>> -> memref<48x128xf32, #tpu.memory_space<vmem>>
      %dma_wait3A_309 = arith.constant 0 : i32
      %dma_wait3A_310 = tpu.memref_slice %arg11[%dma_wait3A_303, %dma_wait3A_304, %dma_wait3A_309] : memref<2x10x48xi32, #tpu.memory_space<vmem>> -> memref<1x1x48xi32, #tpu.memory_space<vmem>>
      %dma_wait3A_311 = tpu.memref_squeeze %dma_wait3A_310 : memref<1x1x48xi32, #tpu.memory_space<vmem>> -> memref<48xi32, #tpu.memory_space<vmem>>
      %dma_wait3A_312 = arith.constant 0 : i32
      %dma_wait3A_313 = arith.constant 0 : i32
      %dma_wait3A_314 = tpu.memref_slice %arg9[%dma_wait3A_312, %dma_wait3A_313] : memref<10112x128xf32, #tpu.memory_space<vmem_shared>> -> memref<10112x128xf32, #tpu.memory_space<vmem_shared>>
      %dma_wait3A_315 = tpu.memref_slice %arg18[%while3A_302] : memref<2x!tpu.dma_semaphore, #tpu.memory_space<semaphore_mem>> -> memref<1x!tpu.dma_semaphore, #tpu.memory_space<semaphore_mem>>
      %dma_wait3A_316 = tpu.memref_squeeze %dma_wait3A_315 : memref<1x!tpu.dma_semaphore, #tpu.memory_space<semaphore_mem>> -> memref<!tpu.dma_semaphore, #tpu.memory_space<semaphore_mem>>
      tpu.wait_indirect_dma semaphore(%dma_wait3A_316 : memref<!tpu.dma_semaphore, #tpu.memory_space<semaphore_mem>>) src(%dma_wait3A_308 : memref<48x128xf32, #tpu.memory_space<vmem>>) dst(%dma_wait3A_314 : memref<10112x128xf32, #tpu.memory_space<vmem_shared>>)
    }
    %while3A_295 = arith.constant 1 : i32
    scf.for %while3A_302 = %while3A_293 to %while3A_289 step %while3A_295  : i32 {
      %dma_wait3A_303 = arith.constant 0 : i32
      %dma_wait3A_304 = arith.constant 0 : i32
      %dma_wait3A_305 = arith.constant 0 : i32
      %dma_wait3A_306 = arith.constant 0 : i32
      %dma_wait3A_307 = tpu.memref_slice %arg16[%while3A_302, %dma_wait3A_305, %dma_wait3A_306] : memref<2x48x128xf32, #tpu.memory_space<vmem>> -> memref<1x48x128xf32, #tpu.memory_space<vmem>>
      %dma_wait3A_308 = tpu.memref_squeeze %dma_wait3A_307 : memref<1x48x128xf32, #tpu.memory_space<vmem>> -> memref<48x128xf32, #tpu.memory_space<vmem>>
      %dma_wait3A_309 = arith.constant 0 : i32
      %dma_wait3A_310 = tpu.memref_slice %arg11[%dma_wait3A_303, %dma_wait3A_304, %dma_wait3A_309] : memref<2x10x48xi32, #tpu.memory_space<vmem>> -> memref<1x1x48xi32, #tpu.memory_space<vmem>>
      %dma_wait3A_311 = tpu.memref_squeeze %dma_wait3A_310 : memref<1x1x48xi32, #tpu.memory_space<vmem>> -> memref<48xi32, #tpu.memory_space<vmem>>
      %dma_wait3A_312 = arith.constant 0 : i32
      %dma_wait3A_313 = arith.constant 0 : i32
      %dma_wait3A_314 = tpu.memref_slice %arg9[%dma_wait3A_312, %dma_wait3A_313] : memref<10112x128xf32, #tpu.memory_space<vmem_shared>> -> memref<10112x128xf32, #tpu.memory_space<vmem_shared>>
      %dma_wait3A_315 = tpu.memref_slice %arg18[%while3A_302] : memref<2x!tpu.dma_semaphore, #tpu.memory_space<semaphore_mem>> -> memref<1x!tpu.dma_semaphore, #tpu.memory_space<semaphore_mem>>
      %dma_wait3A_316 = tpu.memref_squeeze %dma_wait3A_315 : memref<1x!tpu.dma_semaphore, #tpu.memory_space<semaphore_mem>> -> memref<!tpu.dma_semaphore, #tpu.memory_space<semaphore_mem>>
      tpu.wait_indirect_dma semaphore(%dma_wait3A_316 : memref<!tpu.dma_semaphore, #tpu.memory_space<semaphore_mem>>) src(%dma_wait3A_308 : memref<48x128xf32, #tpu.memory_space<vmem>>) dst(%dma_wait3A_314 : memref<10112x128xf32, #tpu.memory_space<vmem_shared>>)
    }
    %barrier3A_296 = arith.constant 0 : index
    tpu.barrier barrier_id(%barrier3A_296)
    %mul3A_297 = arith.constant 10112 : i32
    %mul3A_298 = arith.muli %arg0, %mul3A_297 : i32
    %mul3A_299 = arith.constant 632 : i32
    %mul3A_300 = arith.muli %arg1, %mul3A_299 : i32
    %add3A_301 = arith.addi %mul3A_298, %mul3A_300 : i32
    "tpu.region"() ({
      %run_scoped3A = tpu.sem_alloc : memref<!tpu.dma_semaphore, #tpu.memory_space<semaphore_mem>>
      %dma_start3A_302 = arith.constant 0 : i32
      %dma_start3A_303 = tpu.memref_slice %arg8[%add3A_301, %dma_start3A_302] : memref<20224x128xf32, #tpu.memory_space<hbm>> -> memref<632x128xf32, #tpu.memory_space<hbm>>
      %dma_start3A_304 = arith.constant 0 : i32
      %dma_start3A_305 = tpu.memref_slice %arg9[%mul3A_0, %dma_start3A_304] : memref<10112x128xf32, #tpu.memory_space<vmem_shared>> -> memref<632x128xf32, #tpu.memory_space<vmem_shared>>
      tpu.enqueue_dma source(%dma_start3A_305 : memref<632x128xf32, #tpu.memory_space<vmem_shared>>) target(%dma_start3A_303 : memref<632x128xf32, #tpu.memory_space<hbm>>) target_semaphore(%run_scoped3A : memref<!tpu.dma_semaphore, #tpu.memory_space<semaphore_mem>>)
      %dma_wait3A_306 = arith.constant 0 : i32
      %dma_wait3A_307 = tpu.memref_slice %arg8[%add3A_301, %dma_wait3A_306] : memref<20224x128xf32, #tpu.memory_space<hbm>> -> memref<632x128xf32, #tpu.memory_space<hbm>>
      %dma_wait3A_308 = arith.constant 0 : i32
      %dma_wait3A_309 = tpu.memref_slice %arg9[%mul3A_0, %dma_wait3A_308] : memref<10112x128xf32, #tpu.memory_space<vmem_shared>> -> memref<632x128xf32, #tpu.memory_space<vmem_shared>>
      tpu.wait_dma2 semaphore(%run_scoped3A : memref<!tpu.dma_semaphore, #tpu.memory_space<semaphore_mem>>) src(%dma_wait3A_309 : memref<632x128xf32, #tpu.memory_space<vmem_shared>>) dst(%dma_wait3A_307 : memref<632x128xf32, #tpu.memory_space<hbm>>)
      tpu.yield
    }) : () -> ()
    return
  }
}

module attributes {stable_mosaic.version = 14 : i64} {
  func.func @_tables_body(%arg0: i32, %arg1: memref<632x128xf32, #tpu.memory_space<vmem>>, %arg2: memref<256x128xf32, #tpu.memory_space<vmem>>, %arg3: memref<632x128xf32, #tpu.memory_space<vmem>>, %arg4: memref<632x128xf32, #tpu.memory_space<vmem>>, %arg5: memref<632x128xf32, #tpu.memory_space<vmem>>) attributes {dimension_semantics = [#tpu.dimension_semantics<arbitrary>], iteration_bounds = array<i64: 16>, scalar_prefetch = 0 : i64, scratch_operands = 0 : i64, tpu.core_type = #tpu.core_type<tc>, window_params = [{transform_indices = @transform_0, window_bounds = array<i64: 632, 128>}, {pipeline_mode = #tpu.pipeline_mode<synchronous>, transform_indices = @transform_1, window_bounds = array<i64: 256, 128>}, {transform_indices = @transform_2, window_bounds = array<i64: 632, 128>}, {transform_indices = @transform_3, window_bounds = array<i64: 632, 128>}, {transform_indices = @transform_4, window_bounds = array<i64: 632, 128>}]} {
    %get3A = arith.constant 0 : index
    %get3A_0 = arith.constant 0 : index
    %get3A_1 = vector.load %arg1[%get3A, %get3A_0] : memref<632x128xf32, #tpu.memory_space<vmem>>, vector<632x128xf32>
    %get3A_2 = arith.constant 0 : index
    %get3A_3 = arith.constant 0 : index
    %get3A_4 = vector.load %arg2[%get3A_2, %get3A_3] : memref<256x128xf32, #tpu.memory_space<vmem>>, vector<256x128xf32>
    %slice3A = vector.extract_strided_slice %get3A_4 {offsets = [0, 0], sizes = [128, 128], strides = [1, 1]} : vector<256x128xf32> to vector<128x128xf32>
    %dot_general3A = arith.constant dense<0.000000e+00> : vector<632x128xf32>
    %dot_general3A_5 = tpu.matmul %get3A_1, %slice3A, %dot_general3A {dimension_numbers = #tpu.dot_dimension_numbers<[1], [0], [0], [1], [0, 0, 1, 1], [], []>, transpose_lhs_hint = false} : vector<632x128xf32>, vector<128x128xf32>, vector<632x128xf32> -> vector<632x128xf32>
    %slice3A_6 = vector.extract_strided_slice %dot_general3A_5 {offsets = [0, 0], sizes = [632, 64], strides = [1, 1]} : vector<632x128xf32> to vector<632x64xf32>
    %swap3A = arith.constant 0 : index
    %swap3A_7 = arith.constant 0 : index
    %swap3A_8 = vector.load %arg3[%swap3A, %swap3A_7] : memref<632x128xf32, #tpu.memory_space<vmem>>, vector<632x64xf32>
    tpu.vector_store %arg3[%swap3A, %swap3A_7], %slice3A_6 {strides = array<i32>} : memref<632x128xf32, #tpu.memory_space<vmem>>, vector<632x64xf32>,
    %slice3A_9 = vector.extract_strided_slice %get3A_1 {offsets = [0, 0], sizes = [632, 64], strides = [1, 1]} : vector<632x128xf32> to vector<632x64xf32>
    %swap3A_10 = arith.constant 0 : index
    %swap3A_11 = arith.constant 64 : index
    %swap3A_12 = vector.load %arg3[%swap3A_10, %swap3A_11] : memref<632x128xf32, #tpu.memory_space<vmem>>, vector<632x64xf32>
    tpu.vector_store %arg3[%swap3A_10, %swap3A_11], %slice3A_9 {strides = array<i32>} : memref<632x128xf32, #tpu.memory_space<vmem>>, vector<632x64xf32>,
    %slice3A_13 = vector.extract_strided_slice %dot_general3A_5 {offsets = [0, 64], sizes = [632, 64], strides = [1, 1]} : vector<632x128xf32> to vector<632x64xf32>
    %swap3A_14 = arith.constant 0 : index
    %swap3A_15 = arith.constant 0 : index
    %swap3A_16 = vector.load %arg4[%swap3A_14, %swap3A_15] : memref<632x128xf32, #tpu.memory_space<vmem>>, vector<632x64xf32>
    tpu.vector_store %arg4[%swap3A_14, %swap3A_15], %slice3A_13 {strides = array<i32>} : memref<632x128xf32, #tpu.memory_space<vmem>>, vector<632x64xf32>,
    %slice3A_17 = vector.extract_strided_slice %get3A_1 {offsets = [0, 64], sizes = [632, 64], strides = [1, 1]} : vector<632x128xf32> to vector<632x64xf32>
    %swap3A_18 = arith.constant 0 : index
    %swap3A_19 = arith.constant 64 : index
    %swap3A_20 = vector.load %arg4[%swap3A_18, %swap3A_19] : memref<632x128xf32, #tpu.memory_space<vmem>>, vector<632x64xf32>
    tpu.vector_store %arg4[%swap3A_18, %swap3A_19], %slice3A_17 {strides = array<i32>} : memref<632x128xf32, #tpu.memory_space<vmem>>, vector<632x64xf32>,
    %slice3A_21 = vector.extract_strided_slice %get3A_4 {offsets = [128, 0], sizes = [128, 128], strides = [1, 1]} : vector<256x128xf32> to vector<128x128xf32>
    %dot_general3A_22 = arith.constant dense<0.000000e+00> : vector<632x128xf32>
    %dot_general3A_23 = tpu.matmul %get3A_1, %slice3A_21, %dot_general3A_22 {dimension_numbers = #tpu.dot_dimension_numbers<[1], [0], [0], [1], [0, 0, 1, 1], [], []>, transpose_lhs_hint = false} : vector<632x128xf32>, vector<128x128xf32>, vector<632x128xf32> -> vector<632x128xf32>
    %swap3A_24 = arith.constant 0 : index
    %swap3A_25 = arith.constant 0 : index
    %swap3A_26 = vector.load %arg5[%swap3A_24, %swap3A_25] : memref<632x128xf32, #tpu.memory_space<vmem>>, vector<632x128xf32>
    tpu.vector_store %arg5[%swap3A_24, %swap3A_25], %dot_general3A_23 {strides = array<i32>} : memref<632x128xf32, #tpu.memory_space<vmem>>, vector<632x128xf32>,
    return
  }
  func.func @transform_0(%arg0: i32) -> (i32, i32) {
    %c0_i32 = arith.constant 0 : i32
    %c0_i32_0 = arith.constant 0 : i32
    return %arg0, %c0_i32 : i32, i32
  }
  func.func @transform_1(%arg0: i32) -> (i32, i32) {
    %c0_i32 = arith.constant 0 : i32
    %c0_i32_0 = arith.constant 0 : i32
    %c0_i32_1 = arith.constant 0 : i32
    return %c0_i32, %c0_i32_0 : i32, i32
  }
  func.func @transform_2(%arg0: i32) -> (i32, i32) {
    %c0_i32 = arith.constant 0 : i32
    %c0_i32_0 = arith.constant 0 : i32
    return %arg0, %c0_i32 : i32, i32
  }
  func.func @transform_3(%arg0: i32) -> (i32, i32) {
    %c0_i32 = arith.constant 0 : i32
    %c0_i32_0 = arith.constant 0 : i32
    return %arg0, %c0_i32 : i32, i32
  }
  func.func @transform_4(%arg0: i32) -> (i32, i32) {
    %c0_i32 = arith.constant 0 : i32
    %c0_i32_0 = arith.constant 0 : i32
    return %arg0, %c0_i32 : i32, i32
  }
}

module attributes {stable_mosaic.version = 14 : i64} {
  func.func @_finalize_body(%arg0: i32, %arg1: memref<632x128xf32, #tpu.memory_space<vmem>>, %arg2: memref<632x128xf32, #tpu.memory_space<vmem>>, %arg3: memref<632x128xf32, #tpu.memory_space<vmem>>) attributes {dimension_semantics = [#tpu.dimension_semantics<arbitrary>], iteration_bounds = array<i64: 16>, scalar_prefetch = 0 : i64, scratch_operands = 0 : i64, tpu.core_type = #tpu.core_type<tc>, window_params = [{transform_indices = @transform_0, window_bounds = array<i64: 632, 128>}, {transform_indices = @transform_1, window_bounds = array<i64: 632, 128>}, {transform_indices = @transform_2, window_bounds = array<i64: 632, 128>}]} {
    %get3A = arith.constant 0 : index
    %get3A_0 = arith.constant 64 : index
    %get3A_1 = vector.load %arg1[%get3A, %get3A_0] : memref<632x128xf32, #tpu.memory_space<vmem>>, vector<632x64xf32>
    %get3A_2 = arith.constant 0 : index
    %get3A_3 = arith.constant 0 : index
    %get3A_4 = vector.load %arg1[%get3A_2, %get3A_3] : memref<632x128xf32, #tpu.memory_space<vmem>>, vector<632x64xf32>
    %add3A = arith.constant 9.99999971E-10 : f32
    %add3A_5 = vector.broadcast %add3A : f32 to vector<632x64xf32>
    %add3A_6 = arith.addf %get3A_4, %add3A_5 : vector<632x64xf32>
    %div3A = arith.divf %get3A_1, %add3A_6 : vector<632x64xf32>
    %max3A = arith.constant 0.000000e+00 : f32
    %max3A_7 = vector.broadcast %max3A : f32 to vector<632x64xf32>
    %max3A_8 = arith.maximumf %div3A, %max3A_7 : vector<632x64xf32>
    %swap3A = arith.constant 0 : index
    %swap3A_9 = arith.constant 0 : index
    %swap3A_10 = vector.load %arg3[%swap3A, %swap3A_9] : memref<632x128xf32, #tpu.memory_space<vmem>>, vector<632x64xf32>
    tpu.vector_store %arg3[%swap3A, %swap3A_9], %max3A_8 {strides = array<i32>} : memref<632x128xf32, #tpu.memory_space<vmem>>, vector<632x64xf32>,
    %get3A_11 = arith.constant 0 : index
    %get3A_12 = arith.constant 64 : index
    %get3A_13 = vector.load %arg2[%get3A_11, %get3A_12] : memref<632x128xf32, #tpu.memory_space<vmem>>, vector<632x64xf32>
    %get3A_14 = arith.constant 0 : index
    %get3A_15 = arith.constant 0 : index
    %get3A_16 = vector.load %arg2[%get3A_14, %get3A_15] : memref<632x128xf32, #tpu.memory_space<vmem>>, vector<632x64xf32>
    %add3A_17 = arith.constant 9.99999971E-10 : f32
    %add3A_18 = vector.broadcast %add3A_17 : f32 to vector<632x64xf32>
    %add3A_19 = arith.addf %get3A_16, %add3A_18 : vector<632x64xf32>
    %div3A_20 = arith.divf %get3A_13, %add3A_19 : vector<632x64xf32>
    %max3A_21 = arith.constant 0.000000e+00 : f32
    %max3A_22 = vector.broadcast %max3A_21 : f32 to vector<632x64xf32>
    %max3A_23 = arith.maximumf %div3A_20, %max3A_22 : vector<632x64xf32>
    %swap3A_24 = arith.constant 0 : index
    %swap3A_25 = arith.constant 64 : index
    %swap3A_26 = vector.load %arg3[%swap3A_24, %swap3A_25] : memref<632x128xf32, #tpu.memory_space<vmem>>, vector<632x64xf32>
    tpu.vector_store %arg3[%swap3A_24, %swap3A_25], %max3A_23 {strides = array<i32>} : memref<632x128xf32, #tpu.memory_space<vmem>>, vector<632x64xf32>,
    return
  }
  func.func @transform_0(%arg0: i32) -> (i32, i32) {
    %c0_i32 = arith.constant 0 : i32
    %c0_i32_0 = arith.constant 0 : i32
    return %arg0, %c0_i32 : i32, i32
  }
  func.func @transform_1(%arg0: i32) -> (i32, i32) {
    %add3A = arith.constant 16 : i32
    %add3A_0 = arith.addi %add3A, %arg0 : i32
    %c0_i32 = arith.constant 0 : i32
    %c0_i32_1 = arith.constant 0 : i32
    return %add3A_0, %c0_i32 : i32, i32
  }
  func.func @transform_2(%arg0: i32) -> (i32, i32) {
    %c0_i32 = arith.constant 0 : i32
    %c0_i32_0 = arith.constant 0 : i32
    return %arg0, %c0_i32 : i32, i32
  }
}

</mosaic_0001>

<sc_bundles>
// kernel: kernel.5.cloned.1.call-start
scs
__scs_entry_jumppad:
0x0: {  	(pc) =	sbr.rel $0x88, $3  }
0x1: {  	(tag) =	ssettag $0x0;
	lr =	simm.s32 $0x1  }
0x2: {  	[smem:$0x3F9D] =	sst lr;
	_ =	strace $0xD0000000  }
0x3: {  	_ = 	snop  }
0x4: {  	_ = 	snop  }
0x5: {  	_ = 	snop  }
0x6: {  	_ = 	snop  }
0x7: {  	_ = 	snop  }
__scs_overlays_trampoline_lowered:
0x8: {  	[smem:$0x3FAC] =	sst s0  }
0x9: {  	[smem:$0x3FAD] =	sst s1  }
0xa: {  	[smem:$0x3FAE] =	sst s2  }
0xb: {  	[smem:$0x3FAF] =	sst s3  }
0xc: {  	[smem:$0x3FB0] =	sst s4  }
0xd: {  	[smem:$0x3FB1] =	sst s5  }
0xe: {  	[smem:$0x3FB2] =	sst s6  }
0xf: {  	[smem:$0x3FB3] =	sst s7  }
0x10: {  	[smem:$0x3FB4] =	sst s8  }
0x11: {  	[smem:$0x3FB5] =	sst s9;
	s0 =	simm.s32 @!p0 $0x0  }
0x12: {  	s1 =	sld [smem:$0x3F9B];
	s0 =	simm.s32 @p0 $0x1  }
0x13: {  	[smem:$0x3FB6] =	sst s0;
	s0 =	simm.s32 @!p1 $0x0  }
0x14: {  	s2 =	sld [smem:$0x3F9A];
	s0 =	simm.s32 @p1 $0x1  }
0x15: {  	[smem:$0x3FB7] =	sst s0;
	s0 =	simm.s32 @!p2 $0x0  }
0x16: {  	s3 =	sld [smem:$0x3FDB];
	s0 =	simm.s32 @p2 $0x1  }
0x17: {  	s4 =	simm.s32 $0x1BF5;
	[smem:$0x3FB9] =	sst s0  }
0x18: {  	s0 =	sld [smem:$0x3F9C];
	_ =	swait.ge [sflag:s4], $0x0  }
0x19: {  	s7 =	sld [smem:$0x3F9D]  }
0x1a: {  	s8 =	sadd.s32 $0xFFFFE003, lr  }
0x1b: {  	s9 =	sadd.s32 $0xFFFFFEF7, lr;
	s5 =	simm.s32 $0xFFFFFFFF;
	p2 =	slt.u32 s8, $0xFFFFF086  }
0x1c: {  	p1 =	slt.u32 s9, $0xF7A;
	s5 =	simm.s32 @!p2 $0x0  }
0x1d: {  	s5 =	simm.s32 @p1 $0x1;
	p0 =	seq.s32 s7, s2  }
0x1e: {  	s7 =	smul.u32 @!p0 $0xF7A, s2;
	p2 =	seq.s32 @!p0 s5, $0x0  }
0x1f: {  	s9 =	smul.u32 $0xF7A, s1;
	s8 =	simm.s32 @!p0 $0x1BF5;
	p2 =	por !p2, p0  }
0x20: {  	[sflag:s8] =	ssyncset.s32 @!p0 $0xFFFFF086;
	s6 =	sadd.s32 @!p0 s3, s7;
	s7 =	simm.s32 @!p0 $0x108  }
0x21: {  	s3 =	sadd.s32 s3, s9;
	s6 =	sadd.s32 @!p0 $0x88, s6;
	s7 =	simm.s32 @p2 $0x1082  }
0x22: {  	[simem:s7], [sflag:s8] =	dma.local @!p0 [hbm:s6], $0xF7A  }
0x23: {  	s9 =	sor.u32 $0xD0000000, s2;
	s6 =	simm.s32 $0x108;
	_ =	swait.ge @!p0 [sflag:s8], $0x0  }
0x24: {  	s3 =	sadd.s32 $0x88, s3;
	s6 =	simm.s32 @!p1 $0x1082;
	[sflag:s4] =	ssyncset.s32 $0xFFFFF086  }
0x25: {  	[simem:s6], [sflag:s4] =	dma.local [hbm:s3], $0xF7A  }
0x26: {  	[smem:$0x3F9D] =	sst s1;
	(tag) =	ssettag s2;
	_ =	strace s9  }
0x27: {  	s1 =	sld [smem:$0x3FAD]  }
0x28: {  	s2 =	sld [smem:$0x3FAE]  }
0x29: {  	s4 =	sld [smem:$0x3FB0]  }
0x2a: {  	p0 =	seq.s32 s5, $0x0;
	s5 =	sld [smem:$0x3FB1]  }
0x2b: {  	s6 =	sld [smem:$0x3FB2]  }
0x2c: {  	s7 =	sld [smem:$0x3FB3]  }
0x2d: {  	s3 =	simm.s32 $0x108;
	s8 =	sld [smem:$0x3FB4]  }
0x2e: {  	s3 =	simm.s32 @!p0 $0x1082;
	s9 =	sld [smem:$0x3FB5]  }
0x2f: {  	lr =	sadd.s32 s0, s3;
	s0 =	sld [smem:$0x3FAC]  }
0x30: {  	s3 =	sld [smem:$0x3FAF]  }
0x31: {  	[smem:$0x3FB8] =	sst s10  }
0x32: {  	s10 =	sld [smem:$0x3FB6];
	_ =	sdelay $0x3  }
0x33: {  	p0 =	seq.s32 s10, $0x1;
	s10 =	sld [smem:$0x3FB8];
	_ =	sdelay $0x3  }
0x34: {  	[smem:$0x3FB8] =	sst s10  }
0x35: {  	s10 =	sld [smem:$0x3FB7];
	_ =	sdelay $0x3  }
0x36: {  	p1 =	seq.s32 s10, $0x1;
	s10 =	sld [smem:$0x3FB8];
	_ =	sdelay $0x3  }
0x37: {  	[smem:$0x3FB8] =	sst s10  }
0x38: {  	s10 =	sld [smem:$0x3FB9]  }
0x39: {  	_ = 	snop;
	(pc) =	sbr.ind lr, $3  }
0x3a: {  	_ = 	snop  }
0x3b: {  	_ = 	snop  }
0x3c: {  	p2 =	seq.s32 s10, $0x1;
	s10 =	sld [smem:$0x3FB8]  }
0x3d: {  	_ =	shalt  }
0x3e: {  	_ =	shalt  }
0x3f: {  	_ =	shalt  }
0x40: {  	_ =	shalt  }
0x41: {  	_ =	shalt  }
0x42: {  	_ =	shalt  }
0x43: {  	_ =	shalt  }
0x44: {  	_ =	shalt  }
0x45: {  	_ =	shalt  }
0x46: {  	_ =	shalt  }
0x47: {  	_ =	shalt  }
0x48: {  	_ =	shalt  }
0x49: {  	_ =	shalt  }
0x4a: {  	_ =	shalt  }
0x4b: {  	_ =	shalt  }
0x4c: {  	_ =	shalt  }
0x4d: {  	_ =	shalt  }
0x4e: {  	_ =	shalt  }
0x4f: {  	_ =	shalt  }
0x50: {  	_ =	shalt  }
0x51: {  	_ =	shalt  }
0x52: {  	_ =	shalt  }
0x53: {  	_ =	shalt  }
0x54: {  	_ =	shalt  }
0x55: {  	_ =	shalt  }
0x56: {  	_ =	shalt  }
0x57: {  	_ =	shalt  }
0x58: {  	_ =	shalt  }
0x59: {  	_ =	shalt  }
0x5a: {  	_ =	shalt  }
0x5b: {  	_ =	shalt  }
0x5c: {  	_ =	shalt  }
0x5d: {  	_ =	shalt  }
0x5e: {  	_ =	shalt  }
0x5f: {  	_ =	shalt  }
0x60: {  	_ =	shalt  }
0x61: {  	_ =	shalt  }
0x62: {  	_ =	shalt  }
0x63: {  	_ =	shalt  }
0x64: {  	_ =	shalt  }
0x65: {  	_ =	shalt  }
0x66: {  	_ =	shalt  }
0x67: {  	_ =	shalt  }
0x68: {  	_ =	shalt  }
0x69: {  	_ =	shalt  }
0x6a: {  	_ =	shalt  }
0x6b: {  	_ =	shalt  }
0x6c: {  	_ =	shalt  }
0x6d: {  	_ =	shalt  }
0x6e: {  	_ =	shalt  }
0x6f: {  	_ =	shalt  }
0x70: {  	_ =	shalt  }
0x71: {  	_ =	shalt  }
0x72: {  	_ =	shalt  }
0x73: {  	_ =	shalt  }
0x74: {  	_ =	shalt  }
0x75: {  	_ =	shalt  }
0x76: {  	_ =	shalt  }
0x77: {  	_ =	shalt  }
0x78: {  	_ =	shalt  }
0x79: {  	_ =	shalt  }
0x7a: {  	_ =	shalt  }
0x7b: {  	_ =	shalt  }
0x7c: {  	_ =	shalt  }
0x7d: {  	_ =	shalt  }
0x7e: {  	_ =	shalt  }
0x7f: {  	_ =	shalt  }
0x80: {  	_ =	shalt  }
0x81: {  	_ =	shalt  }
0x82: {  	_ =	shalt  }
0x83: {  	_ =	shalt  }
0x84: {  	_ =	shalt  }
0x85: {  	_ =	shalt  }
0x86: {  	_ =	shalt  }
0x87: {  	_ =	shalt  }
.Lfunc_end0:
.L_simem_size_0:
called_computation_lowered:
.L_overlay_start_0:
0x88: {  	s2 =	sld [smem:$0x3FD9]  }
0x89: {  	s3 =	sld [smem:$0x3FFE];
	_ =	sdelay $0x1  }
0x8a: {  	s1 =	srdreg.scid  }
0x8b: {  	s0 =	sand.u32 $0x1, s1  }
0x8c: {  	s17 =	sshll.u32 s0, $0xA;
	s2 =	sadd.s32 s3, s2  }
0x8d: {  	s2 =	sadd.s32 s2, s17  }
0x8e: {  	[smem:$0x3FC4] =	sst s2  }
0x8f: {  	_ = 	snop  }
0x90: {  	s2 =	sld [smem:$0x3FD0];
	(tm) =	ssettm $0x1  }
0x91: {  	s18 =	sld [smem:$0x3FFB];
	_ =	sdelay $0x3  }
0x92: {  	_ =	strace s18  }
0x93: {  	s3 =	sld [smem:$0x3FFC];
	_ =	sdelay $0x3  }
0x94: {  	_ =	strace s3  }
0x95: {  	s3 =	sld [smem:$0x3FFD];
	_ =	sdelay $0x3  }
0x96: {  	_ =	strace s3  }
0x97: {  	_ =	strace $0x8FFFFFFF  }
0x98: {  	s19 =	sld [smem:$0x3FDB];
	_ =	sdelay $0x1  }
0x99: {  	s4 =	simm.s32 $_scs_section_size  }
0x9a: {  	s5 =	simm.s32 $_size__tile_overlayer_lowered;
	s6 =	simm.s32 $_tile_overlayer_lowered  }
0x9b: {  	s22 =	simm.s32 $0x1BFF;
	s21 =	sshll.u32 s6, $0x1;
	s3 =	sadd.s32 s4, s19  }
0x9c: {  	s7 =	simm.s32 $0x0;
	s20 =	sshll.u32 s5, $0x1;
	s5 =	sadd.s32 s21, s3  }
0x9d: {  	[timem:s7], [sflag:s22] =	dma.local [hbm:s5], s20  }
0x9e: {  	_ =	swait.ge [sflag:s22], s20  }
0x9f: {  	s4 =	ssub.s32 $0x0, s20;
	[sflag:s22] =	ssyncset.done $0x0  }
0xa0: {  	[sflag:s22] =	ssyncadd.s32 s4;
	_ =	sdelay $0x1  }
0xa1: {  	s23 =	simm.s32 $0x1B8B  }
0xa2: {  	_ =	swait.ge [sflag:s23], $0x1  }
0xa3: {  	[sflag:s23] =	ssyncset.done $0x0  }
0xa4: {  	s25 =	simm.s32 $0x1B8E;
	s24 =	sld [smem:$0x3FFE];
	[sflag:s23] =	ssyncadd.s32 $0xFFFFFFFF  }
0xa5: {  	s26 =	simm.s32 $execute0_lowered;
	[smem:$0x3FD2] =	sst s25  }
0xa6: {  	s5 =	sshll.u32 s26, $0x1;
	_ =	strace $0x80000046;
	[dreg:$0x1] =	wrdreg $0xFFFFFFFF  }
0xa7: {  	s28 =	simm.s32 $_size_execute0_lowered;
	s3 =	sadd.s32 s3, s5;
	[dreg:$0x0] =	wrdreg $0x0  }
0xa8: {  	s5 =	sshll.u32 s28, $0x1;
	[dreg:$0x2] =	wrdreg s3  }
0xa9: {  	[dreg:$0x3] =	wrdreg s5  }
0xaa: {  	[dreg:$0x4] =	wrdreg $0xC0  }
0xab: {  	_ =	task [dreg:s7], $0x5FFFF  }
0xac: {  	[dreg:$0x1] =	wrdreg $0xFFFFFFFF  }
0xad: {  	[dreg:$0x0] =	wrdreg $0x60  }
0xae: {  	[dreg:$0x2] =	wrdreg s24  }
0xaf: {  	[dreg:$0x3] =	wrdreg s2  }
0xb0: {  	[dreg:$0x4] =	wrdreg $0x0  }
0xb1: {  	[dreg:$0x5] =	wrdreg $0x9  }
0xb2: {  	_ =	task.clear_ibuf [dreg:s7], $0x6FFFF;
	_ =	strace $0x90000046  }
0xb3: {  	s29 =	simm.s32 $0x9;
	_ =	strace $0x80000048  }
0xb4: {  	_ =	swait.ge [sflag:s29], $0x1  }
0xb5: {  	[sflag:s29] =	ssyncadd.s32 $0xFFFFFFFF  }
0xb6: {  	_ =	strace $0x90000048  }
0xb7: {  	_ =	sfence  }
0xb8: {  	s30 =	sld [smem:$0x0];
	_ =	sdelay $0x2  }
0xb9: {  	s31 =	sshll.u32 s1, $0xD;
	s1 =	sshrl.u32 s1, $0x2  }
0xba: {  	s3 =	sand.u32 $0x4000, s31;
	s1 =	sadd.s32 s1, s30  }
0xbb: {  	s0 =	sor.u32 s3, s0;
	s1 =	sshll.u32 s1, $0x11  }
0xbc: {  	s0 =	sor.u32 s1, s0  }
0xbd: {  	s0 =	sadd.s32 $0x8F2B, s0  }
0xbe: {  	[sflag:s0] =	ssyncadd.remote.s32 $0x1  }
0xbf: {  	_ =	sfence.sel $0xFFFF  }
0xc0: {  	[dreg:$0x0] =	wrdreg $0xFFFFFFFF;
	(pc) =	sbr.abs _section_cstart, $3  }
0xc1: {  	[dreg:$0x1] =	wrdreg $0xFFFFFFFF  }
0xc2: {  	_ =	task.clear_ibuf [dreg:s7], $0x2FFFF;
	_ =	strace $0x9FFFFFFF  }
0xc3: {  	(tm) =	ssettm $0x7FFFFFFF  }
tec
execute0_lowered:
.L_overlay_start_1:
0x0: {  	(tag) =	ssettag $0x1  }
0x1: {  	s0 =	rddreg [dreg:$0x0]  }
0x2: {  	s2 =	rddreg [dreg:$0x1]  }
0x3: {  	s3 =	rddreg [dreg:$0x2];
	s4 =	simm.s32 $0x0;
	s16 =	stileid.u32  }
0x4: {  	s1 =	srdreg.scid;
	s28 =	simm.s32 $0x7;
	s30 =	simm.s32 $0x15000  }
0x5: {  	s31 =	simm.s32 $0x14000;
	s29 =	simm.s32 $0x3;
	s9 =	smul.u32 $0x278, s16  }
0x6: {  	[smem:$0x7FF] =	sst s4;
	s1 =	sand.u32 $0x1, s1;
	s11 =	smul.u32 $0x2780, s16  }
0x7: {  	s5 =	sadd.s32 $0x3C400, s0;
	s6 =	sadd.s32 $0x14C00, s0;
	s12 =	smul.u32 $0x4F000, s16  }
0x8: {  	s7 =	sadd.s32 $0xAA00, s0;
	s8 =	sadd.s32 $0x800, s0;
	s15 =	smul.u32 $0x50A0, s16  }
0x9: {  	_ =	strace $0x80000047;
	s10 =	smul.u32 $0x2780, s1;
	s13 =	ssub.s32 $0x2, s1  }
0xa: {  	s1 =	sshll.u32 s1, $0x6;
	s14 =	sshrl.u32 s13, $0x1;
	s12 =	sshrl.u32 s12, $0x2  }
0xb: {  	s11 =	sadd.s32 s11, s0;
	s26 =	ssub.s32 s13, s14;
	s12 =	sadd.s32 s12, s3  }
0xc: {  	s11 =	sadd.s32 $0x8B400, s11;
	s14 =	sshrl.u32 s15, $0x3;
	[dreg:$0x4] =	wrdreg s12  }
0xd: {  	s13 =	sshll.u32 s16, $0x6;
	[dreg:$0x5] =	wrdreg s11;
	s16 =	sadd.s32 s2, s14  }
0xe: {  	s11 =	sor.u32 $0x1C07, s13;
	s12 =	sadd.s32 s8, s14;
	[dreg:$0x6] =	wrdreg s16  }
0xf: {  	s13 =	sadd.s32 s7, s14;
	s24 =	smax.u32 s26, $0x1;
	[dreg:$0x7] =	wrdreg s12  }
0x10: {  	s23 =	sor.u32 $0x18500, s1;
	s17 =	sadd.s32 $0x6, s13;
	[dreg:$0xf] =	wrdreg s24  }
0x11: {  	s1 =	simm.s32 $0x30;
	s18 =	sadd.s32 $0xC, s13;
	[dreg:$0x8] =	wrdreg s17  }
0x12: {  	s9 =	sadd.s32 s9, s10;
	s19 =	sadd.s32 $0x12, s13;
	[dreg:$0x9] =	wrdreg s18  }
0x13: {  	v0 =	vmov s10;
	s10 =	simm.s32 $0x0;
	s20 =	sadd.s32 $0x18, s13;
	[dreg:$0xa] =	wrdreg s19  }
0x14: {  	s9 =	sshll.u32 s9, $0x4;
	s21 =	sadd.s32 $0x1E, s13;
	[dreg:$0xb] =	wrdreg s20  }
.Ltmp0:
0x15: {  	s22 =	sadd.s32 $0x24, s13;
	[dreg:$0xc] =	wrdreg s21;
	(pc) =	sbr.rel .LBB2_1-.Ltmp0, $4  }
0x16: {  	s0 =	sadd.s32 s9, s0;
	s25 =	sadd.s32 $0x2A, s13;
	[dreg:$0xd] =	wrdreg s22  }
0x17: {  	s26 =	sadd.s32 $0x30, s13;
	s9 =	simm.s32 $0x4;
	[dreg:$0x10] =	wrdreg s25  }
0x18: {  	s21 =	sadd.s32 $0x1E0, s15;
	s0 =	sadd.s32 $0xB2C00, s0;
	[dreg:$0x11] =	wrdreg s26  }
0x19: {  	v1 =	vmov s23;
	s26 =	sadd.s32 $0x36, s13;
	[dreg:$0xe] =	wrdreg s0;
	s0 =	simm.s32 $0x5  }
.LBB2_8:
0x1a: {  	_ =	swait.ge [sflag:s29], $0x1800  }
0x1b: {  	[sflag:s29] =	ssyncset.done $0x0  }
0x1c: {  	[sflag:s29] =	ssyncadd.s32 $0xFFFFE800  }
0x1d: {  	_ =	swait.ge [sflag:s9], $0x1800  }
0x1e: {  	[sflag:s9] =	ssyncset.done $0x0  }
0x1f: {  	[sflag:s9] =	ssyncadd.s32 $0xFFFFE800  }
0x20: {  	[bflag:$0x0] =	sbarrier.arrive $0xFFFF  }
0x21: {  	s14 =	rddreg [dreg:$0xe]  }
0x22: {  	[hbm:s14], [sflag:s11] =	dma.local [spmem:s12], $0x2780  }
0x23: {  	_ =	swait.ge [sflag:s28], $0x2780  }
0x24: {  	s10 =	sadd.s32 $0x1, s10;
	s25 =	rddreg [dreg:$0xf]  }
0x25: {  	p0 =	sne.s32 s10, s25  }
.Ltmp1:
0x26: {  	_ = 	snop;
	(pc) =	sbr.rel @!p0 .LBB2_9-.Ltmp1, $3  }
0x27: {  	_ =	sdelay $0x1  }
0x28: {  	[sflag:s28] =	ssyncset.done $0x0  }
0x29: {  	[sflag:s28] =	ssyncadd.s32 $0xFFFFD880  }
.LBB2_1:
0x2a: {  	s12 =	rddreg [dreg:$0x4]  }
0x2b: {  	s14 =	rddreg [dreg:$0x5];
	s12 =	sshrl.u32 s12, $0x3  }
0x2c: {  	[spmem:s12], [sflag:s11] =	dma.local [hbm:s14], $0x2780  }
0x2d: {  	_ =	swait.ge [sflag:s28], $0x2780  }
0x2e: {  	[sflag:s28] =	ssyncset.done $0x0  }
0x2f: {  	[sflag:s28] =	ssyncadd.s32 $0xFFFFD880  }
0x30: {  	[bflag:$0x0] =	sbarrier.arrive $0xFFFF  }
0x31: {  	s15 =	simm.s32 $0x13C00;
	s24 =	rddreg [dreg:$0x6]  }
0x32: {  	[tilespmem:s15], [sflag:$0x5] =	stream.linear.gather [hbm4b:s24+s4], $0x1E0, $0x38;
	[tilespmem:$0x1E500] =	vst v63  }
0x33: {  	s25 =	rddreg [dreg:$0x7]  }
0x34: {  	[tilespmem:s30], [sflag:$0x5] =	stream.linear.gather [hbm4b:s25+s4], $0x1E0, $0x38;
	[tilespmem:$0x1E500] =	vst v63  }
0x35: {  	_ = 	snop  }
0x36: {  	[tilespmem:s31], [sflag:$0x5] =	stream.linear.gather [hbm4b:s13+s4], $0x30, $0x38;
	[tilespmem:$0x1E500] =	vst v63  }
0x37: {  	s16 =	simm.s32 $0x14080;
	s15 =	rddreg [dreg:$0x8]  }
0x38: {  	[tilespmem:s16], [sflag:$0x5] =	stream.linear.gather [hbm4b:s15+s4], $0x30, $0x38;
	[tilespmem:$0x1E500] =	vst v63  }
0x39: {  	s18 =	simm.s32 $0x14100;
	s17 =	rddreg [dreg:$0x9]  }
0x3a: {  	[tilespmem:s18], [sflag:$0x5] =	stream.linear.gather [hbm4b:s17+s4], $0x30, $0x38;
	[tilespmem:$0x1E500] =	vst v63  }
0x3b: {  	s20 =	simm.s32 $0x14180;
	s19 =	rddreg [dreg:$0xa]  }
0x3c: {  	[tilespmem:s20], [sflag:$0x5] =	stream.linear.gather [hbm4b:s19+s4], $0x30, $0x38;
	[tilespmem:$0x1E500] =	vst v63  }
0x3d: {  	s23 =	simm.s32 $0x14200;
	s22 =	rddreg [dreg:$0xb]  }
0x3e: {  	[tilespmem:s23], [sflag:$0x5] =	stream.linear.gather [hbm4b:s22+s4], $0x30, $0x38;
	[tilespmem:$0x1E500] =	vst v63  }
0x3f: {  	s24 =	rddreg [dreg:$0xc];
	s25 =	simm.s32 $0x14280  }
0x40: {  	[tilespmem:s25], [sflag:$0x5] =	stream.linear.gather [hbm4b:s24+s4], $0x30, $0x38;
	[tilespmem:$0x1E500] =	vst v63  }
0x41: {  	s15 =	rddreg [dreg:$0xd];
	s16 =	simm.s32 $0x14300  }
0x42: {  	[tilespmem:s16], [sflag:$0x5] =	stream.linear.gather [hbm4b:s15+s4], $0x30, $0x38;
	[tilespmem:$0x1E500] =	vst v63  }
0x43: {  	s17 =	rddreg [dreg:$0x10];
	s18 =	simm.s32 $0x14380  }
0x44: {  	[tilespmem:s18], [sflag:$0x5] =	stream.linear.gather [hbm4b:s17+s4], $0x30, $0x38;
	[tilespmem:$0x1E500] =	vst v63  }
0x45: {  	s19 =	rddreg [dreg:$0x11];
	s20 =	simm.s32 $0x14400  }
0x46: {  	[tilespmem:s20], [sflag:$0x5] =	stream.linear.gather [hbm4b:s19+s4], $0x30, $0x38;
	[tilespmem:$0x1E500] =	vst v63  }
0x47: {  	s22 =	simm.s32 $0x14480  }
0x48: {  	[tilespmem:s22], [sflag:$0x5] =	stream.linear.gather [hbm4b:s26+s4], $0x30, $0x38;
	[tilespmem:$0x1E500] =	vst v63  }
0x49: {  	_ =	swait.ge [sflag:s0], $0x1E0  }
0x4a: {  	[sflag:s0] =	ssyncset.done $0x0  }
0x4b: {  	[sflag:s0] =	ssyncadd.s32 $0xFFFFFE20  }
0x4c: {  	_ =	swait.ge [sflag:s0], $0x1E0  }
0x4d: {  	[sflag:s0] =	ssyncset.done $0x0  }
0x4e: {  	[sflag:s0] =	ssyncadd.s32 $0xFFFFFE20  }
0x4f: {  	_ =	swait.ge [sflag:s0], $0x1E0  }
0x50: {  	[sflag:s0] =	ssyncset.done $0x0  }
0x51: {  	[sflag:s0] =	ssyncadd.s32 $0xFFFFFE20  }
0x52: {  	v2 =	vld [tilespmem:$0x13C00]  }
0x53: {  	v3 =	vld [tilespmem:$0x13C10]  }
0x54: {  	v4 =	vld [tilespmem:$0x13C20];
	_ =	sdelay $0x2  }
0x55: {  	v2 =	vadd.s32 v0, v2  }
0x56: {  	[tilespmem:$0x15400] =	vst v2;
	v2 =	vadd.s32 v0, v3  }
.Ltmp2:
0x57: {  	[tilespmem:$0x15410] =	vst v2;
	v2 =	vadd.s32 v0, v4;
	(pc) =	sbr.rel .LBB2_2-.Ltmp2, $4  }
0x58: {  	s23 =	simm.s32 $0x15400;
	s24 =	simm.s32 $0x15500;
	[tilespmem:$0x15420] =	vst v2  }
0x59: {  	[tilespmem:s24], [sflag:$0x1] =	stream.indirect.gather [hbm4b:s5+s1], $0x80, s23, s1, $0xb8;
	[tilespmem:$0x1E500] =	vst v63  }
0x5a: {  	s25 =	simm.s32 $0x18500;
	s17 =	simm.s32 $0x0  }
0x5b: {  	[tilespmem:s25], [sflag:$0x1] =	stream.indirect.gather [hbm4b:s6+s1], $0x80, s31, s1, $0xb8;
	[tilespmem:$0x1E500] =	vst v63  }
.LBB2_6:
0x5c: {  	s19 =	sadd.s32 $0x3, s15  }
0x5d: {  	_ =	swait.ge [sflag:s19], $0x1800  }
0x5e: {  	[sflag:s19] =	ssyncset.done $0x0  }
0x5f: {  	[sflag:s19] =	ssyncadd.s32 $0xFFFFE800  }
.LBB2_7:
0x60: {  	p0 =	sgt.u32 s17, $0x1A3  }
0x61: {  	s17 =	sand.u32 @!p0 $0xFFFF, s16  }
0x62: {  	p1 =	sne.s32 @!p0 s17, $0x1  }
0x63: {  	p0 =	por p1, p0  }
0x64: {  	s17 =	sand.u32 $0x1, s18;
	s18 =	smul.u32 @!p0 $0x1E0, s18  }
0x65: {  	s19 =	sxor.u32 @!p0 $0x1, s17  }
0x66: {  	s20 =	smul.u32 @!p0 $0x1E0, s19;
	s18 =	sadd.s32 @!p0 s18, s21  }
0x67: {  	s25 =	simm.s32 @!p0 $0x0;
	s18 =	sshrl.u32 @!p0 s18, $0x3  }
0x68: {  	s22 =	sadd.s32 @!p0 $0x5, s19;
	s23 =	sor.u32 @!p0 $0x13C00, s20;
	s24 =	sadd.s32 @!p0 s2, s18  }
0x69: {  	[tilespmem:s23], [sflag:s22] =	stream.linear.gather @!p0 [hbm4b:s24+s25], $0x1E0, $0x38;
	[tilespmem:$0x1E500] =	vst v63  }
0x6a: {  	s19 =	sshll.u32 @!p0 s19, $0xB;
	s20 =	sor.u32 @!p0 $0x15000, s20;
	s23 =	sadd.s32 @!p0 s8, s18  }
0x6b: {  	[tilespmem:s20], [sflag:s22] =	stream.linear.gather @!p0 [hbm4b:s23+s25], $0x1E0, $0x38;
	[tilespmem:$0x1E500] =	vst v63  }
0x6c: {  	s18 =	sadd.s32 @!p0 s7, s18;
	s20 =	sor.u32 @!p0 $0x14000, s19  }
0x6d: {  	[tilespmem:s20], [sflag:s22] =	stream.linear.gather @!p0 [hbm4b:s18+s25], $0x30, $0x38;
	[tilespmem:$0x1E500] =	vst v63  }
0x6e: {  	s23 =	sadd.s32 @!p0 $0x6, s18;
	s20 =	sor.u32 @!p0 $0x14080, s19  }
0x6f: {  	[tilespmem:s20], [sflag:s22] =	stream.linear.gather @!p0 [hbm4b:s23+s25], $0x30, $0x38;
	[tilespmem:$0x1E500] =	vst v63  }
0x70: {  	s20 =	sor.u32 @!p0 $0x14100, s19;
	s23 =	sadd.s32 @!p0 $0xC, s18  }
0x71: {  	[tilespmem:s20], [sflag:s22] =	stream.linear.gather @!p0 [hbm4b:s23+s25], $0x30, $0x38;
	[tilespmem:$0x1E500] =	vst v63  }
0x72: {  	s20 =	sor.u32 @!p0 $0x14180, s19;
	s23 =	sadd.s32 @!p0 $0x12, s18  }
0x73: {  	[tilespmem:s20], [sflag:s22] =	stream.linear.gather @!p0 [hbm4b:s23+s25], $0x30, $0x38;
	[tilespmem:$0x1E500] =	vst v63  }
0x74: {  	s20 =	sor.u32 @!p0 $0x14200, s19;
	s23 =	sadd.s32 @!p0 $0x18, s18  }
0x75: {  	[tilespmem:s20], [sflag:s22] =	stream.linear.gather @!p0 [hbm4b:s23+s25], $0x30, $0x38;
	[tilespmem:$0x1E500] =	vst v63  }
0x76: {  	s20 =	sor.u32 @!p0 $0x14280, s19;
	s23 =	sadd.s32 @!p0 $0x1E, s18  }
0x77: {  	[tilespmem:s20], [sflag:s22] =	stream.linear.gather @!p0 [hbm4b:s23+s25], $0x30, $0x38;
	[tilespmem:$0x1E500] =	vst v63  }
0x78: {  	s20 =	sor.u32 @!p0 $0x14300, s19;
	s23 =	sadd.s32 @!p0 $0x24, s18  }
0x79: {  	[tilespmem:s20], [sflag:s22] =	stream.linear.gather @!p0 [hbm4b:s23+s25], $0x30, $0x38;
	[tilespmem:$0x1E500] =	vst v63  }
0x7a: {  	s20 =	sor.u32 @!p0 $0x14380, s19;
	s23 =	sadd.s32 @!p0 $0x2A, s18  }
0x7b: {  	[tilespmem:s20], [sflag:s22] =	stream.linear.gather @!p0 [hbm4b:s23+s25], $0x30, $0x38;
	[tilespmem:$0x1E500] =	vst v63  }
0x7c: {  	s20 =	sor.u32 @!p0 $0x14400, s19;
	s23 =	sadd.s32 @!p0 $0x30, s18  }
0x7d: {  	[tilespmem:s20], [sflag:s22] =	stream.linear.gather @!p0 [hbm4b:s23+s25], $0x30, $0x38;
	[tilespmem:$0x1E500] =	vst v63  }
0x7e: {  	s24 =	sadd.s32 $0x1, s15;
	s19 =	sor.u32 @!p0 $0x14480, s19;
	s18 =	sadd.s32 @!p0 $0x36, s18  }
0x7f: {  	[tilespmem:s19], [sflag:s22] =	stream.linear.gather @!p0 [hbm4b:s18+s25], $0x30, $0x38;
	[tilespmem:$0x1E500] =	vst v63  }
0x80: {  	_ =	swait.ge [sflag:s24], $0x1800  }
0x81: {  	s20 =	smul.u32 $0x1E0, s17;
	s25 =	sand.u32 $0xFFFF, s16;
	[sflag:s24] =	ssyncset.done $0x0  }
0x82: {  	s22 =	smul.u32 $0x30, s25;
	[sflag:s24] =	ssyncadd.s32 $0xFFFFE800  }
0x83: {  	_ =	swait.ge [sflag:s24], $0x1800  }
0x84: {  	s23 =	smul.u32 $0x1800, s15;
	s19 =	sadd.s32 s22, s20;
	[sflag:s24] =	ssyncset.done $0x0  }
0x85: {  	v2 =	vmov s19;
	[sflag:s24] =	ssyncadd.s32 $0xFFFFE800  }
0x86: {  	v2 =	vbroadcast v2, $0x0;
	v3 =	vld [tilespmem:s23+$0x15500]  }
0x87: {  	v4 =	vld.idx.msk [tilespmem:v1+s23+$0x0 ss:$0x1], $0xffff;
	_ =	sdelay $0x4  }
0x88: {  	v2 =	vld.idx.msk [tilespmem:v2+s30+$0x0], $0xffff;
	v3 =	vadd.f32 v4, v3;
	_ =	sdelay $0x1  }
0x89: {  	v4 =	vmul.f32 $2.500000000e-01, v3;
	_ =	sdelay $0x1  }
0x8a: {  	v3 =	vmax.f32 v3, v4  }
0x8b: {  	v3 =	vmul.f32 v3, v2;
	_ =	sdelay $0x1  }
0x8c: {  	v3 =	vmul.f32 $1.442695020e+00, v3;
	_ =	sdelay $0x1  }
0x8d: {  	(erf) = vpow2.f32 v3;
	_ =	sdelay $0x4  }
0x8e: {  	v3 =	vld [tilespmem:s23+$0x15540];
	_ =	sdelay $0x3  }
0x8f: {  	v61 =	vpop (erf)  }
0x90: {  	v3 =	vmul.f32 v61, v3  }
0x91: {  	[tilespmem:s23+$0x1B500] =	vst v61  }
0x92: {  	[tilespmem:s23+$0x1B540] =	vst v3;
	v3 =	vld [tilespmem:s23+$0x15510]  }
0x93: {  	v4 =	vld.idx.msk [tilespmem:v1+s23+$0x10 ss:$0x1], $0xffff;
	_ =	sdelay $0x4  }
0x94: {  	v3 =	vadd.f32 v4, v3;
	_ =	sdelay $0x1  }
0x95: {  	v4 =	vmul.f32 $2.500000000e-01, v3;
	_ =	sdelay $0x1  }
0x96: {  	v3 =	vmax.f32 v3, v4  }
0x97: {  	v3 =	vmul.f32 v3, v2;
	_ =	sdelay $0x1  }
0x98: {  	v3 =	vmul.f32 $1.442695020e+00, v3;
	_ =	sdelay $0x1  }
0x99: {  	(erf) = vpow2.f32 v3;
	_ =	sdelay $0x4  }
0x9a: {  	v3 =	vld [tilespmem:s23+$0x15550];
	_ =	sdelay $0x3  }
0x9b: {  	v62 =	vpop (erf)  }
0x9c: {  	v3 =	vmul.f32 v62, v3  }
0x9d: {  	[tilespmem:s23+$0x1B510] =	vst v62  }
0x9e: {  	[tilespmem:s23+$0x1B550] =	vst v3;
	v3 =	vld [tilespmem:s23+$0x15520]  }
0x9f: {  	v4 =	vld.idx.msk [tilespmem:v1+s23+$0x20 ss:$0x1], $0xffff;
	_ =	sdelay $0x4  }
0xa0: {  	v3 =	vadd.f32 v4, v3;
	_ =	sdelay $0x1  }
0xa1: {  	v4 =	vmul.f32 $2.500000000e-01, v3;
	_ =	sdelay $0x1  }
0xa2: {  	v3 =	vmax.f32 v3, v4  }
0xa3: {  	v3 =	vmul.f32 v3, v2;
	_ =	sdelay $0x1  }
0xa4: {  	v3 =	vmul.f32 $1.442695020e+00, v3;
	_ =	sdelay $0x1  }
0xa5: {  	(erf) = vpow2.f32 v3;
	_ =	sdelay $0x4  }
0xa6: {  	v3 =	vld [tilespmem:s23+$0x15560];
	_ =	sdelay $0x3  }
0xa7: {  	v63 =	vpop (erf)  }
0xa8: {  	v3 =	vmul.f32 v63, v3  }
0xa9: {  	[tilespmem:s23+$0x1B520] =	vst v63  }
0xaa: {  	[tilespmem:s23+$0x1B560] =	vst v3;
	v3 =	vld [tilespmem:s23+$0x15530]  }
0xab: {  	v4 =	vld.idx.msk [tilespmem:v1+s23+$0x30 ss:$0x1], $0xffff;
	_ =	sdelay $0x4  }
0xac: {  	v3 =	vadd.f32 v4, v3;
	_ =	sdelay $0x1  }
0xad: {  	v4 =	vmul.f32 $2.500000000e-01, v3;
	_ =	sdelay $0x1  }
0xae: {  	v3 =	vmax.f32 v3, v4  }
0xaf: {  	v2 =	vmul.f32 v3, v2;
	_ =	sdelay $0x1  }
0xb0: {  	v2 =	vmul.f32 $1.442695020e+00, v2;
	_ =	sdelay $0x1  }
0xb1: {  	(erf) = vpow2.f32 v2;
	_ =	sdelay $0x4  }
0xb2: {  	v2 =	vld [tilespmem:s23+$0x15570];
	_ =	sdelay $0x2  }
0xb3: {  	p0 =	sne.s32 s14, $0x1AE  }
.Ltmp3:
0xb4: {  	v3 =	vpop (erf);
	(pc) =	sbr.rel @!p0 .LBB2_8-.Ltmp3, $4  }
0xb5: {  	s17 =	sshll.u32 s17, $0xB;
	s16 =	sshll.u32 s25, $0x7;
	v2 =	vmul.f32 v3, v2  }
0xb6: {  	s25 =	sadd.s32 $0x3, s15;
	s16 =	sadd.s32 s16, s17;
	[tilespmem:s23+$0x1B530] =	vst v3  }
0xb7: {  	s17 =	smov.u32 s14;
	s16 =	sadd.s32 $0x14000, s16;
	s24 =	sadd.s32 $0x1B500, s23;
	[tilespmem:s23+$0x1B570] =	vst v2  }
0xb8: {  	[spmem:s3] =	stream.indirect.scatter.add.f32 [tilespmem:s24], [sflag:s25], $0x80, s16, s1, $0xb8;
	[tilespmem:$0x1E500] =	vst v63  }
.LBB2_2:
0xb9: {  	s14 =	smul.u32 $0xCCCD, s17;
	_ =	sdelay $0x1  }
0xba: {  	s18 =	sshrl.u32 s14, $0x13  }
0xbb: {  	s15 =	smul.u32 $0xA, s18;
	_ =	sdelay $0x1  }
0xbc: {  	p0 =	seq.s32 s17, $0x1AD;
	s16 =	ssub.s32 s17, s15  }
0xbd: {  	s15 =	sand.u32 @!p0 $0xFFFF, s16  }
0xbe: {  	p1 =	sne.s32 @!p0 s15, $0x9  }
0xbf: {  	p1 =	por p0, p1  }
.Ltmp4:
0xc0: {  	_ = 	snop;
	(pc) =	sbr.rel @p1 .LBB2_4-.Ltmp4, $4  }
0xc1: {  	_ = 	snop  }
0xc2: {  	s14 =	sadd.s32 $0xCCCD, s14  }
0xc3: {  	s20 =	sshrl.u32 s14, $0x13  }
0xc4: {  	s14 =	sadd.s32 $0x1, s17;
	s19 =	sand.u32 $0x1, s20;
	s15 =	sand.u32 $0x1, s17  }
0xc5: {  	s22 =	sadd.s32 $0x5, s19  }
0xc6: {  	_ =	swait.ge [sflag:s22], $0x1E0  }
0xc7: {  	[sflag:s22] =	ssyncset.done $0x0  }
0xc8: {  	[sflag:s22] =	ssyncadd.s32 $0xFFFFFE20  }
0xc9: {  	_ =	swait.ge [sflag:s22], $0x1E0  }
0xca: {  	[sflag:s22] =	ssyncset.done $0x0  }
0xcb: {  	[sflag:s22] =	ssyncadd.s32 $0xFFFFFE20  }
0xcc: {  	_ =	swait.ge [sflag:s22], $0x1E0  }
0xcd: {  	[sflag:s22] =	ssyncset.done $0x0  }
0xce: {  	[sflag:s22] =	ssyncadd.s32 $0xFFFFFE20  }
.LBB2_5:
0xcf: {  	s20 =	smul.u32 $0xA, s20;
	_ =	sdelay $0x1  }
0xd0: {  	s20 =	ssub.s32 s14, s20  }
0xd1: {  	s22 =	smul.u32 $0x780, s19;
	s20 =	sand.u32 $0xFFFF, s20  }
0xd2: {  	s23 =	smul.u32 $0xC0, s20;
	_ =	sdelay $0x1  }
0xd3: {  	s22 =	sshrl.u32 s22, $0x2;
	s23 =	sshrl.u32 s23, $0x2  }
0xd4: {  	s22 =	sadd.s32 s23, s22  }
0xd5: {  	v2 =	vld [tilespmem:s22+$0x13C00];
	_ =	sdelay $0x3  }
0xd6: {  	s23 =	sand.u32 $0x1, s14  }
0xd7: {  	s24 =	sshll.u32 s23, $0x7;
	v2 =	vadd.s32 v0, v2  }
0xd8: {  	s22 =	sadd.s32 $0x13C00, s22;
	[tilespmem:s24+$0x15400] =	vst v2  }
0xd9: {  	v2 =	vld [tilespmem:s22+$0x10];
	_ =	sdelay $0x4  }
0xda: {  	v2 =	vadd.s32 v0, v2  }
0xdb: {  	[tilespmem:s24+$0x15410] =	vst v2  }
0xdc: {  	v2 =	vld [tilespmem:s22+$0x20];
	_ =	sdelay $0x3  }
0xdd: {  	s22 =	smul.u32 $0x1800, s23  }
0xde: {  	p0 =	slt.u32 s17, $0x2;
	v2 =	vadd.s32 v0, v2  }
0xdf: {  	s25 =	sor.u32 $0x15400, s24;
	s23 =	sadd.s32 $0x1, s23;
	[tilespmem:s24+$0x15420] =	vst v2;
	s24 =	sadd.s32 $0x15500, s22  }
0xe0: {  	[tilespmem:s24], [sflag:s23] =	stream.indirect.gather [hbm4b:s5+s1], $0x80, s25, s1, $0xb8;
	[tilespmem:$0x1E500] =	vst v63  }
.Ltmp5:
0xe1: {  	_ = 	snop;
	(pc) =	sbr.rel @p0 .LBB2_7-.Ltmp5, $4  }
.Ltmp6:
0xe2: {  	s20 =	sshll.u32 s20, $0x7;
	s24 =	sshll.u32 s19, $0xB;
	(pc) =	sbr.rel @!p0 .LBB2_6-.Ltmp6, $4  }
0xe3: {  	s19 =	sadd.s32 s20, s24  }
0xe4: {  	s25 =	sor.u32 $0x18500, s22;
	s19 =	sadd.s32 $0x14000, s19  }
0xe5: {  	[tilespmem:s25], [sflag:s23] =	stream.indirect.gather [hbm4b:s6+s1], $0x80, s19, s1, $0xb8;
	[tilespmem:$0x1E500] =	vst v63  }
0xe6: {  	_ = 	snop  }
.LBB2_4:
.Ltmp7:
0xe7: {  	(pc) =	sbr.rel @p0 .LBB2_6-.Ltmp7, $4  }
.Ltmp8:
0xe8: {  	(pc) =	sbr.rel @!p0 .LBB2_5-.Ltmp8, $4  }
0xe9: {  	_ = 	snop  }
0xea: {  	_ = 	snop  }
0xeb: {  	_ = 	snop  }
0xec: {  	_ = 	snop  }
.LBB2_9:
0xed: {  	_ =	sfence.sel $0x180000  }
0xee: {  	[bflag:$0x0] =	sbarrier.arrive $0xFFFF  }
0xef: {  	_ =	strace $0x90000047  }
0xf0: {  	s0 =	stileid.u32;
	[bflag:$0x2] =	sbarrier.arrive $0xFFFF  }
0xf1: {  	p0 =	sne.s32 s0, $0x0;
	s0 =	rddreg [dreg:$0x3]  }
0xf2: {  	s0 =	sadd.s32 @!p0 $0x100000, s0  }
0xf3: {  	[sflag:s0] =	ssyncadd.tile.s32 @!p0 $0x1;
	_ =	shalt  }
.Lfunc_end2:
_tile_overlayer_lowered:
.L_overlay_start_2:
0xf4: {  	(tag) =	ssettag $0x2  }
0xf5: {  	s0 =	rddreg [dreg:$0x0];
	s2 =	stileid.u32  }
0xf6: {  	s1 =	rddreg [dreg:$0x1];
	p0 =	sne.s32 s2, $0x0  }
0xf7: {  	s3 =	rddreg [dreg:$0x2];
	[bflag:$0x3] =	sbarrier.arrive $0xFFFF;
	s2 =	simm.s32 @!p0 $0x1C07  }
0xf8: {  	[timem:s3], [sflag:s2] =	dma.local @!p0 [hbm:s0], s1  }
0xf9: {  	s0 =	simm.s32 @!p0 $0x7  }
0xfa: {  	_ =	swait.ge @!p0 [sflag:s0], s1  }
0xfb: {  	s1 =	ssub.s32 @!p0 $0x0, s1;
	[sflag:s0] =	ssyncset.done @!p0 $0x0  }
0xfc: {  	[sflag:s0] =	ssyncadd.s32 @!p0 s1  }
0xfd: {  	[bflag:$0x3] =	sbarrier.arrive $0xFFFF  }
0xfe: {  	_ =	shalt  }

</sc_bundles>
